<compile_context>
chip_gen: v7x
topology: tpu7x:2x2x1
jax: 0.10.2.dev20260603
libtpu: 0.0.44.dev20260713+nightly
codegen_flags: <defaults>
</compile_context>

<pallas_src>
import functools

import jax
import jax.numpy as jnp
from jax import lax
from jax.experimental import pallas as pl
from jax.experimental.pallas import tpu as pltpu
from jax.experimental.pallas import tpu_sc as plsc

_N = 10000
_E = 320000
_B = 128
_NBAT = _E // _B
_NT = 32
_BASE_BAT = _NBAT // _NT
_EXTRA = _NBAT - _BASE_BAT * _NT
_NPAD = 10240
_ZR = _NPAD // 16
_DW = 128
_RB = 1000
_G = _N // _RB


def _tile_batches(wid):
  nbat = _BASE_BAT + (wid < _EXTRA).astype(jnp.int32)
  base = wid * _BASE_BAT + jnp.minimum(wid, _EXTRA)
  return nbat, base


def _make_seg_sum(D):
  mesh = plsc.VectorSubcoreMesh(core_axis_name="c", subcore_axis_name="s")
  out_type = [jax.ShapeDtypeStruct((_NPAD, D), jnp.float32),
              jax.ShapeDtypeStruct((_NPAD, D), jnp.float32)]
  scratch = [
      pltpu.VMEM((_B,), jnp.int32),
      pltpu.VMEM((_B,), jnp.int32),
      pltpu.VMEM((_B,), jnp.int32),
      pltpu.VMEM((_B,), jnp.int32),
      pltpu.VMEM((_B, D), jnp.float32),
      pltpu.VMEM((_B, D), jnp.float32),
      pltpu.VMEM_SHARED((_NPAD, D), jnp.float32),
      pltpu.SemaphoreType.DMA,
      pltpu.SemaphoreType.DMA,
      pltpu.SemaphoreType.DMA,
      pltpu.SemaphoreType.DMA,
  ]

  def body(edges_hbm, y_hbm, zero_hbm, p0_hbm, p1_hbm,
           srcv0, srcv1, dstv0, dstv1, buf0, buf1, acc, gsem, isem,
           ssem0, ssem1):
    c = lax.axis_index("c")
    s = lax.axis_index("s")
    wid = s * 2 + c
    nchunk = _ZR // _B
    srcvs = (srcv0, srcv1)
    dstvs = (dstv0, dstv1)
    bufs = (buf0, buf1)
    nbat, base = _tile_batches(wid)

    pltpu.sync_copy(zero_hbm, buf0)

    def zinit(k, carry):
      pltpu.sync_copy(buf0, acc.at[pl.ds(s * _ZR + k * _B, _B)])
      return carry

    lax.fori_loop(0, nchunk, zinit, 0)
    plsc.subcore_barrier()

    def idx_start(j, b):
      off = (base + j) * _B
      pltpu.make_async_copy(edges_hbm.at[pl.ds(off, _B)], srcvs[b],
                            isem).start()
      pltpu.make_async_copy(edges_hbm.at[pl.ds(_E + off, _B)], dstvs[b],
                            isem).start()

    def idx_wait(b):
      pltpu.make_async_copy(edges_hbm.at[pl.ds(0, _B)], srcvs[b], isem).wait()
      pltpu.make_async_copy(edges_hbm.at[pl.ds(0, _B)], dstvs[b], isem).wait()

    def gather_start(b):
      pltpu.make_async_copy(y_hbm.at[srcvs[b]], bufs[b], gsem).start()

    def gather_wait(b):
      pltpu.make_async_copy(y_hbm.at[srcvs[b]], bufs[b], gsem).wait()

    ssems = (ssem0, ssem1)

    def scat_start(b):
      pltpu.make_async_copy(bufs[b], acc.at[dstvs[b]], ssems[b]).start(add=True)

    def scat_wait(b):
      pltpu.make_async_copy(bufs[b], acc.at[dstvs[b]], ssems[b]).wait()

    idx_start(0, 0)
    idx_wait(0)
    gather_start(0)

    def group(g, carry):
      for b in range(2):
        j = g * 2 + b
        nxt = 1 - b

        @pl.when(j < nbat - 1)
        def _():
          idx_start(j + 1, nxt)

        gather_wait(b)

        @pl.when(j < nbat - 1)
        def _():
          idx_wait(nxt)

          @pl.when(j > 0)
          def _():
            scat_wait(nxt)

          gather_start(nxt)

        scat_start(b)
      return carry

    lax.fori_loop(0, nbat // 2, group, 0)

    @pl.when(nbat % 2 == 1)
    def _():
      scat_wait(1)
      gather_wait(0)
      scat_start(0)
      scat_wait(0)

    @pl.when(nbat % 2 == 0)
    def _():
      scat_wait(0)
      scat_wait(1)

    plsc.subcore_barrier()

    def out_chunk(k, carry):
      sl = pl.ds(s * _ZR + k * _B, _B)
      pltpu.sync_copy(acc.at[sl], buf0)

      @pl.when(c == 0)
      def _():
        pltpu.sync_copy(buf0, p0_hbm.at[sl])

      @pl.when(c == 1)
      def _():
        pltpu.sync_copy(buf0, p1_hbm.at[sl])

      return carry

    lax.fori_loop(0, nchunk, out_chunk, 0)

  return pl.kernel(body, mesh=mesh, out_type=out_type, scratch_types=scratch)


@functools.cache
def _seg_sum(D):
  return _make_seg_sum(D)


def _make_deg():
  mesh = plsc.VectorSubcoreMesh(core_axis_name="c", subcore_axis_name="s")
  out_type = [jax.ShapeDtypeStruct((_NPAD, _DW), jnp.float32),
              jax.ShapeDtypeStruct((_NPAD, _DW), jnp.float32)]
  scratch = [
      pltpu.VMEM((_B,), jnp.int32),
      pltpu.VMEM((_B,), jnp.int32),
      pltpu.VMEM((_B, _DW), jnp.float32),
      pltpu.VMEM((_B, _DW), jnp.float32),
      pltpu.VMEM_SHARED((_NPAD, _DW), jnp.float32),
      pltpu.SemaphoreType.DMA,
  ]

  def body(edges_hbm, ones_hbm, zero_hbm, d0_hbm, d1_hbm,
           dstv0, dstv1, onesv, bncv, dacc, isem):
    c = lax.axis_index("c")
    s = lax.axis_index("s")
    wid = s * 2 + c
    nchunk = _ZR // _B
    dstvs = (dstv0, dstv1)
    nbat, base = _tile_batches(wid)

    pltpu.sync_copy(zero_hbm, bncv)

    def zinit(k, carry):
      pltpu.sync_copy(bncv, dacc.at[pl.ds(s * _ZR + k * _B, _B)])
      return carry

    lax.fori_loop(0, nchunk, zinit, 0)
    pltpu.sync_copy(ones_hbm, onesv)
    plsc.subcore_barrier()

    def idx_start(j, b):
      pltpu.make_async_copy(edges_hbm.at[pl.ds(_E + (base + j) * _B, _B)],
                            dstvs[b], isem).start()

    def idx_wait(b):
      pltpu.make_async_copy(edges_hbm.at[pl.ds(0, _B)], dstvs[b], isem).wait()

    idx_start(0, 0)

    def group(g, carry):
      for b in range(2):
        j = g * 2 + b

        @pl.when(j < nbat - 1)
        def _():
          idx_start(j + 1, 1 - b)

        idx_wait(b)
        pltpu.sync_copy(onesv, dacc.at[dstvs[b]], add=True)
      return carry

    lax.fori_loop(0, nbat // 2, group, 0)

    @pl.when(nbat % 2 == 1)
    def _():
      idx_wait(0)
      pltpu.sync_copy(onesv, dacc.at[dstvs[0]], add=True)

    plsc.subcore_barrier()

    def out_chunk(k, carry):
      sl = pl.ds(s * _ZR + k * _B, _B)
      pltpu.sync_copy(dacc.at[sl], bncv)

      @pl.when(c == 0)
      def _():
        pltpu.sync_copy(bncv, d0_hbm.at[sl])

      @pl.when(c == 1)
      def _():
        pltpu.sync_copy(bncv, d1_hbm.at[sl])

      return carry

    lax.fori_loop(0, nchunk, out_chunk, 0)

  return pl.kernel(body, mesh=mesh, out_type=out_type, scratch_types=scratch)


@functools.cache
def _deg_kernel():
  return _make_deg()


def _dot_t(a, w):
  return lax.dot_general(a, w, (((1,), (1,)), ((), ())),
                         preferred_element_type=jnp.float32)


def _tc1_body(x_ref, wr_ref, b_ref, z_ref):
  z_ref[...] = _dot_t(x_ref[...], wr_ref[...]) + b_ref[0:1, :]


def _tc2_body(p0, p1, d0, d1, z1, w1l, w2r, b2, h_ref, z2_ref):
  deg = jnp.maximum((d0[...] + d1[...])[:, 0:1], 1.0)
  agg = (p0[...] + p1[...]) / deg
  h = jnp.maximum(_dot_t(agg, w1l[...]) + z1[...], 0.0)
  h_ref[...] = h
  z2_ref[...] = _dot_t(h, w2r[...]) + b2[0:1, :]


def _tc3_body(q0, q1, d0, d1, z2, w2l, out):
  deg = jnp.maximum((d0[...] + d1[...])[:, 0:1], 1.0)
  agg = (q0[...] + q1[...]) / deg
  o = _dot_t(agg, w2l[...]) + z2[...]
  e = o - jnp.max(o, axis=1, keepdims=True)
  out[...] = e - jnp.log(jnp.sum(jnp.exp(e), axis=1, keepdims=True))


def _rows(w):
  return pl.BlockSpec((_RB, w), lambda i: (i, 0))


def _full(h, w):
  return pl.BlockSpec((h, w), lambda i: (0, 0))


_tc1 = pl.pallas_call(
    _tc1_body,
    grid=(_G,),
    in_specs=[_rows(128), _full(128, 128), _full(8, 128)],
    out_specs=_rows(128),
    out_shape=jax.ShapeDtypeStruct((_N, 128), jnp.float32),
)

_tc2 = pl.pallas_call(
    _tc2_body,
    grid=(_G,),
    in_specs=[_rows(128), _rows(128), _rows(_DW), _rows(_DW), _rows(128),
              _full(128, 128), _full(64, 128), _full(8, 64)],
    out_specs=[_rows(128), _rows(64)],
    out_shape=[jax.ShapeDtypeStruct((_N, 128), jnp.float32),
               jax.ShapeDtypeStruct((_N, 64), jnp.float32)],
)

_tc3 = pl.pallas_call(
    _tc3_body,
    grid=(_G,),
    in_specs=[_rows(128), _rows(128), _rows(_DW), _rows(_DW), _rows(64),
              _full(64, 128)],
    out_specs=_rows(64),
    out_shape=jax.ShapeDtypeStruct((_N, 64), jnp.float32),
)


def kernel(x, edge_index, W1l, W1r, b1, W2l, W2r, b2):
  edges = edge_index.astype(jnp.int32).reshape(2 * _E)
  z128 = jnp.zeros((_B, 128), jnp.float32)
  zdw = jnp.zeros((_B, _DW), jnp.float32)
  onesdw = jnp.ones((_B, _DW), jnp.float32)
  b1b = jnp.broadcast_to(b1.reshape(1, -1), (8, 128))
  b2b = jnp.broadcast_to(b2.reshape(1, -1), (8, 64))

  z1 = _tc1(x, W1r, b1b)
  d0, d1 = _deg_kernel()(edges, onesdw, zdw)
  p0, p1 = _seg_sum(128)(edges, x, z128)
  h, z2 = _tc2(p0, p1, d0, d1, z1, W1l, W2r, b2b)
  q0, q1 = _seg_sum(128)(edges, h, z128)
  return _tc3(q0, q1, d0, d1, z2, W2l)

# --- scband reference (transcript-rebuilt; emitter-appended) ---
"""Pipeline reference for scband-graph-sagemodel-13305808683556 (READ-ONLY COPY).

The authoritative reference and input builder live on the scoring server;
editing this copy changes nothing except your own understanding.
"""

import jax, jax.numpy as jnp
import numpy as np

N = 10000
E = 320000
D_IN = 128
D_H = 128
D_OUT = 64


def setup_inputs(seed: int = 0) -> dict:
    key = jax.random.key(seed)
    ks = jax.random.split(key, 10)
    x = jax.random.normal(ks[0], (N, D_IN), dtype=jnp.float32)
    edge_index = jax.random.randint(ks[1], (2, E), 0, N)
    W1l = jax.random.normal(ks[2], (D_H, D_IN), dtype=jnp.float32) * 0.05
    W1r = jax.random.normal(ks[3], (D_H, D_IN), dtype=jnp.float32) * 0.05
    b1 = jnp.zeros((D_H,), dtype=jnp.float32)
    W2l = jax.random.normal(ks[4], (D_OUT, D_H), dtype=jnp.float32) * 0.05
    W2r = jax.random.normal(ks[5], (D_OUT, D_H), dtype=jnp.float32) * 0.05
    b2 = jnp.zeros((D_OUT,), dtype=jnp.float32)
    return {"x": x, "edge_index": edge_index, "W1l": W1l, "W1r": W1r, "b1": b1,
            "W2l": W2l, "W2r": W2r, "b2": b2}


def _sage_layer(x, src, dst, Wl, Wr, b):
    # PyG SAGEConv with mean aggregation:
    # out = lin_l(mean_{j in N(i)} x_j) + lin_r(x_i)
    msgs = x[src]
    agg = jax.ops.segment_sum(msgs, dst, num_segments=N)
    deg = jax.ops.segment_sum(jnp.ones((src.shape[0], 1), x.dtype), dst, num_segments=N)
    agg = agg / jnp.maximum(deg, 1.0)
    return agg @ Wl.T + x @ Wr.T + b


def reference(x, edge_index, W1l, W1r, b1, W2l, W2r, b2):
    src = edge_index[0]
    dst = edge_index[1]
    h = _sage_layer(x, src, dst, W1l, W1r, b1)
    h = jax.nn.relu(h)
    # dropout is identity in eval mode
    out = _sage_layer(h, src, dst, W2l, W2r, b2)
    return jax.nn.log_softmax(out, axis=1)

if __name__ == "__main__":
    import jax
    _d = setup_inputs()
    print(jax.jit(kernel)(*tuple(_d.values())))

</pallas_src>

<mosaic_0001>
#map = affine_map<(d0, d1) -> (0)>
#map1 = affine_map<(d0, d1) -> (0, 0)>
module attributes {stable_mosaic.version = 14 : i64} {
  func.func @body(%arg0: i32, %arg1: i32, %arg2: memref<640000xi32, #tpu.memory_space<hbm>>, %arg3: memref<128x128xf32, #tpu.memory_space<hbm>>, %arg4: memref<128x128xf32, #tpu.memory_space<hbm>>, %arg5: memref<10240x128xf32, #tpu.memory_space<hbm>>, %arg6: memref<10240x128xf32, #tpu.memory_space<hbm>>, %arg7: memref<128xi32, #tpu.memory_space<vmem>>, %arg8: memref<128xi32, #tpu.memory_space<vmem>>, %arg9: memref<128x128xf32, #tpu.memory_space<vmem>>, %arg10: memref<128x128xf32, #tpu.memory_space<vmem>>, %arg11: memref<10240x128xf32, #tpu.memory_space<vmem_shared>>, %arg12: memref<!tpu.dma_semaphore, #tpu.memory_space<semaphore_mem>>) attributes {dimension_semantics = [#tpu.dimension_semantics<core_parallel>, #tpu.dimension_semantics<subcore_parallel>], iteration_bounds = array<i64: 2, 16>, scalar_prefetch = 0 : i64, scratch_operands = 6 : i64, tpu.core_type = #tpu.core_type<sc_vector_subcore>, window_params = [{transform_indices = #map}, {transform_indices = #map1}, {transform_indices = #map1}, {transform_indices = #map1}, {transform_indices = #map1}]} {
    %mul3A = arith.constant 2 : i32
    %mul3A_0 = arith.muli %arg1, %mul3A : i32
    %add3A = arith.addi %mul3A_0, %arg0 : i32
    %lt3A = arith.constant 4 : i32
    %lt3A_1 = arith.cmpi slt, %add3A, %lt3A : i32
    %convert_element_type3A = arith.extui %lt3A_1 : i1 to i32
    %add3A_2 = arith.constant 78 : i32
    %add3A_3 = arith.addi %add3A_2, %convert_element_type3A : i32
    %mul3A_4 = arith.constant 78 : i32
    %mul3A_5 = arith.muli %add3A, %mul3A_4 : i32
    %min3A = arith.constant 4 : i32
    %min3A_6 = arith.minsi %add3A, %min3A : i32
    %add3A_7 = arith.addi %mul3A_5, %min3A_6 : i32
    "tpu.region"() ({
      %run_scoped3A = tpu.sem_alloc : memref<!tpu.dma_semaphore, #tpu.memory_space<semaphore_mem>>
      tpu.enqueue_dma source(%arg4 : memref<128x128xf32, #tpu.memory_space<hbm>>) target(%arg10 : memref<128x128xf32, #tpu.memory_space<vmem>>) target_semaphore(%run_scoped3A : memref<!tpu.dma_semaphore, #tpu.memory_space<semaphore_mem>>)
      tpu.wait_dma2 semaphore(%run_scoped3A : memref<!tpu.dma_semaphore, #tpu.memory_space<semaphore_mem>>) src(%arg4 : memref<128x128xf32, #tpu.memory_space<hbm>>) dst(%arg10 : memref<128x128xf32, #tpu.memory_space<vmem>>)
      tpu.yield
    }) : () -> ()
    %scan3A = arith.constant 0 : i32
    %scan3A_8 = arith.constant 0 : i32
    %scan3A_9 = arith.constant 5 : i32
    %scan3A_10 = arith.addi %scan3A_8, %scan3A_9 : i32
    %scan3A_11 = arith.constant 1 : i32
    scf.for %scan3A_71 = %scan3A_8 to %scan3A_10 step %scan3A_11  : i32 {
      %mul3A_72 = arith.constant 640 : i32
      %mul3A_73 = arith.muli %arg1, %mul3A_72 : i32
      %mul3A_74 = arith.constant 128 : i32
      %mul3A_75 = arith.muli %scan3A_71, %mul3A_74 : i32
      %add3A_76 = arith.addi %mul3A_73, %mul3A_75 : i32
      "tpu.region"() ({
        %run_scoped3A = tpu.sem_alloc : memref<!tpu.dma_semaphore, #tpu.memory_space<semaphore_mem>>
        %dma_start3A_77 = arith.constant 0 : i32
        %dma_start3A_78 = tpu.memref_slice %arg11[%add3A_76, %dma_start3A_77] : memref<10240x128xf32, #tpu.memory_space<vmem_shared>> -> memref<128x128xf32, #tpu.memory_space<vmem_shared>>
        %dma_start3A_79 = arith.constant 0 : i32
        %dma_start3A_80 = tpu.memref_slice %arg11[%add3A_76, %dma_start3A_79] : memref<10240x128xf32, #tpu.memory_space<vmem_shared>> -> memref<128x128xf32, #tpu.memory_space<vmem_shared>>
        tpu.enqueue_dma source(%arg10 : memref<128x128xf32, #tpu.memory_space<vmem>>) target(%dma_start3A_80 : memref<128x128xf32, #tpu.memory_space<vmem_shared>>) target_semaphore(%run_scoped3A : memref<!tpu.dma_semaphore, #tpu.memory_space<semaphore_mem>>)
        %dma_wait3A = arith.constant 0 : i32
        %dma_wait3A_81 = tpu.memref_slice %arg11[%add3A_76, %dma_wait3A] : memref<10240x128xf32, #tpu.memory_space<vmem_shared>> -> memref<128x128xf32, #tpu.memory_space<vmem_shared>>
        %dma_wait3A_82 = arith.constant 0 : i32
        %dma_wait3A_83 = tpu.memref_slice %arg11[%add3A_76, %dma_wait3A_82] : memref<10240x128xf32, #tpu.memory_space<vmem_shared>> -> memref<128x128xf32, #tpu.memory_space<vmem_shared>>
        tpu.wait_dma2 semaphore(%run_scoped3A : memref<!tpu.dma_semaphore, #tpu.memory_space<semaphore_mem>>) src(%arg10 : memref<128x128xf32, #tpu.memory_space<vmem>>) dst(%dma_wait3A_83 : memref<128x128xf32, #tpu.memory_space<vmem_shared>>)
        tpu.yield
      }) : () -> ()
    }
    %scan3A_12 = arith.constant 5 : i32
    "tpu.region"() ({
      %run_scoped3A = tpu.sem_alloc : memref<!tpu.dma_semaphore, #tpu.memory_space<semaphore_mem>>
      tpu.enqueue_dma source(%arg3 : memref<128x128xf32, #tpu.memory_space<hbm>>) target(%arg9 : memref<128x128xf32, #tpu.memory_space<vmem>>) target_semaphore(%run_scoped3A : memref<!tpu.dma_semaphore, #tpu.memory_space<semaphore_mem>>)
      tpu.wait_dma2 semaphore(%run_scoped3A : memref<!tpu.dma_semaphore, #tpu.memory_space<semaphore_mem>>) src(%arg3 : memref<128x128xf32, #tpu.memory_space<hbm>>) dst(%arg9 : memref<128x128xf32, #tpu.memory_space<vmem>>)
      tpu.yield
    }) : () -> ()
    %barrier3A = arith.constant 0 : index
    tpu.barrier barrier_id(%barrier3A)
    %add3A_13 = arith.constant 0 : i32
    %add3A_14 = arith.addi %add3A_7, %add3A_13 : i32
    %mul3A_15 = arith.constant 128 : i32
    %mul3A_16 = arith.muli %add3A_14, %mul3A_15 : i32
    %add3A_17 = arith.constant 320000 : i32
    %add3A_18 = arith.addi %add3A_17, %mul3A_16 : i32
    %dma_start3A = tpu.memref_slice %arg2[%add3A_18] : memref<640000xi32, #tpu.memory_space<hbm>> -> memref<128xi32, #tpu.memory_space<hbm>>
    %dma_start3A_19 = tpu.memref_slice %arg2[%add3A_18] : memref<640000xi32, #tpu.memory_space<hbm>> -> memref<128xi32, #tpu.memory_space<hbm>>
    tpu.enqueue_dma source(%dma_start3A_19 : memref<128xi32, #tpu.memory_space<hbm>>) target(%arg7 : memref<128xi32, #tpu.memory_space<vmem>>) target_semaphore(%arg12 : memref<!tpu.dma_semaphore, #tpu.memory_space<semaphore_mem>>)
    %jit3A = arith.constant 2 : i32
    %div3A = arith.divsi %add3A_3, %jit3A : i32
    %sign3A = arith.constant 0 : i32
    %sign3A_20 = arith.cmpi sgt, %add3A_3, %sign3A : i32
    %sign3A_21 = arith.extui %sign3A_20 : i1 to i32
    %sign3A_22 = arith.constant 0 : i32
    %sign3A_23 = arith.cmpi slt, %add3A_3, %sign3A_22 : i32
    %sign3A_24 = arith.extui %sign3A_23 : i1 to i32
    %sign3A_25 = arith.subi %sign3A_21, %sign3A_24 : i32
    %sign3A_26 = arith.constant 0 : i32
    %sign3A_27 = arith.cmpi sgt, %jit3A, %sign3A_26 : i32
    %sign3A_28 = arith.extui %sign3A_27 : i1 to i32
    %sign3A_29 = arith.constant 0 : i32
    %sign3A_30 = arith.cmpi slt, %jit3A, %sign3A_29 : i32
    %sign3A_31 = arith.extui %sign3A_30 : i1 to i32
    %sign3A_32 = arith.subi %sign3A_28, %sign3A_31 : i32
    %ne3A = arith.cmpi ne, %sign3A_25, %sign3A_32 : i32
    %rem3A = arith.remsi %add3A_3, %jit3A : i32
    %ne3A_33 = arith.constant 0 : i32
    %ne3A_34 = arith.cmpi ne, %rem3A, %ne3A_33 : i32
    %and3A = arith.andi %ne3A, %ne3A_34 : i1
    %sub3A = arith.constant 1 : i32
    %sub3A_35 = arith.subi %div3A, %sub3A : i32
    %select_n3A = arith.select %and3A, %sub3A_35, %div3A : i32
    %while3A = arith.constant 0 : i32
    %while3A_36 = arith.constant 0 : i32
    %while3A_37 = arith.subi %select_n3A, %while3A_36 : i32
    %while3A_38 = arith.addi %while3A_36, %while3A_37 : i32
    %while3A_39 = arith.constant 1 : i32
    %while3A_40 = arith.divsi %while3A_37, %while3A_39 : i32
    %while3A_41 = arith.muli %while3A_40, %while3A_39 : i32
    %while3A_42 = arith.addi %while3A_36, %while3A_41 : i32
    %while3A_43 = arith.constant 1 : i32
    scf.for %while3A_71 = %while3A_36 to %while3A_42 step %while3A_43  : i32 {
      %mul3A_72 = arith.constant 2 : i32
      %mul3A_73 = arith.muli %while3A_71, %mul3A_72 : i32
      %add3A_74 = arith.constant 0 : i32
      %add3A_75 = arith.addi %mul3A_73, %add3A_74 : i32
      %sub3A_76 = arith.constant 1 : i32
      %sub3A_77 = arith.subi %add3A_3, %sub3A_76 : i32
      %lt3A_78 = arith.cmpi slt, %add3A_75, %sub3A_77 : i32
      %convert_element_type3A_79 = arith.extui %lt3A_78 : i1 to i32
      %cond3A_80 = arith.constant 0 : i32
      %cond3A_81 = arith.cmpi ne, %convert_element_type3A_79, %cond3A_80 : i32
      scf.if %cond3A_81 {
        %add3A_99 = arith.constant 1 : i32
        %add3A_100 = arith.addi %add3A_75, %add3A_99 : i32
        %add3A_101 = arith.addi %add3A_7, %add3A_100 : i32
        %mul3A_102 = arith.constant 128 : i32
        %mul3A_103 = arith.muli %add3A_101, %mul3A_102 : i32
        %add3A_104 = arith.constant 320000 : i32
        %add3A_105 = arith.addi %add3A_104, %mul3A_103 : i32
        %dma_start3A_106 = tpu.memref_slice %arg2[%add3A_105] : memref<640000xi32, #tpu.memory_space<hbm>> -> memref<128xi32, #tpu.memory_space<hbm>>
        %dma_start3A_107 = tpu.memref_slice %arg2[%add3A_105] : memref<640000xi32, #tpu.memory_space<hbm>> -> memref<128xi32, #tpu.memory_space<hbm>>
        tpu.enqueue_dma source(%dma_start3A_107 : memref<128xi32, #tpu.memory_space<hbm>>) target(%arg8 : memref<128xi32, #tpu.memory_space<vmem>>) target_semaphore(%arg12 : memref<!tpu.dma_semaphore, #tpu.memory_space<semaphore_mem>>)
      } else {
      }
      %dma_wait3A = arith.constant 0 : i32
      %dma_wait3A_82 = tpu.memref_slice %arg2[%dma_wait3A] : memref<640000xi32, #tpu.memory_space<hbm>> -> memref<128xi32, #tpu.memory_space<hbm>>
      %dma_wait3A_83 = arith.constant 0 : i32
      %dma_wait3A_84 = tpu.memref_slice %arg2[%dma_wait3A_83] : memref<640000xi32, #tpu.memory_space<hbm>> -> memref<128xi32, #tpu.memory_space<hbm>>
      tpu.wait_dma2 semaphore(%arg12 : memref<!tpu.dma_semaphore, #tpu.memory_space<semaphore_mem>>) src(%dma_wait3A_84 : memref<128xi32, #tpu.memory_space<hbm>>) dst(%arg7 : memref<128xi32, #tpu.memory_space<vmem>>)
      "tpu.region"() ({
        %run_scoped3A = tpu.sem_alloc : memref<!tpu.dma_semaphore, #tpu.memory_space<semaphore_mem>>
        %dma_start3A_99 = arith.constant 0 : i32
        %dma_start3A_100 = arith.constant 0 : i32
        %dma_start3A_101 = tpu.memref_slice %arg11[%dma_start3A_99, %dma_start3A_100] : memref<10240x128xf32, #tpu.memory_space<vmem_shared>> -> memref<10240x128xf32, #tpu.memory_space<vmem_shared>>
        tpu.enqueue_indirect_dma source(%arg9 : memref<128x128xf32, #tpu.memory_space<vmem>>) target(%dma_start3A_101 : memref<10240x128xf32, #tpu.memory_space<vmem_shared>>) offsets(%arg7 : memref<128xi32, #tpu.memory_space<vmem>>) semaphore(%run_scoped3A : memref<!tpu.dma_semaphore, #tpu.memory_space<semaphore_mem>>) {add = true}
        %dma_wait3A_102 = arith.constant 0 : i32
        %dma_wait3A_103 = arith.constant 0 : i32
        %dma_wait3A_104 = tpu.memref_slice %arg11[%dma_wait3A_102, %dma_wait3A_103] : memref<10240x128xf32, #tpu.memory_space<vmem_shared>> -> memref<10240x128xf32, #tpu.memory_space<vmem_shared>>
        tpu.wait_indirect_dma semaphore(%run_scoped3A : memref<!tpu.dma_semaphore, #tpu.memory_space<semaphore_mem>>) src(%arg9 : memref<128x128xf32, #tpu.memory_space<vmem>>) dst(%dma_wait3A_104 : memref<10240x128xf32, #tpu.memory_space<vmem_shared>>)
        tpu.yield
      }) : () -> ()
      %mul3A_85 = arith.constant 2 : i32
      %mul3A_86 = arith.muli %while3A_71, %mul3A_85 : i32
      %add3A_87 = arith.constant 1 : i32
      %add3A_88 = arith.addi %mul3A_86, %add3A_87 : i32
      %sub3A_89 = arith.constant 1 : i32
      %sub3A_90 = arith.subi %add3A_3, %sub3A_89 : i32
      %lt3A_91 = arith.cmpi slt, %add3A_88, %sub3A_90 : i32
      %convert_element_type3A_92 = arith.extui %lt3A_91 : i1 to i32
      %cond3A_93 = arith.constant 0 : i32
      %cond3A_94 = arith.cmpi ne, %convert_element_type3A_92, %cond3A_93 : i32
      scf.if %cond3A_94 {
        %add3A_99 = arith.constant 1 : i32
        %add3A_100 = arith.addi %add3A_88, %add3A_99 : i32
        %add3A_101 = arith.addi %add3A_7, %add3A_100 : i32
        %mul3A_102 = arith.constant 128 : i32
        %mul3A_103 = arith.muli %add3A_101, %mul3A_102 : i32
        %add3A_104 = arith.constant 320000 : i32
        %add3A_105 = arith.addi %add3A_104, %mul3A_103 : i32
        %dma_start3A_106 = tpu.memref_slice %arg2[%add3A_105] : memref<640000xi32, #tpu.memory_space<hbm>> -> memref<128xi32, #tpu.memory_space<hbm>>
        %dma_start3A_107 = tpu.memref_slice %arg2[%add3A_105] : memref<640000xi32, #tpu.memory_space<hbm>> -> memref<128xi32, #tpu.memory_space<hbm>>
        tpu.enqueue_dma source(%dma_start3A_107 : memref<128xi32, #tpu.memory_space<hbm>>) target(%arg7 : memref<128xi32, #tpu.memory_space<vmem>>) target_semaphore(%arg12 : memref<!tpu.dma_semaphore, #tpu.memory_space<semaphore_mem>>)
      } else {
      }
      %dma_wait3A_95 = arith.constant 0 : i32
      %dma_wait3A_96 = tpu.memref_slice %arg2[%dma_wait3A_95] : memref<640000xi32, #tpu.memory_space<hbm>> -> memref<128xi32, #tpu.memory_space<hbm>>
      %dma_wait3A_97 = arith.constant 0 : i32
      %dma_wait3A_98 = tpu.memref_slice %arg2[%dma_wait3A_97] : memref<640000xi32, #tpu.memory_space<hbm>> -> memref<128xi32, #tpu.memory_space<hbm>>
      tpu.wait_dma2 semaphore(%arg12 : memref<!tpu.dma_semaphore, #tpu.memory_space<semaphore_mem>>) src(%dma_wait3A_98 : memref<128xi32, #tpu.memory_space<hbm>>) dst(%arg8 : memref<128xi32, #tpu.memory_space<vmem>>)
      "tpu.region"() ({
        %run_scoped3A = tpu.sem_alloc : memref<!tpu.dma_semaphore, #tpu.memory_space<semaphore_mem>>
        %dma_start3A_99 = arith.constant 0 : i32
        %dma_start3A_100 = arith.constant 0 : i32
        %dma_start3A_101 = tpu.memref_slice %arg11[%dma_start3A_99, %dma_start3A_100] : memref<10240x128xf32, #tpu.memory_space<vmem_shared>> -> memref<10240x128xf32, #tpu.memory_space<vmem_shared>>
        tpu.enqueue_indirect_dma source(%arg9 : memref<128x128xf32, #tpu.memory_space<vmem>>) target(%dma_start3A_101 : memref<10240x128xf32, #tpu.memory_space<vmem_shared>>) offsets(%arg8 : memref<128xi32, #tpu.memory_space<vmem>>) semaphore(%run_scoped3A : memref<!tpu.dma_semaphore, #tpu.memory_space<semaphore_mem>>) {add = true}
        %dma_wait3A_102 = arith.constant 0 : i32
        %dma_wait3A_103 = arith.constant 0 : i32
        %dma_wait3A_104 = tpu.memref_slice %arg11[%dma_wait3A_102, %dma_wait3A_103] : memref<10240x128xf32, #tpu.memory_space<vmem_shared>> -> memref<10240x128xf32, #tpu.memory_space<vmem_shared>>
        tpu.wait_indirect_dma semaphore(%run_scoped3A : memref<!tpu.dma_semaphore, #tpu.memory_space<semaphore_mem>>) src(%arg9 : memref<128x128xf32, #tpu.memory_space<vmem>>) dst(%dma_wait3A_104 : memref<10240x128xf32, #tpu.memory_space<vmem_shared>>)
        tpu.yield
      }) : () -> ()
    }
    %while3A_44 = arith.constant 1 : i32
    scf.for %while3A_71 = %while3A_42 to %while3A_38 step %while3A_44  : i32 {
      %mul3A_72 = arith.constant 2 : i32
      %mul3A_73 = arith.muli %while3A_71, %mul3A_72 : i32
      %add3A_74 = arith.constant 0 : i32
      %add3A_75 = arith.addi %mul3A_73, %add3A_74 : i32
      %sub3A_76 = arith.constant 1 : i32
      %sub3A_77 = arith.subi %add3A_3, %sub3A_76 : i32
      %lt3A_78 = arith.cmpi slt, %add3A_75, %sub3A_77 : i32
      %convert_element_type3A_79 = arith.extui %lt3A_78 : i1 to i32
      %cond3A_80 = arith.constant 0 : i32
      %cond3A_81 = arith.cmpi ne, %convert_element_type3A_79, %cond3A_80 : i32
      scf.if %cond3A_81 {
        %add3A_99 = arith.constant 1 : i32
        %add3A_100 = arith.addi %add3A_75, %add3A_99 : i32
        %add3A_101 = arith.addi %add3A_7, %add3A_100 : i32
        %mul3A_102 = arith.constant 128 : i32
        %mul3A_103 = arith.muli %add3A_101, %mul3A_102 : i32
        %add3A_104 = arith.constant 320000 : i32
        %add3A_105 = arith.addi %add3A_104, %mul3A_103 : i32
        %dma_start3A_106 = tpu.memref_slice %arg2[%add3A_105] : memref<640000xi32, #tpu.memory_space<hbm>> -> memref<128xi32, #tpu.memory_space<hbm>>
        %dma_start3A_107 = tpu.memref_slice %arg2[%add3A_105] : memref<640000xi32, #tpu.memory_space<hbm>> -> memref<128xi32, #tpu.memory_space<hbm>>
        tpu.enqueue_dma source(%dma_start3A_107 : memref<128xi32, #tpu.memory_space<hbm>>) target(%arg8 : memref<128xi32, #tpu.memory_space<vmem>>) target_semaphore(%arg12 : memref<!tpu.dma_semaphore, #tpu.memory_space<semaphore_mem>>)
      } else {
      }
      %dma_wait3A = arith.constant 0 : i32
      %dma_wait3A_82 = tpu.memref_slice %arg2[%dma_wait3A] : memref<640000xi32, #tpu.memory_space<hbm>> -> memref<128xi32, #tpu.memory_space<hbm>>
      %dma_wait3A_83 = arith.constant 0 : i32
      %dma_wait3A_84 = tpu.memref_slice %arg2[%dma_wait3A_83] : memref<640000xi32, #tpu.memory_space<hbm>> -> memref<128xi32, #tpu.memory_space<hbm>>
      tpu.wait_dma2 semaphore(%arg12 : memref<!tpu.dma_semaphore, #tpu.memory_space<semaphore_mem>>) src(%dma_wait3A_84 : memref<128xi32, #tpu.memory_space<hbm>>) dst(%arg7 : memref<128xi32, #tpu.memory_space<vmem>>)
      "tpu.region"() ({
        %run_scoped3A = tpu.sem_alloc : memref<!tpu.dma_semaphore, #tpu.memory_space<semaphore_mem>>
        %dma_start3A_99 = arith.constant 0 : i32
        %dma_start3A_100 = arith.constant 0 : i32
        %dma_start3A_101 = tpu.memref_slice %arg11[%dma_start3A_99, %dma_start3A_100] : memref<10240x128xf32, #tpu.memory_space<vmem_shared>> -> memref<10240x128xf32, #tpu.memory_space<vmem_shared>>
        tpu.enqueue_indirect_dma source(%arg9 : memref<128x128xf32, #tpu.memory_space<vmem>>) target(%dma_start3A_101 : memref<10240x128xf32, #tpu.memory_space<vmem_shared>>) offsets(%arg7 : memref<128xi32, #tpu.memory_space<vmem>>) semaphore(%run_scoped3A : memref<!tpu.dma_semaphore, #tpu.memory_space<semaphore_mem>>) {add = true}
        %dma_wait3A_102 = arith.constant 0 : i32
        %dma_wait3A_103 = arith.constant 0 : i32
        %dma_wait3A_104 = tpu.memref_slice %arg11[%dma_wait3A_102, %dma_wait3A_103] : memref<10240x128xf32, #tpu.memory_space<vmem_shared>> -> memref<10240x128xf32, #tpu.memory_space<vmem_shared>>
        tpu.wait_indirect_dma semaphore(%run_scoped3A : memref<!tpu.dma_semaphore, #tpu.memory_space<semaphore_mem>>) src(%arg9 : memref<128x128xf32, #tpu.memory_space<vmem>>) dst(%dma_wait3A_104 : memref<10240x128xf32, #tpu.memory_space<vmem_shared>>)
        tpu.yield
      }) : () -> ()
      %mul3A_85 = arith.constant 2 : i32
      %mul3A_86 = arith.muli %while3A_71, %mul3A_85 : i32
      %add3A_87 = arith.constant 1 : i32
      %add3A_88 = arith.addi %mul3A_86, %add3A_87 : i32
      %sub3A_89 = arith.constant 1 : i32
      %sub3A_90 = arith.subi %add3A_3, %sub3A_89 : i32
      %lt3A_91 = arith.cmpi slt, %add3A_88, %sub3A_90 : i32
      %convert_element_type3A_92 = arith.extui %lt3A_91 : i1 to i32
      %cond3A_93 = arith.constant 0 : i32
      %cond3A_94 = arith.cmpi ne, %convert_element_type3A_92, %cond3A_93 : i32
      scf.if %cond3A_94 {
        %add3A_99 = arith.constant 1 : i32
        %add3A_100 = arith.addi %add3A_88, %add3A_99 : i32
        %add3A_101 = arith.addi %add3A_7, %add3A_100 : i32
        %mul3A_102 = arith.constant 128 : i32
        %mul3A_103 = arith.muli %add3A_101, %mul3A_102 : i32
        %add3A_104 = arith.constant 320000 : i32
        %add3A_105 = arith.addi %add3A_104, %mul3A_103 : i32
        %dma_start3A_106 = tpu.memref_slice %arg2[%add3A_105] : memref<640000xi32, #tpu.memory_space<hbm>> -> memref<128xi32, #tpu.memory_space<hbm>>
        %dma_start3A_107 = tpu.memref_slice %arg2[%add3A_105] : memref<640000xi32, #tpu.memory_space<hbm>> -> memref<128xi32, #tpu.memory_space<hbm>>
        tpu.enqueue_dma source(%dma_start3A_107 : memref<128xi32, #tpu.memory_space<hbm>>) target(%arg7 : memref<128xi32, #tpu.memory_space<vmem>>) target_semaphore(%arg12 : memref<!tpu.dma_semaphore, #tpu.memory_space<semaphore_mem>>)
      } else {
      }
      %dma_wait3A_95 = arith.constant 0 : i32
      %dma_wait3A_96 = tpu.memref_slice %arg2[%dma_wait3A_95] : memref<640000xi32, #tpu.memory_space<hbm>> -> memref<128xi32, #tpu.memory_space<hbm>>
      %dma_wait3A_97 = arith.constant 0 : i32
      %dma_wait3A_98 = tpu.memref_slice %arg2[%dma_wait3A_97] : memref<640000xi32, #tpu.memory_space<hbm>> -> memref<128xi32, #tpu.memory_space<hbm>>
      tpu.wait_dma2 semaphore(%arg12 : memref<!tpu.dma_semaphore, #tpu.memory_space<semaphore_mem>>) src(%dma_wait3A_98 : memref<128xi32, #tpu.memory_space<hbm>>) dst(%arg8 : memref<128xi32, #tpu.memory_space<vmem>>)
      "tpu.region"() ({
        %run_scoped3A = tpu.sem_alloc : memref<!tpu.dma_semaphore, #tpu.memory_space<semaphore_mem>>
        %dma_start3A_99 = arith.constant 0 : i32
        %dma_start3A_100 = arith.constant 0 : i32
        %dma_start3A_101 = tpu.memref_slice %arg11[%dma_start3A_99, %dma_start3A_100] : memref<10240x128xf32, #tpu.memory_space<vmem_shared>> -> memref<10240x128xf32, #tpu.memory_space<vmem_shared>>
        tpu.enqueue_indirect_dma source(%arg9 : memref<128x128xf32, #tpu.memory_space<vmem>>) target(%dma_start3A_101 : memref<10240x128xf32, #tpu.memory_space<vmem_shared>>) offsets(%arg8 : memref<128xi32, #tpu.memory_space<vmem>>) semaphore(%run_scoped3A : memref<!tpu.dma_semaphore, #tpu.memory_space<semaphore_mem>>) {add = true}
        %dma_wait3A_102 = arith.constant 0 : i32
        %dma_wait3A_103 = arith.constant 0 : i32
        %dma_wait3A_104 = tpu.memref_slice %arg11[%dma_wait3A_102, %dma_wait3A_103] : memref<10240x128xf32, #tpu.memory_space<vmem_shared>> -> memref<10240x128xf32, #tpu.memory_space<vmem_shared>>
        tpu.wait_indirect_dma semaphore(%run_scoped3A : memref<!tpu.dma_semaphore, #tpu.memory_space<semaphore_mem>>) src(%arg9 : memref<128x128xf32, #tpu.memory_space<vmem>>) dst(%dma_wait3A_104 : memref<10240x128xf32, #tpu.memory_space<vmem_shared>>)
        tpu.yield
      }) : () -> ()
    }
    %jit3A_45 = arith.constant 2 : i32
    %eq3A = arith.constant 0 : i32
    %eq3A_46 = arith.cmpi eq, %jit3A_45, %eq3A : i32
    %jit3A_47 = arith.constant 1 : i32
    %select_n3A_48 = arith.select %eq3A_46, %jit3A_47, %jit3A_45 : i32
    %rem3A_49 = arith.remsi %add3A_3, %select_n3A_48 : i32
    %ne3A_50 = arith.constant 0 : i32
    %ne3A_51 = arith.cmpi ne, %rem3A_49, %ne3A_50 : i32
    %lt3A_52 = arith.constant 0 : i32
    %lt3A_53 = arith.cmpi slt, %rem3A_49, %lt3A_52 : i32
    %lt3A_54 = arith.constant 0 : i32
    %lt3A_55 = arith.cmpi slt, %select_n3A_48, %lt3A_54 : i32
    %ne3A_56 = arith.xori %lt3A_53, %lt3A_55 : i1
    %and3A_57 = arith.andi %ne3A_56, %ne3A_51 : i1
    %add3A_58 = arith.addi %rem3A_49, %select_n3A_48 : i32
    %select_n3A_59 = arith.select %and3A_57, %add3A_58, %rem3A_49 : i32
    %eq3A_60 = arith.constant 1 : i32
    %eq3A_61 = arith.cmpi eq, %select_n3A_59, %eq3A_60 : i32
    %convert_element_type3A_62 = arith.extui %eq3A_61 : i1 to i32
    %cond3A = arith.constant 0 : i32
    %cond3A_63 = arith.cmpi ne, %convert_element_type3A_62, %cond3A : i32
    scf.if %cond3A_63 {
      %dma_wait3A = arith.constant 0 : i32
      %dma_wait3A_71 = tpu.memref_slice %arg2[%dma_wait3A] : memref<640000xi32, #tpu.memory_space<hbm>> -> memref<128xi32, #tpu.memory_space<hbm>>
      %dma_wait3A_72 = arith.constant 0 : i32
      %dma_wait3A_73 = tpu.memref_slice %arg2[%dma_wait3A_72] : memref<640000xi32, #tpu.memory_space<hbm>> -> memref<128xi32, #tpu.memory_space<hbm>>
      tpu.wait_dma2 semaphore(%arg12 : memref<!tpu.dma_semaphore, #tpu.memory_space<semaphore_mem>>) src(%dma_wait3A_73 : memref<128xi32, #tpu.memory_space<hbm>>) dst(%arg7 : memref<128xi32, #tpu.memory_space<vmem>>)
      "tpu.region"() ({
        %run_scoped3A = tpu.sem_alloc : memref<!tpu.dma_semaphore, #tpu.memory_space<semaphore_mem>>
        %dma_start3A_74 = arith.constant 0 : i32
        %dma_start3A_75 = arith.constant 0 : i32
        %dma_start3A_76 = tpu.memref_slice %arg11[%dma_start3A_74, %dma_start3A_75] : memref<10240x128xf32, #tpu.memory_space<vmem_shared>> -> memref<10240x128xf32, #tpu.memory_space<vmem_shared>>
        tpu.enqueue_indirect_dma source(%arg9 : memref<128x128xf32, #tpu.memory_space<vmem>>) target(%dma_start3A_76 : memref<10240x128xf32, #tpu.memory_space<vmem_shared>>) offsets(%arg7 : memref<128xi32, #tpu.memory_space<vmem>>) semaphore(%run_scoped3A : memref<!tpu.dma_semaphore, #tpu.memory_space<semaphore_mem>>) {add = true}
        %dma_wait3A_77 = arith.constant 0 : i32
        %dma_wait3A_78 = arith.constant 0 : i32
        %dma_wait3A_79 = tpu.memref_slice %arg11[%dma_wait3A_77, %dma_wait3A_78] : memref<10240x128xf32, #tpu.memory_space<vmem_shared>> -> memref<10240x128xf32, #tpu.memory_space<vmem_shared>>
        tpu.wait_indirect_dma semaphore(%run_scoped3A : memref<!tpu.dma_semaphore, #tpu.memory_space<semaphore_mem>>) src(%arg9 : memref<128x128xf32, #tpu.memory_space<vmem>>) dst(%dma_wait3A_79 : memref<10240x128xf32, #tpu.memory_space<vmem_shared>>)
        tpu.yield
      }) : () -> ()
    } else {
    }
    %barrier3A_64 = arith.constant 0 : index
    tpu.barrier barrier_id(%barrier3A_64)
    %scan3A_65 = arith.constant 0 : i32
    %scan3A_66 = arith.constant 0 : i32
    %scan3A_67 = arith.constant 5 : i32
    %scan3A_68 = arith.addi %scan3A_66, %scan3A_67 : i32
    %scan3A_69 = arith.constant 1 : i32
    scf.for %scan3A_71 = %scan3A_66 to %scan3A_68 step %scan3A_69  : i32 {
      %mul3A_72 = arith.constant 640 : i32
      %mul3A_73 = arith.muli %arg1, %mul3A_72 : i32
      %mul3A_74 = arith.constant 128 : i32
      %mul3A_75 = arith.muli %scan3A_71, %mul3A_74 : i32
      %add3A_76 = arith.addi %mul3A_73, %mul3A_75 : i32
      "tpu.region"() ({
        %run_scoped3A = tpu.sem_alloc : memref<!tpu.dma_semaphore, #tpu.memory_space<semaphore_mem>>
        %dma_start3A_87 = arith.constant 0 : i32
        %dma_start3A_88 = tpu.memref_slice %arg11[%add3A_76, %dma_start3A_87] : memref<10240x128xf32, #tpu.memory_space<vmem_shared>> -> memref<128x128xf32, #tpu.memory_space<vmem_shared>>
        %dma_start3A_89 = arith.constant 0 : i32
        %dma_start3A_90 = tpu.memref_slice %arg11[%add3A_76, %dma_start3A_89] : memref<10240x128xf32, #tpu.memory_space<vmem_shared>> -> memref<128x128xf32, #tpu.memory_space<vmem_shared>>
        tpu.enqueue_dma source(%dma_start3A_90 : memref<128x128xf32, #tpu.memory_space<vmem_shared>>) target(%arg10 : memref<128x128xf32, #tpu.memory_space<vmem>>) target_semaphore(%run_scoped3A : memref<!tpu.dma_semaphore, #tpu.memory_space<semaphore_mem>>)
        %dma_wait3A = arith.constant 0 : i32
        %dma_wait3A_91 = tpu.memref_slice %arg11[%add3A_76, %dma_wait3A] : memref<10240x128xf32, #tpu.memory_space<vmem_shared>> -> memref<128x128xf32, #tpu.memory_space<vmem_shared>>
        %dma_wait3A_92 = arith.constant 0 : i32
        %dma_wait3A_93 = tpu.memref_slice %arg11[%add3A_76, %dma_wait3A_92] : memref<10240x128xf32, #tpu.memory_space<vmem_shared>> -> memref<128x128xf32, #tpu.memory_space<vmem_shared>>
        tpu.wait_dma2 semaphore(%run_scoped3A : memref<!tpu.dma_semaphore, #tpu.memory_space<semaphore_mem>>) src(%dma_wait3A_93 : memref<128x128xf32, #tpu.memory_space<vmem_shared>>) dst(%arg10 : memref<128x128xf32, #tpu.memory_space<vmem>>)
        tpu.yield
      }) : () -> ()
      %eq3A_77 = arith.constant 0 : i32
      %eq3A_78 = arith.cmpi eq, %arg0, %eq3A_77 : i32
      %convert_element_type3A_79 = arith.extui %eq3A_78 : i1 to i32
      %cond3A_80 = arith.constant 0 : i32
      %cond3A_81 = arith.cmpi ne, %convert_element_type3A_79, %cond3A_80 : i32
      scf.if %cond3A_81 {
        "tpu.region"() ({
          %run_scoped3A = tpu.sem_alloc : memref<!tpu.dma_semaphore, #tpu.memory_space<semaphore_mem>>
          %dma_start3A_87 = arith.constant 0 : i32
          %dma_start3A_88 = tpu.memref_slice %arg5[%add3A_76, %dma_start3A_87] : memref<10240x128xf32, #tpu.memory_space<hbm>> -> memref<128x128xf32, #tpu.memory_space<hbm>>
          %dma_start3A_89 = arith.constant 0 : i32
          %dma_start3A_90 = tpu.memref_slice %arg5[%add3A_76, %dma_start3A_89] : memref<10240x128xf32, #tpu.memory_space<hbm>> -> memref<128x128xf32, #tpu.memory_space<hbm>>
          tpu.enqueue_dma source(%arg10 : memref<128x128xf32, #tpu.memory_space<vmem>>) target(%dma_start3A_90 : memref<128x128xf32, #tpu.memory_space<hbm>>) target_semaphore(%run_scoped3A : memref<!tpu.dma_semaphore, #tpu.memory_space<semaphore_mem>>)
          %dma_wait3A = arith.constant 0 : i32
          %dma_wait3A_91 = tpu.memref_slice %arg5[%add3A_76, %dma_wait3A] : memref<10240x128xf32, #tpu.memory_space<hbm>> -> memref<128x128xf32, #tpu.memory_space<hbm>>
          %dma_wait3A_92 = arith.constant 0 : i32
          %dma_wait3A_93 = tpu.memref_slice %arg5[%add3A_76, %dma_wait3A_92] : memref<10240x128xf32, #tpu.memory_space<hbm>> -> memref<128x128xf32, #tpu.memory_space<hbm>>
          tpu.wait_dma2 semaphore(%run_scoped3A : memref<!tpu.dma_semaphore, #tpu.memory_space<semaphore_mem>>) src(%arg10 : memref<128x128xf32, #tpu.memory_space<vmem>>) dst(%dma_wait3A_93 : memref<128x128xf32, #tpu.memory_space<hbm>>)
          tpu.yield
        }) : () -> ()
      } else {
      }
      %eq3A_82 = arith.constant 1 : i32
      %eq3A_83 = arith.cmpi eq, %arg0, %eq3A_82 : i32
      %convert_element_type3A_84 = arith.extui %eq3A_83 : i1 to i32
      %cond3A_85 = arith.constant 0 : i32
      %cond3A_86 = arith.cmpi ne, %convert_element_type3A_84, %cond3A_85 : i32
      scf.if %cond3A_86 {
        "tpu.region"() ({
          %run_scoped3A = tpu.sem_alloc : memref<!tpu.dma_semaphore, #tpu.memory_space<semaphore_mem>>
          %dma_start3A_87 = arith.constant 0 : i32
          %dma_start3A_88 = tpu.memref_slice %arg6[%add3A_76, %dma_start3A_87] : memref<10240x128xf32, #tpu.memory_space<hbm>> -> memref<128x128xf32, #tpu.memory_space<hbm>>
          %dma_start3A_89 = arith.constant 0 : i32
          %dma_start3A_90 = tpu.memref_slice %arg6[%add3A_76, %dma_start3A_89] : memref<10240x128xf32, #tpu.memory_space<hbm>> -> memref<128x128xf32, #tpu.memory_space<hbm>>
          tpu.enqueue_dma source(%arg10 : memref<128x128xf32, #tpu.memory_space<vmem>>) target(%dma_start3A_90 : memref<128x128xf32, #tpu.memory_space<hbm>>) target_semaphore(%run_scoped3A : memref<!tpu.dma_semaphore, #tpu.memory_space<semaphore_mem>>)
          %dma_wait3A = arith.constant 0 : i32
          %dma_wait3A_91 = tpu.memref_slice %arg6[%add3A_76, %dma_wait3A] : memref<10240x128xf32, #tpu.memory_space<hbm>> -> memref<128x128xf32, #tpu.memory_space<hbm>>
          %dma_wait3A_92 = arith.constant 0 : i32
          %dma_wait3A_93 = tpu.memref_slice %arg6[%add3A_76, %dma_wait3A_92] : memref<10240x128xf32, #tpu.memory_space<hbm>> -> memref<128x128xf32, #tpu.memory_space<hbm>>
          tpu.wait_dma2 semaphore(%run_scoped3A : memref<!tpu.dma_semaphore, #tpu.memory_space<semaphore_mem>>) src(%arg10 : memref<128x128xf32, #tpu.memory_space<vmem>>) dst(%dma_wait3A_93 : memref<128x128xf32, #tpu.memory_space<hbm>>)
          tpu.yield
        }) : () -> ()
      } else {
      }
    }
    %scan3A_70 = arith.constant 5 : i32
    return
  }
}

#map = affine_map<(d0, d1) -> (0)>
#map1 = affine_map<(d0, d1) -> (0, 0)>
module attributes {stable_mosaic.version = 14 : i64} {
  func.func @body(%arg0: i32, %arg1: i32, %arg2: memref<640000xi32, #tpu.memory_space<hbm>>, %arg3: memref<10000x128xf32, #tpu.memory_space<hbm>>, %arg4: memref<128x128xf32, #tpu.memory_space<hbm>>, %arg5: memref<10240x128xf32, #tpu.memory_space<hbm>>, %arg6: memref<10240x128xf32, #tpu.memory_space<hbm>>, %arg7: memref<128xi32, #tpu.memory_space<vmem>>, %arg8: memref<128xi32, #tpu.memory_space<vmem>>, %arg9: memref<128xi32, #tpu.memory_space<vmem>>, %arg10: memref<128xi32, #tpu.memory_space<vmem>>, %arg11: memref<128x128xf32, #tpu.memory_space<vmem>>, %arg12: memref<128x128xf32, #tpu.memory_space<vmem>>, %arg13: memref<10240x128xf32, #tpu.memory_space<vmem_shared>>, %arg14: memref<!tpu.dma_semaphore, #tpu.memory_space<semaphore_mem>>, %arg15: memref<!tpu.dma_semaphore, #tpu.memory_space<semaphore_mem>>, %arg16: memref<!tpu.dma_semaphore, #tpu.memory_space<semaphore_mem>>, %arg17: memref<!tpu.dma_semaphore, #tpu.memory_space<semaphore_mem>>) attributes {dimension_semantics = [#tpu.dimension_semantics<core_parallel>, #tpu.dimension_semantics<subcore_parallel>], iteration_bounds = array<i64: 2, 16>, scalar_prefetch = 0 : i64, scratch_operands = 11 : i64, tpu.core_type = #tpu.core_type<sc_vector_subcore>, window_params = [{transform_indices = #map}, {transform_indices = #map1}, {transform_indices = #map1}, {transform_indices = #map1}, {transform_indices = #map1}]} {
    %mul3A = arith.constant 2 : i32
    %mul3A_0 = arith.muli %arg1, %mul3A : i32
    %add3A = arith.addi %mul3A_0, %arg0 : i32
    %lt3A = arith.constant 4 : i32
    %lt3A_1 = arith.cmpi slt, %add3A, %lt3A : i32
    %convert_element_type3A = arith.extui %lt3A_1 : i1 to i32
    %add3A_2 = arith.constant 78 : i32
    %add3A_3 = arith.addi %add3A_2, %convert_element_type3A : i32
    %mul3A_4 = arith.constant 78 : i32
    %mul3A_5 = arith.muli %add3A, %mul3A_4 : i32
    %min3A = arith.constant 4 : i32
    %min3A_6 = arith.minsi %add3A, %min3A : i32
    %add3A_7 = arith.addi %mul3A_5, %min3A_6 : i32
    "tpu.region"() ({
      %run_scoped3A = tpu.sem_alloc : memref<!tpu.dma_semaphore, #tpu.memory_space<semaphore_mem>>
      tpu.enqueue_dma source(%arg4 : memref<128x128xf32, #tpu.memory_space<hbm>>) target(%arg11 : memref<128x128xf32, #tpu.memory_space<vmem>>) target_semaphore(%run_scoped3A : memref<!tpu.dma_semaphore, #tpu.memory_space<semaphore_mem>>)
      tpu.wait_dma2 semaphore(%run_scoped3A : memref<!tpu.dma_semaphore, #tpu.memory_space<semaphore_mem>>) src(%arg4 : memref<128x128xf32, #tpu.memory_space<hbm>>) dst(%arg11 : memref<128x128xf32, #tpu.memory_space<vmem>>)
      tpu.yield
    }) : () -> ()
    %scan3A = arith.constant 0 : i32
    %scan3A_8 = arith.constant 0 : i32
    %scan3A_9 = arith.constant 5 : i32
    %scan3A_10 = arith.addi %scan3A_8, %scan3A_9 : i32
    %scan3A_11 = arith.constant 1 : i32
    scf.for %scan3A_104 = %scan3A_8 to %scan3A_10 step %scan3A_11  : i32 {
      %mul3A_105 = arith.constant 640 : i32
      %mul3A_106 = arith.muli %arg1, %mul3A_105 : i32
      %mul3A_107 = arith.constant 128 : i32
      %mul3A_108 = arith.muli %scan3A_104, %mul3A_107 : i32
      %add3A_109 = arith.addi %mul3A_106, %mul3A_108 : i32
      "tpu.region"() ({
        %run_scoped3A = tpu.sem_alloc : memref<!tpu.dma_semaphore, #tpu.memory_space<semaphore_mem>>
        %dma_start3A_110 = arith.constant 0 : i32
        %dma_start3A_111 = tpu.memref_slice %arg13[%add3A_109, %dma_start3A_110] : memref<10240x128xf32, #tpu.memory_space<vmem_shared>> -> memref<128x128xf32, #tpu.memory_space<vmem_shared>>
        %dma_start3A_112 = arith.constant 0 : i32
        %dma_start3A_113 = tpu.memref_slice %arg13[%add3A_109, %dma_start3A_112] : memref<10240x128xf32, #tpu.memory_space<vmem_shared>> -> memref<128x128xf32, #tpu.memory_space<vmem_shared>>
        tpu.enqueue_dma source(%arg11 : memref<128x128xf32, #tpu.memory_space<vmem>>) target(%dma_start3A_113 : memref<128x128xf32, #tpu.memory_space<vmem_shared>>) target_semaphore(%run_scoped3A : memref<!tpu.dma_semaphore, #tpu.memory_space<semaphore_mem>>)
        %dma_wait3A_114 = arith.constant 0 : i32
        %dma_wait3A_115 = tpu.memref_slice %arg13[%add3A_109, %dma_wait3A_114] : memref<10240x128xf32, #tpu.memory_space<vmem_shared>> -> memref<128x128xf32, #tpu.memory_space<vmem_shared>>
        %dma_wait3A_116 = arith.constant 0 : i32
        %dma_wait3A_117 = tpu.memref_slice %arg13[%add3A_109, %dma_wait3A_116] : memref<10240x128xf32, #tpu.memory_space<vmem_shared>> -> memref<128x128xf32, #tpu.memory_space<vmem_shared>>
        tpu.wait_dma2 semaphore(%run_scoped3A : memref<!tpu.dma_semaphore, #tpu.memory_space<semaphore_mem>>) src(%arg11 : memref<128x128xf32, #tpu.memory_space<vmem>>) dst(%dma_wait3A_117 : memref<128x128xf32, #tpu.memory_space<vmem_shared>>)
        tpu.yield
      }) : () -> ()
    }
    %scan3A_12 = arith.constant 5 : i32
    %barrier3A = arith.constant 0 : index
    tpu.barrier barrier_id(%barrier3A)
    %add3A_13 = arith.constant 0 : i32
    %add3A_14 = arith.addi %add3A_7, %add3A_13 : i32
    %mul3A_15 = arith.constant 128 : i32
    %mul3A_16 = arith.muli %add3A_14, %mul3A_15 : i32
    %dma_start3A = tpu.memref_slice %arg2[%mul3A_16] : memref<640000xi32, #tpu.memory_space<hbm>> -> memref<128xi32, #tpu.memory_space<hbm>>
    %dma_start3A_17 = tpu.memref_slice %arg2[%mul3A_16] : memref<640000xi32, #tpu.memory_space<hbm>> -> memref<128xi32, #tpu.memory_space<hbm>>
    tpu.enqueue_dma source(%dma_start3A_17 : memref<128xi32, #tpu.memory_space<hbm>>) target(%arg7 : memref<128xi32, #tpu.memory_space<vmem>>) target_semaphore(%arg15 : memref<!tpu.dma_semaphore, #tpu.memory_space<semaphore_mem>>)
    %add3A_18 = arith.constant 320000 : i32
    %add3A_19 = arith.addi %add3A_18, %mul3A_16 : i32
    %dma_start3A_20 = tpu.memref_slice %arg2[%add3A_19] : memref<640000xi32, #tpu.memory_space<hbm>> -> memref<128xi32, #tpu.memory_space<hbm>>
    %dma_start3A_21 = tpu.memref_slice %arg2[%add3A_19] : memref<640000xi32, #tpu.memory_space<hbm>> -> memref<128xi32, #tpu.memory_space<hbm>>
    tpu.enqueue_dma source(%dma_start3A_21 : memref<128xi32, #tpu.memory_space<hbm>>) target(%arg9 : memref<128xi32, #tpu.memory_space<vmem>>) target_semaphore(%arg15 : memref<!tpu.dma_semaphore, #tpu.memory_space<semaphore_mem>>)
    %dma_wait3A = arith.constant 0 : i32
    %dma_wait3A_22 = tpu.memref_slice %arg2[%dma_wait3A] : memref<640000xi32, #tpu.memory_space<hbm>> -> memref<128xi32, #tpu.memory_space<hbm>>
    %dma_wait3A_23 = arith.constant 0 : i32
    %dma_wait3A_24 = tpu.memref_slice %arg2[%dma_wait3A_23] : memref<640000xi32, #tpu.memory_space<hbm>> -> memref<128xi32, #tpu.memory_space<hbm>>
    tpu.wait_dma2 semaphore(%arg15 : memref<!tpu.dma_semaphore, #tpu.memory_space<semaphore_mem>>) src(%dma_wait3A_24 : memref<128xi32, #tpu.memory_space<hbm>>) dst(%arg7 : memref<128xi32, #tpu.memory_space<vmem>>)
    %dma_wait3A_25 = arith.constant 0 : i32
    %dma_wait3A_26 = tpu.memref_slice %arg2[%dma_wait3A_25] : memref<640000xi32, #tpu.memory_space<hbm>> -> memref<128xi32, #tpu.memory_space<hbm>>
    %dma_wait3A_27 = arith.constant 0 : i32
    %dma_wait3A_28 = tpu.memref_slice %arg2[%dma_wait3A_27] : memref<640000xi32, #tpu.memory_space<hbm>> -> memref<128xi32, #tpu.memory_space<hbm>>
    tpu.wait_dma2 semaphore(%arg15 : memref<!tpu.dma_semaphore, #tpu.memory_space<semaphore_mem>>) src(%dma_wait3A_28 : memref<128xi32, #tpu.memory_space<hbm>>) dst(%arg9 : memref<128xi32, #tpu.memory_space<vmem>>)
    %dma_start3A_29 = arith.constant 0 : i32
    %dma_start3A_30 = arith.constant 0 : i32
    %dma_start3A_31 = tpu.memref_slice %arg3[%dma_start3A_29, %dma_start3A_30] : memref<10000x128xf32, #tpu.memory_space<hbm>> -> memref<10000x128xf32, #tpu.memory_space<hbm>>
    tpu.enqueue_indirect_dma source(%dma_start3A_31 : memref<10000x128xf32, #tpu.memory_space<hbm>>) target(%arg11 : memref<128x128xf32, #tpu.memory_space<vmem>>) offsets(%arg7 : memref<128xi32, #tpu.memory_space<vmem>>) semaphore(%arg14 : memref<!tpu.dma_semaphore, #tpu.memory_space<semaphore_mem>>)
    %jit3A = arith.constant 2 : i32
    %div3A = arith.divsi %add3A_3, %jit3A : i32
    %sign3A = arith.constant 0 : i32
    %sign3A_32 = arith.cmpi sgt, %add3A_3, %sign3A : i32
    %sign3A_33 = arith.extui %sign3A_32 : i1 to i32
    %sign3A_34 = arith.constant 0 : i32
    %sign3A_35 = arith.cmpi slt, %add3A_3, %sign3A_34 : i32
    %sign3A_36 = arith.extui %sign3A_35 : i1 to i32
    %sign3A_37 = arith.subi %sign3A_33, %sign3A_36 : i32
    %sign3A_38 = arith.constant 0 : i32
    %sign3A_39 = arith.cmpi sgt, %jit3A, %sign3A_38 : i32
    %sign3A_40 = arith.extui %sign3A_39 : i1 to i32
    %sign3A_41 = arith.constant 0 : i32
    %sign3A_42 = arith.cmpi slt, %jit3A, %sign3A_41 : i32
    %sign3A_43 = arith.extui %sign3A_42 : i1 to i32
    %sign3A_44 = arith.subi %sign3A_40, %sign3A_43 : i32
    %ne3A = arith.cmpi ne, %sign3A_37, %sign3A_44 : i32
    %rem3A = arith.remsi %add3A_3, %jit3A : i32
    %ne3A_45 = arith.constant 0 : i32
    %ne3A_46 = arith.cmpi ne, %rem3A, %ne3A_45 : i32
    %and3A = arith.andi %ne3A, %ne3A_46 : i1
    %sub3A = arith.constant 1 : i32
    %sub3A_47 = arith.subi %div3A, %sub3A : i32
    %select_n3A = arith.select %and3A, %sub3A_47, %div3A : i32
    %while3A = arith.constant 0 : i32
    %while3A_48 = arith.constant 0 : i32
    %while3A_49 = arith.subi %select_n3A, %while3A_48 : i32
    %while3A_50 = arith.addi %while3A_48, %while3A_49 : i32
    %while3A_51 = arith.constant 1 : i32
    %while3A_52 = arith.divsi %while3A_49, %while3A_51 : i32
    %while3A_53 = arith.muli %while3A_52, %while3A_51 : i32
    %while3A_54 = arith.addi %while3A_48, %while3A_53 : i32
    %while3A_55 = arith.constant 1 : i32
    scf.for %while3A_104 = %while3A_48 to %while3A_54 step %while3A_55  : i32 {
      %mul3A_105 = arith.constant 2 : i32
      %mul3A_106 = arith.muli %while3A_104, %mul3A_105 : i32
      %add3A_107 = arith.constant 0 : i32
      %add3A_108 = arith.addi %mul3A_106, %add3A_107 : i32
      %sub3A_109 = arith.constant 1 : i32
      %sub3A_110 = arith.subi %add3A_3, %sub3A_109 : i32
      %lt3A_111 = arith.cmpi slt, %add3A_108, %sub3A_110 : i32
      %convert_element_type3A_112 = arith.extui %lt3A_111 : i1 to i32
      %cond3A_113 = arith.constant 0 : i32
      %cond3A_114 = arith.cmpi ne, %convert_element_type3A_112, %cond3A_113 : i32
      scf.if %cond3A_114 {
        %add3A_149 = arith.constant 1 : i32
        %add3A_150 = arith.addi %add3A_108, %add3A_149 : i32
        %add3A_151 = arith.addi %add3A_7, %add3A_150 : i32
        %mul3A_152 = arith.constant 128 : i32
        %mul3A_153 = arith.muli %add3A_151, %mul3A_152 : i32
        %dma_start3A_154 = tpu.memref_slice %arg2[%mul3A_153] : memref<640000xi32, #tpu.memory_space<hbm>> -> memref<128xi32, #tpu.memory_space<hbm>>
        %dma_start3A_155 = tpu.memref_slice %arg2[%mul3A_153] : memref<640000xi32, #tpu.memory_space<hbm>> -> memref<128xi32, #tpu.memory_space<hbm>>
        tpu.enqueue_dma source(%dma_start3A_155 : memref<128xi32, #tpu.memory_space<hbm>>) target(%arg8 : memref<128xi32, #tpu.memory_space<vmem>>) target_semaphore(%arg15 : memref<!tpu.dma_semaphore, #tpu.memory_space<semaphore_mem>>)
        %add3A_156 = arith.constant 320000 : i32
        %add3A_157 = arith.addi %add3A_156, %mul3A_153 : i32
        %dma_start3A_158 = tpu.memref_slice %arg2[%add3A_157] : memref<640000xi32, #tpu.memory_space<hbm>> -> memref<128xi32, #tpu.memory_space<hbm>>
        %dma_start3A_159 = tpu.memref_slice %arg2[%add3A_157] : memref<640000xi32, #tpu.memory_space<hbm>> -> memref<128xi32, #tpu.memory_space<hbm>>
        tpu.enqueue_dma source(%dma_start3A_159 : memref<128xi32, #tpu.memory_space<hbm>>) target(%arg10 : memref<128xi32, #tpu.memory_space<vmem>>) target_semaphore(%arg15 : memref<!tpu.dma_semaphore, #tpu.memory_space<semaphore_mem>>)
      } else {
      }
      %dma_wait3A_115 = arith.constant 0 : i32
      %dma_wait3A_116 = arith.constant 0 : i32
      %dma_wait3A_117 = tpu.memref_slice %arg3[%dma_wait3A_115, %dma_wait3A_116] : memref<10000x128xf32, #tpu.memory_space<hbm>> -> memref<10000x128xf32, #tpu.memory_space<hbm>>
      tpu.wait_indirect_dma semaphore(%arg14 : memref<!tpu.dma_semaphore, #tpu.memory_space<semaphore_mem>>) src(%dma_wait3A_117 : memref<10000x128xf32, #tpu.memory_space<hbm>>) dst(%arg11 : memref<128x128xf32, #tpu.memory_space<vmem>>)
      %sub3A_118 = arith.constant 1 : i32
      %sub3A_119 = arith.subi %add3A_3, %sub3A_118 : i32
      %lt3A_120 = arith.cmpi slt, %add3A_108, %sub3A_119 : i32
      %convert_element_type3A_121 = arith.extui %lt3A_120 : i1 to i32
      %cond3A_122 = arith.constant 0 : i32
      %cond3A_123 = arith.cmpi ne, %convert_element_type3A_121, %cond3A_122 : i32
      scf.if %cond3A_123 {
        %dma_wait3A_149 = arith.constant 0 : i32
        %dma_wait3A_150 = tpu.memref_slice %arg2[%dma_wait3A_149] : memref<640000xi32, #tpu.memory_space<hbm>> -> memref<128xi32, #tpu.memory_space<hbm>>
        %dma_wait3A_151 = arith.constant 0 : i32
        %dma_wait3A_152 = tpu.memref_slice %arg2[%dma_wait3A_151] : memref<640000xi32, #tpu.memory_space<hbm>> -> memref<128xi32, #tpu.memory_space<hbm>>
        tpu.wait_dma2 semaphore(%arg15 : memref<!tpu.dma_semaphore, #tpu.memory_space<semaphore_mem>>) src(%dma_wait3A_152 : memref<128xi32, #tpu.memory_space<hbm>>) dst(%arg8 : memref<128xi32, #tpu.memory_space<vmem>>)
        %dma_wait3A_153 = arith.constant 0 : i32
        %dma_wait3A_154 = tpu.memref_slice %arg2[%dma_wait3A_153] : memref<640000xi32, #tpu.memory_space<hbm>> -> memref<128xi32, #tpu.memory_space<hbm>>
        %dma_wait3A_155 = arith.constant 0 : i32
        %dma_wait3A_156 = tpu.memref_slice %arg2[%dma_wait3A_155] : memref<640000xi32, #tpu.memory_space<hbm>> -> memref<128xi32, #tpu.memory_space<hbm>>
        tpu.wait_dma2 semaphore(%arg15 : memref<!tpu.dma_semaphore, #tpu.memory_space<semaphore_mem>>) src(%dma_wait3A_156 : memref<128xi32, #tpu.memory_space<hbm>>) dst(%arg10 : memref<128xi32, #tpu.memory_space<vmem>>)
        %gt3A = arith.constant 0 : i32
        %gt3A_157 = arith.cmpi sgt, %add3A_108, %gt3A : i32
        %convert_element_type3A_158 = arith.extui %gt3A_157 : i1 to i32
        %cond3A_159 = arith.constant 0 : i32
        %cond3A_160 = arith.cmpi ne, %convert_element_type3A_158, %cond3A_159 : i32
        scf.if %cond3A_160 {
          %dma_wait3A_164 = arith.constant 0 : i32
          %dma_wait3A_165 = arith.constant 0 : i32
          %dma_wait3A_166 = tpu.memref_slice %arg13[%dma_wait3A_164, %dma_wait3A_165] : memref<10240x128xf32, #tpu.memory_space<vmem_shared>> -> memref<10240x128xf32, #tpu.memory_space<vmem_shared>>
          tpu.wait_indirect_dma semaphore(%arg17 : memref<!tpu.dma_semaphore, #tpu.memory_space<semaphore_mem>>) src(%arg12 : memref<128x128xf32, #tpu.memory_space<vmem>>) dst(%dma_wait3A_166 : memref<10240x128xf32, #tpu.memory_space<vmem_shared>>)
        } else {
        }
        %dma_start3A_161 = arith.constant 0 : i32
        %dma_start3A_162 = arith.constant 0 : i32
        %dma_start3A_163 = tpu.memref_slice %arg3[%dma_start3A_161, %dma_start3A_162] : memref<10000x128xf32, #tpu.memory_space<hbm>> -> memref<10000x128xf32, #tpu.memory_space<hbm>>
        tpu.enqueue_indirect_dma source(%dma_start3A_163 : memref<10000x128xf32, #tpu.memory_space<hbm>>) target(%arg12 : memref<128x128xf32, #tpu.memory_space<vmem>>) offsets(%arg8 : memref<128xi32, #tpu.memory_space<vmem>>) semaphore(%arg14 : memref<!tpu.dma_semaphore, #tpu.memory_space<semaphore_mem>>)
      } else {
      }
      %dma_start3A_124 = arith.constant 0 : i32
      %dma_start3A_125 = arith.constant 0 : i32
      %dma_start3A_126 = tpu.memref_slice %arg13[%dma_start3A_124, %dma_start3A_125] : memref<10240x128xf32, #tpu.memory_space<vmem_shared>> -> memref<10240x128xf32, #tpu.memory_space<vmem_shared>>
      tpu.enqueue_indirect_dma source(%arg11 : memref<128x128xf32, #tpu.memory_space<vmem>>) target(%dma_start3A_126 : memref<10240x128xf32, #tpu.memory_space<vmem_shared>>) offsets(%arg9 : memref<128xi32, #tpu.memory_space<vmem>>) semaphore(%arg16 : memref<!tpu.dma_semaphore, #tpu.memory_space<semaphore_mem>>) {add = true}
      %mul3A_127 = arith.constant 2 : i32
      %mul3A_128 = arith.muli %while3A_104, %mul3A_127 : i32
      %add3A_129 = arith.constant 1 : i32
      %add3A_130 = arith.addi %mul3A_128, %add3A_129 : i32
      %sub3A_131 = arith.constant 1 : i32
      %sub3A_132 = arith.subi %add3A_3, %sub3A_131 : i32
      %lt3A_133 = arith.cmpi slt, %add3A_130, %sub3A_132 : i32
      %convert_element_type3A_134 = arith.extui %lt3A_133 : i1 to i32
      %cond3A_135 = arith.constant 0 : i32
      %cond3A_136 = arith.cmpi ne, %convert_element_type3A_134, %cond3A_135 : i32
      scf.if %cond3A_136 {
        %add3A_149 = arith.constant 1 : i32
        %add3A_150 = arith.addi %add3A_130, %add3A_149 : i32
        %add3A_151 = arith.addi %add3A_7, %add3A_150 : i32
        %mul3A_152 = arith.constant 128 : i32
        %mul3A_153 = arith.muli %add3A_151, %mul3A_152 : i32
        %dma_start3A_154 = tpu.memref_slice %arg2[%mul3A_153] : memref<640000xi32, #tpu.memory_space<hbm>> -> memref<128xi32, #tpu.memory_space<hbm>>
        %dma_start3A_155 = tpu.memref_slice %arg2[%mul3A_153] : memref<640000xi32, #tpu.memory_space<hbm>> -> memref<128xi32, #tpu.memory_space<hbm>>
        tpu.enqueue_dma source(%dma_start3A_155 : memref<128xi32, #tpu.memory_space<hbm>>) target(%arg7 : memref<128xi32, #tpu.memory_space<vmem>>) target_semaphore(%arg15 : memref<!tpu.dma_semaphore, #tpu.memory_space<semaphore_mem>>)
        %add3A_156 = arith.constant 320000 : i32
        %add3A_157 = arith.addi %add3A_156, %mul3A_153 : i32
        %dma_start3A_158 = tpu.memref_slice %arg2[%add3A_157] : memref<640000xi32, #tpu.memory_space<hbm>> -> memref<128xi32, #tpu.memory_space<hbm>>
        %dma_start3A_159 = tpu.memref_slice %arg2[%add3A_157] : memref<640000xi32, #tpu.memory_space<hbm>> -> memref<128xi32, #tpu.memory_space<hbm>>
        tpu.enqueue_dma source(%dma_start3A_159 : memref<128xi32, #tpu.memory_space<hbm>>) target(%arg9 : memref<128xi32, #tpu.memory_space<vmem>>) target_semaphore(%arg15 : memref<!tpu.dma_semaphore, #tpu.memory_space<semaphore_mem>>)
      } else {
      }
      %dma_wait3A_137 = arith.constant 0 : i32
      %dma_wait3A_138 = arith.constant 0 : i32
      %dma_wait3A_139 = tpu.memref_slice %arg3[%dma_wait3A_137, %dma_wait3A_138] : memref<10000x128xf32, #tpu.memory_space<hbm>> -> memref<10000x128xf32, #tpu.memory_space<hbm>>
      tpu.wait_indirect_dma semaphore(%arg14 : memref<!tpu.dma_semaphore, #tpu.memory_space<semaphore_mem>>) src(%dma_wait3A_139 : memref<10000x128xf32, #tpu.memory_space<hbm>>) dst(%arg12 : memref<128x128xf32, #tpu.memory_space<vmem>>)
      %sub3A_140 = arith.constant 1 : i32
      %sub3A_141 = arith.subi %add3A_3, %sub3A_140 : i32
      %lt3A_142 = arith.cmpi slt, %add3A_130, %sub3A_141 : i32
      %convert_element_type3A_143 = arith.extui %lt3A_142 : i1 to i32
      %cond3A_144 = arith.constant 0 : i32
      %cond3A_145 = arith.cmpi ne, %convert_element_type3A_143, %cond3A_144 : i32
      scf.if %cond3A_145 {
        %dma_wait3A_149 = arith.constant 0 : i32
        %dma_wait3A_150 = tpu.memref_slice %arg2[%dma_wait3A_149] : memref<640000xi32, #tpu.memory_space<hbm>> -> memref<128xi32, #tpu.memory_space<hbm>>
        %dma_wait3A_151 = arith.constant 0 : i32
        %dma_wait3A_152 = tpu.memref_slice %arg2[%dma_wait3A_151] : memref<640000xi32, #tpu.memory_space<hbm>> -> memref<128xi32, #tpu.memory_space<hbm>>
        tpu.wait_dma2 semaphore(%arg15 : memref<!tpu.dma_semaphore, #tpu.memory_space<semaphore_mem>>) src(%dma_wait3A_152 : memref<128xi32, #tpu.memory_space<hbm>>) dst(%arg7 : memref<128xi32, #tpu.memory_space<vmem>>)
        %dma_wait3A_153 = arith.constant 0 : i32
        %dma_wait3A_154 = tpu.memref_slice %arg2[%dma_wait3A_153] : memref<640000xi32, #tpu.memory_space<hbm>> -> memref<128xi32, #tpu.memory_space<hbm>>
        %dma_wait3A_155 = arith.constant 0 : i32
        %dma_wait3A_156 = tpu.memref_slice %arg2[%dma_wait3A_155] : memref<640000xi32, #tpu.memory_space<hbm>> -> memref<128xi32, #tpu.memory_space<hbm>>
        tpu.wait_dma2 semaphore(%arg15 : memref<!tpu.dma_semaphore, #tpu.memory_space<semaphore_mem>>) src(%dma_wait3A_156 : memref<128xi32, #tpu.memory_space<hbm>>) dst(%arg9 : memref<128xi32, #tpu.memory_space<vmem>>)
        %gt3A = arith.constant 0 : i32
        %gt3A_157 = arith.cmpi sgt, %add3A_130, %gt3A : i32
        %convert_element_type3A_158 = arith.extui %gt3A_157 : i1 to i32
        %cond3A_159 = arith.constant 0 : i32
        %cond3A_160 = arith.cmpi ne, %convert_element_type3A_158, %cond3A_159 : i32
        scf.if %cond3A_160 {
          %dma_wait3A_164 = arith.constant 0 : i32
          %dma_wait3A_165 = arith.constant 0 : i32
          %dma_wait3A_166 = tpu.memref_slice %arg13[%dma_wait3A_164, %dma_wait3A_165] : memref<10240x128xf32, #tpu.memory_space<vmem_shared>> -> memref<10240x128xf32, #tpu.memory_space<vmem_shared>>
          tpu.wait_indirect_dma semaphore(%arg16 : memref<!tpu.dma_semaphore, #tpu.memory_space<semaphore_mem>>) src(%arg11 : memref<128x128xf32, #tpu.memory_space<vmem>>) dst(%dma_wait3A_166 : memref<10240x128xf32, #tpu.memory_space<vmem_shared>>)
        } else {
        }
        %dma_start3A_161 = arith.constant 0 : i32
        %dma_start3A_162 = arith.constant 0 : i32
        %dma_start3A_163 = tpu.memref_slice %arg3[%dma_start3A_161, %dma_start3A_162] : memref<10000x128xf32, #tpu.memory_space<hbm>> -> memref<10000x128xf32, #tpu.memory_space<hbm>>
        tpu.enqueue_indirect_dma source(%dma_start3A_163 : memref<10000x128xf32, #tpu.memory_space<hbm>>) target(%arg11 : memref<128x128xf32, #tpu.memory_space<vmem>>) offsets(%arg7 : memref<128xi32, #tpu.memory_space<vmem>>) semaphore(%arg14 : memref<!tpu.dma_semaphore, #tpu.memory_space<semaphore_mem>>)
      } else {
      }
      %dma_start3A_146 = arith.constant 0 : i32
      %dma_start3A_147 = arith.constant 0 : i32
      %dma_start3A_148 = tpu.memref_slice %arg13[%dma_start3A_146, %dma_start3A_147] : memref<10240x128xf32, #tpu.memory_space<vmem_shared>> -> memref<10240x128xf32, #tpu.memory_space<vmem_shared>>
      tpu.enqueue_indirect_dma source(%arg12 : memref<128x128xf32, #tpu.memory_space<vmem>>) target(%dma_start3A_148 : memref<10240x128xf32, #tpu.memory_space<vmem_shared>>) offsets(%arg10 : memref<128xi32, #tpu.memory_space<vmem>>) semaphore(%arg17 : memref<!tpu.dma_semaphore, #tpu.memory_space<semaphore_mem>>) {add = true}
    }
    %while3A_56 = arith.constant 1 : i32
    scf.for %while3A_104 = %while3A_54 to %while3A_50 step %while3A_56  : i32 {
      %mul3A_105 = arith.constant 2 : i32
      %mul3A_106 = arith.muli %while3A_104, %mul3A_105 : i32
      %add3A_107 = arith.constant 0 : i32
      %add3A_108 = arith.addi %mul3A_106, %add3A_107 : i32
      %sub3A_109 = arith.constant 1 : i32
      %sub3A_110 = arith.subi %add3A_3, %sub3A_109 : i32
      %lt3A_111 = arith.cmpi slt, %add3A_108, %sub3A_110 : i32
      %convert_element_type3A_112 = arith.extui %lt3A_111 : i1 to i32
      %cond3A_113 = arith.constant 0 : i32
      %cond3A_114 = arith.cmpi ne, %convert_element_type3A_112, %cond3A_113 : i32
      scf.if %cond3A_114 {
        %add3A_149 = arith.constant 1 : i32
        %add3A_150 = arith.addi %add3A_108, %add3A_149 : i32
        %add3A_151 = arith.addi %add3A_7, %add3A_150 : i32
        %mul3A_152 = arith.constant 128 : i32
        %mul3A_153 = arith.muli %add3A_151, %mul3A_152 : i32
        %dma_start3A_154 = tpu.memref_slice %arg2[%mul3A_153] : memref<640000xi32, #tpu.memory_space<hbm>> -> memref<128xi32, #tpu.memory_space<hbm>>
        %dma_start3A_155 = tpu.memref_slice %arg2[%mul3A_153] : memref<640000xi32, #tpu.memory_space<hbm>> -> memref<128xi32, #tpu.memory_space<hbm>>
        tpu.enqueue_dma source(%dma_start3A_155 : memref<128xi32, #tpu.memory_space<hbm>>) target(%arg8 : memref<128xi32, #tpu.memory_space<vmem>>) target_semaphore(%arg15 : memref<!tpu.dma_semaphore, #tpu.memory_space<semaphore_mem>>)
        %add3A_156 = arith.constant 320000 : i32
        %add3A_157 = arith.addi %add3A_156, %mul3A_153 : i32
        %dma_start3A_158 = tpu.memref_slice %arg2[%add3A_157] : memref<640000xi32, #tpu.memory_space<hbm>> -> memref<128xi32, #tpu.memory_space<hbm>>
        %dma_start3A_159 = tpu.memref_slice %arg2[%add3A_157] : memref<640000xi32, #tpu.memory_space<hbm>> -> memref<128xi32, #tpu.memory_space<hbm>>
        tpu.enqueue_dma source(%dma_start3A_159 : memref<128xi32, #tpu.memory_space<hbm>>) target(%arg10 : memref<128xi32, #tpu.memory_space<vmem>>) target_semaphore(%arg15 : memref<!tpu.dma_semaphore, #tpu.memory_space<semaphore_mem>>)
      } else {
      }
      %dma_wait3A_115 = arith.constant 0 : i32
      %dma_wait3A_116 = arith.constant 0 : i32
      %dma_wait3A_117 = tpu.memref_slice %arg3[%dma_wait3A_115, %dma_wait3A_116] : memref<10000x128xf32, #tpu.memory_space<hbm>> -> memref<10000x128xf32, #tpu.memory_space<hbm>>
      tpu.wait_indirect_dma semaphore(%arg14 : memref<!tpu.dma_semaphore, #tpu.memory_space<semaphore_mem>>) src(%dma_wait3A_117 : memref<10000x128xf32, #tpu.memory_space<hbm>>) dst(%arg11 : memref<128x128xf32, #tpu.memory_space<vmem>>)
      %sub3A_118 = arith.constant 1 : i32
      %sub3A_119 = arith.subi %add3A_3, %sub3A_118 : i32
      %lt3A_120 = arith.cmpi slt, %add3A_108, %sub3A_119 : i32
      %convert_element_type3A_121 = arith.extui %lt3A_120 : i1 to i32
      %cond3A_122 = arith.constant 0 : i32
      %cond3A_123 = arith.cmpi ne, %convert_element_type3A_121, %cond3A_122 : i32
      scf.if %cond3A_123 {
        %dma_wait3A_149 = arith.constant 0 : i32
        %dma_wait3A_150 = tpu.memref_slice %arg2[%dma_wait3A_149] : memref<640000xi32, #tpu.memory_space<hbm>> -> memref<128xi32, #tpu.memory_space<hbm>>
        %dma_wait3A_151 = arith.constant 0 : i32
        %dma_wait3A_152 = tpu.memref_slice %arg2[%dma_wait3A_151] : memref<640000xi32, #tpu.memory_space<hbm>> -> memref<128xi32, #tpu.memory_space<hbm>>
        tpu.wait_dma2 semaphore(%arg15 : memref<!tpu.dma_semaphore, #tpu.memory_space<semaphore_mem>>) src(%dma_wait3A_152 : memref<128xi32, #tpu.memory_space<hbm>>) dst(%arg8 : memref<128xi32, #tpu.memory_space<vmem>>)
        %dma_wait3A_153 = arith.constant 0 : i32
        %dma_wait3A_154 = tpu.memref_slice %arg2[%dma_wait3A_153] : memref<640000xi32, #tpu.memory_space<hbm>> -> memref<128xi32, #tpu.memory_space<hbm>>
        %dma_wait3A_155 = arith.constant 0 : i32
        %dma_wait3A_156 = tpu.memref_slice %arg2[%dma_wait3A_155] : memref<640000xi32, #tpu.memory_space<hbm>> -> memref<128xi32, #tpu.memory_space<hbm>>
        tpu.wait_dma2 semaphore(%arg15 : memref<!tpu.dma_semaphore, #tpu.memory_space<semaphore_mem>>) src(%dma_wait3A_156 : memref<128xi32, #tpu.memory_space<hbm>>) dst(%arg10 : memref<128xi32, #tpu.memory_space<vmem>>)
        %gt3A = arith.constant 0 : i32
        %gt3A_157 = arith.cmpi sgt, %add3A_108, %gt3A : i32
        %convert_element_type3A_158 = arith.extui %gt3A_157 : i1 to i32
        %cond3A_159 = arith.constant 0 : i32
        %cond3A_160 = arith.cmpi ne, %convert_element_type3A_158, %cond3A_159 : i32
        scf.if %cond3A_160 {
          %dma_wait3A_164 = arith.constant 0 : i32
          %dma_wait3A_165 = arith.constant 0 : i32
          %dma_wait3A_166 = tpu.memref_slice %arg13[%dma_wait3A_164, %dma_wait3A_165] : memref<10240x128xf32, #tpu.memory_space<vmem_shared>> -> memref<10240x128xf32, #tpu.memory_space<vmem_shared>>
          tpu.wait_indirect_dma semaphore(%arg17 : memref<!tpu.dma_semaphore, #tpu.memory_space<semaphore_mem>>) src(%arg12 : memref<128x128xf32, #tpu.memory_space<vmem>>) dst(%dma_wait3A_166 : memref<10240x128xf32, #tpu.memory_space<vmem_shared>>)
        } else {
        }
        %dma_start3A_161 = arith.constant 0 : i32
        %dma_start3A_162 = arith.constant 0 : i32
        %dma_start3A_163 = tpu.memref_slice %arg3[%dma_start3A_161, %dma_start3A_162] : memref<10000x128xf32, #tpu.memory_space<hbm>> -> memref<10000x128xf32, #tpu.memory_space<hbm>>
        tpu.enqueue_indirect_dma source(%dma_start3A_163 : memref<10000x128xf32, #tpu.memory_space<hbm>>) target(%arg12 : memref<128x128xf32, #tpu.memory_space<vmem>>) offsets(%arg8 : memref<128xi32, #tpu.memory_space<vmem>>) semaphore(%arg14 : memref<!tpu.dma_semaphore, #tpu.memory_space<semaphore_mem>>)
      } else {
      }
      %dma_start3A_124 = arith.constant 0 : i32
      %dma_start3A_125 = arith.constant 0 : i32
      %dma_start3A_126 = tpu.memref_slice %arg13[%dma_start3A_124, %dma_start3A_125] : memref<10240x128xf32, #tpu.memory_space<vmem_shared>> -> memref<10240x128xf32, #tpu.memory_space<vmem_shared>>
      tpu.enqueue_indirect_dma source(%arg11 : memref<128x128xf32, #tpu.memory_space<vmem>>) target(%dma_start3A_126 : memref<10240x128xf32, #tpu.memory_space<vmem_shared>>) offsets(%arg9 : memref<128xi32, #tpu.memory_space<vmem>>) semaphore(%arg16 : memref<!tpu.dma_semaphore, #tpu.memory_space<semaphore_mem>>) {add = true}
      %mul3A_127 = arith.constant 2 : i32
      %mul3A_128 = arith.muli %while3A_104, %mul3A_127 : i32
      %add3A_129 = arith.constant 1 : i32
      %add3A_130 = arith.addi %mul3A_128, %add3A_129 : i32
      %sub3A_131 = arith.constant 1 : i32
      %sub3A_132 = arith.subi %add3A_3, %sub3A_131 : i32
      %lt3A_133 = arith.cmpi slt, %add3A_130, %sub3A_132 : i32
      %convert_element_type3A_134 = arith.extui %lt3A_133 : i1 to i32
      %cond3A_135 = arith.constant 0 : i32
      %cond3A_136 = arith.cmpi ne, %convert_element_type3A_134, %cond3A_135 : i32
      scf.if %cond3A_136 {
        %add3A_149 = arith.constant 1 : i32
        %add3A_150 = arith.addi %add3A_130, %add3A_149 : i32
        %add3A_151 = arith.addi %add3A_7, %add3A_150 : i32
        %mul3A_152 = arith.constant 128 : i32
        %mul3A_153 = arith.muli %add3A_151, %mul3A_152 : i32
        %dma_start3A_154 = tpu.memref_slice %arg2[%mul3A_153] : memref<640000xi32, #tpu.memory_space<hbm>> -> memref<128xi32, #tpu.memory_space<hbm>>
        %dma_start3A_155 = tpu.memref_slice %arg2[%mul3A_153] : memref<640000xi32, #tpu.memory_space<hbm>> -> memref<128xi32, #tpu.memory_space<hbm>>
        tpu.enqueue_dma source(%dma_start3A_155 : memref<128xi32, #tpu.memory_space<hbm>>) target(%arg7 : memref<128xi32, #tpu.memory_space<vmem>>) target_semaphore(%arg15 : memref<!tpu.dma_semaphore, #tpu.memory_space<semaphore_mem>>)
        %add3A_156 = arith.constant 320000 : i32
        %add3A_157 = arith.addi %add3A_156, %mul3A_153 : i32
        %dma_start3A_158 = tpu.memref_slice %arg2[%add3A_157] : memref<640000xi32, #tpu.memory_space<hbm>> -> memref<128xi32, #tpu.memory_space<hbm>>
        %dma_start3A_159 = tpu.memref_slice %arg2[%add3A_157] : memref<640000xi32, #tpu.memory_space<hbm>> -> memref<128xi32, #tpu.memory_space<hbm>>
        tpu.enqueue_dma source(%dma_start3A_159 : memref<128xi32, #tpu.memory_space<hbm>>) target(%arg9 : memref<128xi32, #tpu.memory_space<vmem>>) target_semaphore(%arg15 : memref<!tpu.dma_semaphore, #tpu.memory_space<semaphore_mem>>)
      } else {
      }
      %dma_wait3A_137 = arith.constant 0 : i32
      %dma_wait3A_138 = arith.constant 0 : i32
      %dma_wait3A_139 = tpu.memref_slice %arg3[%dma_wait3A_137, %dma_wait3A_138] : memref<10000x128xf32, #tpu.memory_space<hbm>> -> memref<10000x128xf32, #tpu.memory_space<hbm>>
      tpu.wait_indirect_dma semaphore(%arg14 : memref<!tpu.dma_semaphore, #tpu.memory_space<semaphore_mem>>) src(%dma_wait3A_139 : memref<10000x128xf32, #tpu.memory_space<hbm>>) dst(%arg12 : memref<128x128xf32, #tpu.memory_space<vmem>>)
      %sub3A_140 = arith.constant 1 : i32
      %sub3A_141 = arith.subi %add3A_3, %sub3A_140 : i32
      %lt3A_142 = arith.cmpi slt, %add3A_130, %sub3A_141 : i32
      %convert_element_type3A_143 = arith.extui %lt3A_142 : i1 to i32
      %cond3A_144 = arith.constant 0 : i32
      %cond3A_145 = arith.cmpi ne, %convert_element_type3A_143, %cond3A_144 : i32
      scf.if %cond3A_145 {
        %dma_wait3A_149 = arith.constant 0 : i32
        %dma_wait3A_150 = tpu.memref_slice %arg2[%dma_wait3A_149] : memref<640000xi32, #tpu.memory_space<hbm>> -> memref<128xi32, #tpu.memory_space<hbm>>
        %dma_wait3A_151 = arith.constant 0 : i32
        %dma_wait3A_152 = tpu.memref_slice %arg2[%dma_wait3A_151] : memref<640000xi32, #tpu.memory_space<hbm>> -> memref<128xi32, #tpu.memory_space<hbm>>
        tpu.wait_dma2 semaphore(%arg15 : memref<!tpu.dma_semaphore, #tpu.memory_space<semaphore_mem>>) src(%dma_wait3A_152 : memref<128xi32, #tpu.memory_space<hbm>>) dst(%arg7 : memref<128xi32, #tpu.memory_space<vmem>>)
        %dma_wait3A_153 = arith.constant 0 : i32
        %dma_wait3A_154 = tpu.memref_slice %arg2[%dma_wait3A_153] : memref<640000xi32, #tpu.memory_space<hbm>> -> memref<128xi32, #tpu.memory_space<hbm>>
        %dma_wait3A_155 = arith.constant 0 : i32
        %dma_wait3A_156 = tpu.memref_slice %arg2[%dma_wait3A_155] : memref<640000xi32, #tpu.memory_space<hbm>> -> memref<128xi32, #tpu.memory_space<hbm>>
        tpu.wait_dma2 semaphore(%arg15 : memref<!tpu.dma_semaphore, #tpu.memory_space<semaphore_mem>>) src(%dma_wait3A_156 : memref<128xi32, #tpu.memory_space<hbm>>) dst(%arg9 : memref<128xi32, #tpu.memory_space<vmem>>)
        %gt3A = arith.constant 0 : i32
        %gt3A_157 = arith.cmpi sgt, %add3A_130, %gt3A : i32
        %convert_element_type3A_158 = arith.extui %gt3A_157 : i1 to i32
        %cond3A_159 = arith.constant 0 : i32
        %cond3A_160 = arith.cmpi ne, %convert_element_type3A_158, %cond3A_159 : i32
        scf.if %cond3A_160 {
          %dma_wait3A_164 = arith.constant 0 : i32
          %dma_wait3A_165 = arith.constant 0 : i32
          %dma_wait3A_166 = tpu.memref_slice %arg13[%dma_wait3A_164, %dma_wait3A_165] : memref<10240x128xf32, #tpu.memory_space<vmem_shared>> -> memref<10240x128xf32, #tpu.memory_space<vmem_shared>>
          tpu.wait_indirect_dma semaphore(%arg16 : memref<!tpu.dma_semaphore, #tpu.memory_space<semaphore_mem>>) src(%arg11 : memref<128x128xf32, #tpu.memory_space<vmem>>) dst(%dma_wait3A_166 : memref<10240x128xf32, #tpu.memory_space<vmem_shared>>)
        } else {
        }
        %dma_start3A_161 = arith.constant 0 : i32
        %dma_start3A_162 = arith.constant 0 : i32
        %dma_start3A_163 = tpu.memref_slice %arg3[%dma_start3A_161, %dma_start3A_162] : memref<10000x128xf32, #tpu.memory_space<hbm>> -> memref<10000x128xf32, #tpu.memory_space<hbm>>
        tpu.enqueue_indirect_dma source(%dma_start3A_163 : memref<10000x128xf32, #tpu.memory_space<hbm>>) target(%arg11 : memref<128x128xf32, #tpu.memory_space<vmem>>) offsets(%arg7 : memref<128xi32, #tpu.memory_space<vmem>>) semaphore(%arg14 : memref<!tpu.dma_semaphore, #tpu.memory_space<semaphore_mem>>)
      } else {
      }
      %dma_start3A_146 = arith.constant 0 : i32
      %dma_start3A_147 = arith.constant 0 : i32
      %dma_start3A_148 = tpu.memref_slice %arg13[%dma_start3A_146, %dma_start3A_147] : memref<10240x128xf32, #tpu.memory_space<vmem_shared>> -> memref<10240x128xf32, #tpu.memory_space<vmem_shared>>
      tpu.enqueue_indirect_dma source(%arg12 : memref<128x128xf32, #tpu.memory_space<vmem>>) target(%dma_start3A_148 : memref<10240x128xf32, #tpu.memory_space<vmem_shared>>) offsets(%arg10 : memref<128xi32, #tpu.memory_space<vmem>>) semaphore(%arg17 : memref<!tpu.dma_semaphore, #tpu.memory_space<semaphore_mem>>) {add = true}
    }
    %jit3A_57 = arith.constant 2 : i32
    %eq3A = arith.constant 0 : i32
    %eq3A_58 = arith.cmpi eq, %jit3A_57, %eq3A : i32
    %jit3A_59 = arith.constant 1 : i32
    %select_n3A_60 = arith.select %eq3A_58, %jit3A_59, %jit3A_57 : i32
    %rem3A_61 = arith.remsi %add3A_3, %select_n3A_60 : i32
    %ne3A_62 = arith.constant 0 : i32
    %ne3A_63 = arith.cmpi ne, %rem3A_61, %ne3A_62 : i32
    %lt3A_64 = arith.constant 0 : i32
    %lt3A_65 = arith.cmpi slt, %rem3A_61, %lt3A_64 : i32
    %lt3A_66 = arith.constant 0 : i32
    %lt3A_67 = arith.cmpi slt, %select_n3A_60, %lt3A_66 : i32
    %ne3A_68 = arith.xori %lt3A_65, %lt3A_67 : i1
    %and3A_69 = arith.andi %ne3A_68, %ne3A_63 : i1
    %add3A_70 = arith.addi %rem3A_61, %select_n3A_60 : i32
    %select_n3A_71 = arith.select %and3A_69, %add3A_70, %rem3A_61 : i32
    %eq3A_72 = arith.constant 1 : i32
    %eq3A_73 = arith.cmpi eq, %select_n3A_71, %eq3A_72 : i32
    %convert_element_type3A_74 = arith.extui %eq3A_73 : i1 to i32
    %cond3A = arith.constant 0 : i32
    %cond3A_75 = arith.cmpi ne, %convert_element_type3A_74, %cond3A : i32
    scf.if %cond3A_75 {
      %dma_wait3A_104 = arith.constant 0 : i32
      %dma_wait3A_105 = arith.constant 0 : i32
      %dma_wait3A_106 = tpu.memref_slice %arg13[%dma_wait3A_104, %dma_wait3A_105] : memref<10240x128xf32, #tpu.memory_space<vmem_shared>> -> memref<10240x128xf32, #tpu.memory_space<vmem_shared>>
      tpu.wait_indirect_dma semaphore(%arg17 : memref<!tpu.dma_semaphore, #tpu.memory_space<semaphore_mem>>) src(%arg12 : memref<128x128xf32, #tpu.memory_space<vmem>>) dst(%dma_wait3A_106 : memref<10240x128xf32, #tpu.memory_space<vmem_shared>>)
      %dma_wait3A_107 = arith.constant 0 : i32
      %dma_wait3A_108 = arith.constant 0 : i32
      %dma_wait3A_109 = tpu.memref_slice %arg3[%dma_wait3A_107, %dma_wait3A_108] : memref<10000x128xf32, #tpu.memory_space<hbm>> -> memref<10000x128xf32, #tpu.memory_space<hbm>>
      tpu.wait_indirect_dma semaphore(%arg14 : memref<!tpu.dma_semaphore, #tpu.memory_space<semaphore_mem>>) src(%dma_wait3A_109 : memref<10000x128xf32, #tpu.memory_space<hbm>>) dst(%arg11 : memref<128x128xf32, #tpu.memory_space<vmem>>)
      %dma_start3A_110 = arith.constant 0 : i32
      %dma_start3A_111 = arith.constant 0 : i32
      %dma_start3A_112 = tpu.memref_slice %arg13[%dma_start3A_110, %dma_start3A_111] : memref<10240x128xf32, #tpu.memory_space<vmem_shared>> -> memref<10240x128xf32, #tpu.memory_space<vmem_shared>>
      tpu.enqueue_indirect_dma source(%arg11 : memref<128x128xf32, #tpu.memory_space<vmem>>) target(%dma_start3A_112 : memref<10240x128xf32, #tpu.memory_space<vmem_shared>>) offsets(%arg9 : memref<128xi32, #tpu.memory_space<vmem>>) semaphore(%arg16 : memref<!tpu.dma_semaphore, #tpu.memory_space<semaphore_mem>>) {add = true}
      %dma_wait3A_113 = arith.constant 0 : i32
      %dma_wait3A_114 = arith.constant 0 : i32
      %dma_wait3A_115 = tpu.memref_slice %arg13[%dma_wait3A_113, %dma_wait3A_114] : memref<10240x128xf32, #tpu.memory_space<vmem_shared>> -> memref<10240x128xf32, #tpu.memory_space<vmem_shared>>
      tpu.wait_indirect_dma semaphore(%arg16 : memref<!tpu.dma_semaphore, #tpu.memory_space<semaphore_mem>>) src(%arg11 : memref<128x128xf32, #tpu.memory_space<vmem>>) dst(%dma_wait3A_115 : memref<10240x128xf32, #tpu.memory_space<vmem_shared>>)
    } else {
    }
    %jit3A_76 = arith.constant 2 : i32
    %eq3A_77 = arith.constant 0 : i32
    %eq3A_78 = arith.cmpi eq, %jit3A_76, %eq3A_77 : i32
    %jit3A_79 = arith.constant 1 : i32
    %select_n3A_80 = arith.select %eq3A_78, %jit3A_79, %jit3A_76 : i32
    %rem3A_81 = arith.remsi %add3A_3, %select_n3A_80 : i32
    %ne3A_82 = arith.constant 0 : i32
    %ne3A_83 = arith.cmpi ne, %rem3A_81, %ne3A_82 : i32
    %lt3A_84 = arith.constant 0 : i32
    %lt3A_85 = arith.cmpi slt, %rem3A_81, %lt3A_84 : i32
    %lt3A_86 = arith.constant 0 : i32
    %lt3A_87 = arith.cmpi slt, %select_n3A_80, %lt3A_86 : i32
    %ne3A_88 = arith.xori %lt3A_85, %lt3A_87 : i1
    %and3A_89 = arith.andi %ne3A_88, %ne3A_83 : i1
    %add3A_90 = arith.addi %rem3A_81, %select_n3A_80 : i32
    %select_n3A_91 = arith.select %and3A_89, %add3A_90, %rem3A_81 : i32
    %eq3A_92 = arith.constant 0 : i32
    %eq3A_93 = arith.cmpi eq, %select_n3A_91, %eq3A_92 : i32
    %convert_element_type3A_94 = arith.extui %eq3A_93 : i1 to i32
    %cond3A_95 = arith.constant 0 : i32
    %cond3A_96 = arith.cmpi ne, %convert_element_type3A_94, %cond3A_95 : i32
    scf.if %cond3A_96 {
      %dma_wait3A_104 = arith.constant 0 : i32
      %dma_wait3A_105 = arith.constant 0 : i32
      %dma_wait3A_106 = tpu.memref_slice %arg13[%dma_wait3A_104, %dma_wait3A_105] : memref<10240x128xf32, #tpu.memory_space<vmem_shared>> -> memref<10240x128xf32, #tpu.memory_space<vmem_shared>>
      tpu.wait_indirect_dma semaphore(%arg16 : memref<!tpu.dma_semaphore, #tpu.memory_space<semaphore_mem>>) src(%arg11 : memref<128x128xf32, #tpu.memory_space<vmem>>) dst(%dma_wait3A_106 : memref<10240x128xf32, #tpu.memory_space<vmem_shared>>)
      %dma_wait3A_107 = arith.constant 0 : i32
      %dma_wait3A_108 = arith.constant 0 : i32
      %dma_wait3A_109 = tpu.memref_slice %arg13[%dma_wait3A_107, %dma_wait3A_108] : memref<10240x128xf32, #tpu.memory_space<vmem_shared>> -> memref<10240x128xf32, #tpu.memory_space<vmem_shared>>
      tpu.wait_indirect_dma semaphore(%arg17 : memref<!tpu.dma_semaphore, #tpu.memory_space<semaphore_mem>>) src(%arg12 : memref<128x128xf32, #tpu.memory_space<vmem>>) dst(%dma_wait3A_109 : memref<10240x128xf32, #tpu.memory_space<vmem_shared>>)
    } else {
    }
    %barrier3A_97 = arith.constant 0 : index
    tpu.barrier barrier_id(%barrier3A_97)
    %scan3A_98 = arith.constant 0 : i32
    %scan3A_99 = arith.constant 0 : i32
    %scan3A_100 = arith.constant 5 : i32
    %scan3A_101 = arith.addi %scan3A_99, %scan3A_100 : i32
    %scan3A_102 = arith.constant 1 : i32
    scf.for %scan3A_104 = %scan3A_99 to %scan3A_101 step %scan3A_102  : i32 {
      %mul3A_105 = arith.constant 640 : i32
      %mul3A_106 = arith.muli %arg1, %mul3A_105 : i32
      %mul3A_107 = arith.constant 128 : i32
      %mul3A_108 = arith.muli %scan3A_104, %mul3A_107 : i32
      %add3A_109 = arith.addi %mul3A_106, %mul3A_108 : i32
      "tpu.region"() ({
        %run_scoped3A = tpu.sem_alloc : memref<!tpu.dma_semaphore, #tpu.memory_space<semaphore_mem>>
        %dma_start3A_120 = arith.constant 0 : i32
        %dma_start3A_121 = tpu.memref_slice %arg13[%add3A_109, %dma_start3A_120] : memref<10240x128xf32, #tpu.memory_space<vmem_shared>> -> memref<128x128xf32, #tpu.memory_space<vmem_shared>>
        %dma_start3A_122 = arith.constant 0 : i32
        %dma_start3A_123 = tpu.memref_slice %arg13[%add3A_109, %dma_start3A_122] : memref<10240x128xf32, #tpu.memory_space<vmem_shared>> -> memref<128x128xf32, #tpu.memory_space<vmem_shared>>
        tpu.enqueue_dma source(%dma_start3A_123 : memref<128x128xf32, #tpu.memory_space<vmem_shared>>) target(%arg11 : memref<128x128xf32, #tpu.memory_space<vmem>>) target_semaphore(%run_scoped3A : memref<!tpu.dma_semaphore, #tpu.memory_space<semaphore_mem>>)
        %dma_wait3A_124 = arith.constant 0 : i32
        %dma_wait3A_125 = tpu.memref_slice %arg13[%add3A_109, %dma_wait3A_124] : memref<10240x128xf32, #tpu.memory_space<vmem_shared>> -> memref<128x128xf32, #tpu.memory_space<vmem_shared>>
        %dma_wait3A_126 = arith.constant 0 : i32
        %dma_wait3A_127 = tpu.memref_slice %arg13[%add3A_109, %dma_wait3A_126] : memref<10240x128xf32, #tpu.memory_space<vmem_shared>> -> memref<128x128xf32, #tpu.memory_space<vmem_shared>>
        tpu.wait_dma2 semaphore(%run_scoped3A : memref<!tpu.dma_semaphore, #tpu.memory_space<semaphore_mem>>) src(%dma_wait3A_127 : memref<128x128xf32, #tpu.memory_space<vmem_shared>>) dst(%arg11 : memref<128x128xf32, #tpu.memory_space<vmem>>)
        tpu.yield
      }) : () -> ()
      %eq3A_110 = arith.constant 0 : i32
      %eq3A_111 = arith.cmpi eq, %arg0, %eq3A_110 : i32
      %convert_element_type3A_112 = arith.extui %eq3A_111 : i1 to i32
      %cond3A_113 = arith.constant 0 : i32
      %cond3A_114 = arith.cmpi ne, %convert_element_type3A_112, %cond3A_113 : i32
      scf.if %cond3A_114 {
        "tpu.region"() ({
          %run_scoped3A = tpu.sem_alloc : memref<!tpu.dma_semaphore, #tpu.memory_space<semaphore_mem>>
          %dma_start3A_120 = arith.constant 0 : i32
          %dma_start3A_121 = tpu.memref_slice %arg5[%add3A_109, %dma_start3A_120] : memref<10240x128xf32, #tpu.memory_space<hbm>> -> memref<128x128xf32, #tpu.memory_space<hbm>>
          %dma_start3A_122 = arith.constant 0 : i32
          %dma_start3A_123 = tpu.memref_slice %arg5[%add3A_109, %dma_start3A_122] : memref<10240x128xf32, #tpu.memory_space<hbm>> -> memref<128x128xf32, #tpu.memory_space<hbm>>
          tpu.enqueue_dma source(%arg11 : memref<128x128xf32, #tpu.memory_space<vmem>>) target(%dma_start3A_123 : memref<128x128xf32, #tpu.memory_space<hbm>>) target_semaphore(%run_scoped3A : memref<!tpu.dma_semaphore, #tpu.memory_space<semaphore_mem>>)
          %dma_wait3A_124 = arith.constant 0 : i32
          %dma_wait3A_125 = tpu.memref_slice %arg5[%add3A_109, %dma_wait3A_124] : memref<10240x128xf32, #tpu.memory_space<hbm>> -> memref<128x128xf32, #tpu.memory_space<hbm>>
          %dma_wait3A_126 = arith.constant 0 : i32
          %dma_wait3A_127 = tpu.memref_slice %arg5[%add3A_109, %dma_wait3A_126] : memref<10240x128xf32, #tpu.memory_space<hbm>> -> memref<128x128xf32, #tpu.memory_space<hbm>>
          tpu.wait_dma2 semaphore(%run_scoped3A : memref<!tpu.dma_semaphore, #tpu.memory_space<semaphore_mem>>) src(%arg11 : memref<128x128xf32, #tpu.memory_space<vmem>>) dst(%dma_wait3A_127 : memref<128x128xf32, #tpu.memory_space<hbm>>)
          tpu.yield
        }) : () -> ()
      } else {
      }
      %eq3A_115 = arith.constant 1 : i32
      %eq3A_116 = arith.cmpi eq, %arg0, %eq3A_115 : i32
      %convert_element_type3A_117 = arith.extui %eq3A_116 : i1 to i32
      %cond3A_118 = arith.constant 0 : i32
      %cond3A_119 = arith.cmpi ne, %convert_element_type3A_117, %cond3A_118 : i32
      scf.if %cond3A_119 {
        "tpu.region"() ({
          %run_scoped3A = tpu.sem_alloc : memref<!tpu.dma_semaphore, #tpu.memory_space<semaphore_mem>>
          %dma_start3A_120 = arith.constant 0 : i32
          %dma_start3A_121 = tpu.memref_slice %arg6[%add3A_109, %dma_start3A_120] : memref<10240x128xf32, #tpu.memory_space<hbm>> -> memref<128x128xf32, #tpu.memory_space<hbm>>
          %dma_start3A_122 = arith.constant 0 : i32
          %dma_start3A_123 = tpu.memref_slice %arg6[%add3A_109, %dma_start3A_122] : memref<10240x128xf32, #tpu.memory_space<hbm>> -> memref<128x128xf32, #tpu.memory_space<hbm>>
          tpu.enqueue_dma source(%arg11 : memref<128x128xf32, #tpu.memory_space<vmem>>) target(%dma_start3A_123 : memref<128x128xf32, #tpu.memory_space<hbm>>) target_semaphore(%run_scoped3A : memref<!tpu.dma_semaphore, #tpu.memory_space<semaphore_mem>>)
          %dma_wait3A_124 = arith.constant 0 : i32
          %dma_wait3A_125 = tpu.memref_slice %arg6[%add3A_109, %dma_wait3A_124] : memref<10240x128xf32, #tpu.memory_space<hbm>> -> memref<128x128xf32, #tpu.memory_space<hbm>>
          %dma_wait3A_126 = arith.constant 0 : i32
          %dma_wait3A_127 = tpu.memref_slice %arg6[%add3A_109, %dma_wait3A_126] : memref<10240x128xf32, #tpu.memory_space<hbm>> -> memref<128x128xf32, #tpu.memory_space<hbm>>
          tpu.wait_dma2 semaphore(%run_scoped3A : memref<!tpu.dma_semaphore, #tpu.memory_space<semaphore_mem>>) src(%arg11 : memref<128x128xf32, #tpu.memory_space<vmem>>) dst(%dma_wait3A_127 : memref<128x128xf32, #tpu.memory_space<hbm>>)
          tpu.yield
        }) : () -> ()
      } else {
      }
    }
    %scan3A_103 = arith.constant 5 : i32
    return
  }
}

#map = affine_map<(d0, d1) -> (0)>
#map1 = affine_map<(d0, d1) -> (0, 0)>
module attributes {stable_mosaic.version = 14 : i64} {
  func.func @body(%arg0: i32, %arg1: i32, %arg2: memref<640000xi32, #tpu.memory_space<hbm>>, %arg3: memref<10000x128xf32, #tpu.memory_space<hbm>>, %arg4: memref<128x128xf32, #tpu.memory_space<hbm>>, %arg5: memref<10240x128xf32, #tpu.memory_space<hbm>>, %arg6: memref<10240x128xf32, #tpu.memory_space<hbm>>, %arg7: memref<128xi32, #tpu.memory_space<vmem>>, %arg8: memref<128xi32, #tpu.memory_space<vmem>>, %arg9: memref<128xi32, #tpu.memory_space<vmem>>, %arg10: memref<128xi32, #tpu.memory_space<vmem>>, %arg11: memref<128x128xf32, #tpu.memory_space<vmem>>, %arg12: memref<128x128xf32, #tpu.memory_space<vmem>>, %arg13: memref<10240x128xf32, #tpu.memory_space<vmem_shared>>, %arg14: memref<!tpu.dma_semaphore, #tpu.memory_space<semaphore_mem>>, %arg15: memref<!tpu.dma_semaphore, #tpu.memory_space<semaphore_mem>>, %arg16: memref<!tpu.dma_semaphore, #tpu.memory_space<semaphore_mem>>, %arg17: memref<!tpu.dma_semaphore, #tpu.memory_space<semaphore_mem>>) attributes {dimension_semantics = [#tpu.dimension_semantics<core_parallel>, #tpu.dimension_semantics<subcore_parallel>], iteration_bounds = array<i64: 2, 16>, scalar_prefetch = 0 : i64, scratch_operands = 11 : i64, tpu.core_type = #tpu.core_type<sc_vector_subcore>, window_params = [{transform_indices = #map}, {transform_indices = #map1}, {transform_indices = #map1}, {transform_indices = #map1}, {transform_indices = #map1}]} {
    %mul3A = arith.constant 2 : i32
    %mul3A_0 = arith.muli %arg1, %mul3A : i32
    %add3A = arith.addi %mul3A_0, %arg0 : i32
    %lt3A = arith.constant 4 : i32
    %lt3A_1 = arith.cmpi slt, %add3A, %lt3A : i32
    %convert_element_type3A = arith.extui %lt3A_1 : i1 to i32
    %add3A_2 = arith.constant 78 : i32
    %add3A_3 = arith.addi %add3A_2, %convert_element_type3A : i32
    %mul3A_4 = arith.constant 78 : i32
    %mul3A_5 = arith.muli %add3A, %mul3A_4 : i32
    %min3A = arith.constant 4 : i32
    %min3A_6 = arith.minsi %add3A, %min3A : i32
    %add3A_7 = arith.addi %mul3A_5, %min3A_6 : i32
    "tpu.region"() ({
      %run_scoped3A = tpu.sem_alloc : memref<!tpu.dma_semaphore, #tpu.memory_space<semaphore_mem>>
      tpu.enqueue_dma source(%arg4 : memref<128x128xf32, #tpu.memory_space<hbm>>) target(%arg11 : memref<128x128xf32, #tpu.memory_space<vmem>>) target_semaphore(%run_scoped3A : memref<!tpu.dma_semaphore, #tpu.memory_space<semaphore_mem>>)
      tpu.wait_dma2 semaphore(%run_scoped3A : memref<!tpu.dma_semaphore, #tpu.memory_space<semaphore_mem>>) src(%arg4 : memref<128x128xf32, #tpu.memory_space<hbm>>) dst(%arg11 : memref<128x128xf32, #tpu.memory_space<vmem>>)
      tpu.yield
    }) : () -> ()
    %scan3A = arith.constant 0 : i32
    %scan3A_8 = arith.constant 0 : i32
    %scan3A_9 = arith.constant 5 : i32
    %scan3A_10 = arith.addi %scan3A_8, %scan3A_9 : i32
    %scan3A_11 = arith.constant 1 : i32
    scf.for %scan3A_104 = %scan3A_8 to %scan3A_10 step %scan3A_11  : i32 {
      %mul3A_105 = arith.constant 640 : i32
      %mul3A_106 = arith.muli %arg1, %mul3A_105 : i32
      %mul3A_107 = arith.constant 128 : i32
      %mul3A_108 = arith.muli %scan3A_104, %mul3A_107 : i32
      %add3A_109 = arith.addi %mul3A_106, %mul3A_108 : i32
      "tpu.region"() ({
        %run_scoped3A = tpu.sem_alloc : memref<!tpu.dma_semaphore, #tpu.memory_space<semaphore_mem>>
        %dma_start3A_110 = arith.constant 0 : i32
        %dma_start3A_111 = tpu.memref_slice %arg13[%add3A_109, %dma_start3A_110] : memref<10240x128xf32, #tpu.memory_space<vmem_shared>> -> memref<128x128xf32, #tpu.memory_space<vmem_shared>>
        %dma_start3A_112 = arith.constant 0 : i32
        %dma_start3A_113 = tpu.memref_slice %arg13[%add3A_109, %dma_start3A_112] : memref<10240x128xf32, #tpu.memory_space<vmem_shared>> -> memref<128x128xf32, #tpu.memory_space<vmem_shared>>
        tpu.enqueue_dma source(%arg11 : memref<128x128xf32, #tpu.memory_space<vmem>>) target(%dma_start3A_113 : memref<128x128xf32, #tpu.memory_space<vmem_shared>>) target_semaphore(%run_scoped3A : memref<!tpu.dma_semaphore, #tpu.memory_space<semaphore_mem>>)
        %dma_wait3A_114 = arith.constant 0 : i32
        %dma_wait3A_115 = tpu.memref_slice %arg13[%add3A_109, %dma_wait3A_114] : memref<10240x128xf32, #tpu.memory_space<vmem_shared>> -> memref<128x128xf32, #tpu.memory_space<vmem_shared>>
        %dma_wait3A_116 = arith.constant 0 : i32
        %dma_wait3A_117 = tpu.memref_slice %arg13[%add3A_109, %dma_wait3A_116] : memref<10240x128xf32, #tpu.memory_space<vmem_shared>> -> memref<128x128xf32, #tpu.memory_space<vmem_shared>>
        tpu.wait_dma2 semaphore(%run_scoped3A : memref<!tpu.dma_semaphore, #tpu.memory_space<semaphore_mem>>) src(%arg11 : memref<128x128xf32, #tpu.memory_space<vmem>>) dst(%dma_wait3A_117 : memref<128x128xf32, #tpu.memory_space<vmem_shared>>)
        tpu.yield
      }) : () -> ()
    }
    %scan3A_12 = arith.constant 5 : i32
    %barrier3A = arith.constant 0 : index
    tpu.barrier barrier_id(%barrier3A)
    %add3A_13 = arith.constant 0 : i32
    %add3A_14 = arith.addi %add3A_7, %add3A_13 : i32
    %mul3A_15 = arith.constant 128 : i32
    %mul3A_16 = arith.muli %add3A_14, %mul3A_15 : i32
    %dma_start3A = tpu.memref_slice %arg2[%mul3A_16] : memref<640000xi32, #tpu.memory_space<hbm>> -> memref<128xi32, #tpu.memory_space<hbm>>
    %dma_start3A_17 = tpu.memref_slice %arg2[%mul3A_16] : memref<640000xi32, #tpu.memory_space<hbm>> -> memref<128xi32, #tpu.memory_space<hbm>>
    tpu.enqueue_dma source(%dma_start3A_17 : memref<128xi32, #tpu.memory_space<hbm>>) target(%arg7 : memref<128xi32, #tpu.memory_space<vmem>>) target_semaphore(%arg15 : memref<!tpu.dma_semaphore, #tpu.memory_space<semaphore_mem>>)
    %add3A_18 = arith.constant 320000 : i32
    %add3A_19 = arith.addi %add3A_18, %mul3A_16 : i32
    %dma_start3A_20 = tpu.memref_slice %arg2[%add3A_19] : memref<640000xi32, #tpu.memory_space<hbm>> -> memref<128xi32, #tpu.memory_space<hbm>>
    %dma_start3A_21 = tpu.memref_slice %arg2[%add3A_19] : memref<640000xi32, #tpu.memory_space<hbm>> -> memref<128xi32, #tpu.memory_space<hbm>>
    tpu.enqueue_dma source(%dma_start3A_21 : memref<128xi32, #tpu.memory_space<hbm>>) target(%arg9 : memref<128xi32, #tpu.memory_space<vmem>>) target_semaphore(%arg15 : memref<!tpu.dma_semaphore, #tpu.memory_space<semaphore_mem>>)
    %dma_wait3A = arith.constant 0 : i32
    %dma_wait3A_22 = tpu.memref_slice %arg2[%dma_wait3A] : memref<640000xi32, #tpu.memory_space<hbm>> -> memref<128xi32, #tpu.memory_space<hbm>>
    %dma_wait3A_23 = arith.constant 0 : i32
    %dma_wait3A_24 = tpu.memref_slice %arg2[%dma_wait3A_23] : memref<640000xi32, #tpu.memory_space<hbm>> -> memref<128xi32, #tpu.memory_space<hbm>>
    tpu.wait_dma2 semaphore(%arg15 : memref<!tpu.dma_semaphore, #tpu.memory_space<semaphore_mem>>) src(%dma_wait3A_24 : memref<128xi32, #tpu.memory_space<hbm>>) dst(%arg7 : memref<128xi32, #tpu.memory_space<vmem>>)
    %dma_wait3A_25 = arith.constant 0 : i32
    %dma_wait3A_26 = tpu.memref_slice %arg2[%dma_wait3A_25] : memref<640000xi32, #tpu.memory_space<hbm>> -> memref<128xi32, #tpu.memory_space<hbm>>
    %dma_wait3A_27 = arith.constant 0 : i32
    %dma_wait3A_28 = tpu.memref_slice %arg2[%dma_wait3A_27] : memref<640000xi32, #tpu.memory_space<hbm>> -> memref<128xi32, #tpu.memory_space<hbm>>
    tpu.wait_dma2 semaphore(%arg15 : memref<!tpu.dma_semaphore, #tpu.memory_space<semaphore_mem>>) src(%dma_wait3A_28 : memref<128xi32, #tpu.memory_space<hbm>>) dst(%arg9 : memref<128xi32, #tpu.memory_space<vmem>>)
    %dma_start3A_29 = arith.constant 0 : i32
    %dma_start3A_30 = arith.constant 0 : i32
    %dma_start3A_31 = tpu.memref_slice %arg3[%dma_start3A_29, %dma_start3A_30] : memref<10000x128xf32, #tpu.memory_space<hbm>> -> memref<10000x128xf32, #tpu.memory_space<hbm>>
    tpu.enqueue_indirect_dma source(%dma_start3A_31 : memref<10000x128xf32, #tpu.memory_space<hbm>>) target(%arg11 : memref<128x128xf32, #tpu.memory_space<vmem>>) offsets(%arg7 : memref<128xi32, #tpu.memory_space<vmem>>) semaphore(%arg14 : memref<!tpu.dma_semaphore, #tpu.memory_space<semaphore_mem>>)
    %jit3A = arith.constant 2 : i32
    %div3A = arith.divsi %add3A_3, %jit3A : i32
    %sign3A = arith.constant 0 : i32
    %sign3A_32 = arith.cmpi sgt, %add3A_3, %sign3A : i32
    %sign3A_33 = arith.extui %sign3A_32 : i1 to i32
    %sign3A_34 = arith.constant 0 : i32
    %sign3A_35 = arith.cmpi slt, %add3A_3, %sign3A_34 : i32
    %sign3A_36 = arith.extui %sign3A_35 : i1 to i32
    %sign3A_37 = arith.subi %sign3A_33, %sign3A_36 : i32
    %sign3A_38 = arith.constant 0 : i32
    %sign3A_39 = arith.cmpi sgt, %jit3A, %sign3A_38 : i32
    %sign3A_40 = arith.extui %sign3A_39 : i1 to i32
    %sign3A_41 = arith.constant 0 : i32
    %sign3A_42 = arith.cmpi slt, %jit3A, %sign3A_41 : i32
    %sign3A_43 = arith.extui %sign3A_42 : i1 to i32
    %sign3A_44 = arith.subi %sign3A_40, %sign3A_43 : i32
    %ne3A = arith.cmpi ne, %sign3A_37, %sign3A_44 : i32
    %rem3A = arith.remsi %add3A_3, %jit3A : i32
    %ne3A_45 = arith.constant 0 : i32
    %ne3A_46 = arith.cmpi ne, %rem3A, %ne3A_45 : i32
    %and3A = arith.andi %ne3A, %ne3A_46 : i1
    %sub3A = arith.constant 1 : i32
    %sub3A_47 = arith.subi %div3A, %sub3A : i32
    %select_n3A = arith.select %and3A, %sub3A_47, %div3A : i32
    %while3A = arith.constant 0 : i32
    %while3A_48 = arith.constant 0 : i32
    %while3A_49 = arith.subi %select_n3A, %while3A_48 : i32
    %while3A_50 = arith.addi %while3A_48, %while3A_49 : i32
    %while3A_51 = arith.constant 1 : i32
    %while3A_52 = arith.divsi %while3A_49, %while3A_51 : i32
    %while3A_53 = arith.muli %while3A_52, %while3A_51 : i32
    %while3A_54 = arith.addi %while3A_48, %while3A_53 : i32
    %while3A_55 = arith.constant 1 : i32
    scf.for %while3A_104 = %while3A_48 to %while3A_54 step %while3A_55  : i32 {
      %mul3A_105 = arith.constant 2 : i32
      %mul3A_106 = arith.muli %while3A_104, %mul3A_105 : i32
      %add3A_107 = arith.constant 0 : i32
      %add3A_108 = arith.addi %mul3A_106, %add3A_107 : i32
      %sub3A_109 = arith.constant 1 : i32
      %sub3A_110 = arith.subi %add3A_3, %sub3A_109 : i32
      %lt3A_111 = arith.cmpi slt, %add3A_108, %sub3A_110 : i32
      %convert_element_type3A_112 = arith.extui %lt3A_111 : i1 to i32
      %cond3A_113 = arith.constant 0 : i32
      %cond3A_114 = arith.cmpi ne, %convert_element_type3A_112, %cond3A_113 : i32
      scf.if %cond3A_114 {
        %add3A_149 = arith.constant 1 : i32
        %add3A_150 = arith.addi %add3A_108, %add3A_149 : i32
        %add3A_151 = arith.addi %add3A_7, %add3A_150 : i32
        %mul3A_152 = arith.constant 128 : i32
        %mul3A_153 = arith.muli %add3A_151, %mul3A_152 : i32
        %dma_start3A_154 = tpu.memref_slice %arg2[%mul3A_153] : memref<640000xi32, #tpu.memory_space<hbm>> -> memref<128xi32, #tpu.memory_space<hbm>>
        %dma_start3A_155 = tpu.memref_slice %arg2[%mul3A_153] : memref<640000xi32, #tpu.memory_space<hbm>> -> memref<128xi32, #tpu.memory_space<hbm>>
        tpu.enqueue_dma source(%dma_start3A_155 : memref<128xi32, #tpu.memory_space<hbm>>) target(%arg8 : memref<128xi32, #tpu.memory_space<vmem>>) target_semaphore(%arg15 : memref<!tpu.dma_semaphore, #tpu.memory_space<semaphore_mem>>)
        %add3A_156 = arith.constant 320000 : i32
        %add3A_157 = arith.addi %add3A_156, %mul3A_153 : i32
        %dma_start3A_158 = tpu.memref_slice %arg2[%add3A_157] : memref<640000xi32, #tpu.memory_space<hbm>> -> memref<128xi32, #tpu.memory_space<hbm>>
        %dma_start3A_159 = tpu.memref_slice %arg2[%add3A_157] : memref<640000xi32, #tpu.memory_space<hbm>> -> memref<128xi32, #tpu.memory_space<hbm>>
        tpu.enqueue_dma source(%dma_start3A_159 : memref<128xi32, #tpu.memory_space<hbm>>) target(%arg10 : memref<128xi32, #tpu.memory_space<vmem>>) target_semaphore(%arg15 : memref<!tpu.dma_semaphore, #tpu.memory_space<semaphore_mem>>)
      } else {
      }
      %dma_wait3A_115 = arith.constant 0 : i32
      %dma_wait3A_116 = arith.constant 0 : i32
      %dma_wait3A_117 = tpu.memref_slice %arg3[%dma_wait3A_115, %dma_wait3A_116] : memref<10000x128xf32, #tpu.memory_space<hbm>> -> memref<10000x128xf32, #tpu.memory_space<hbm>>
      tpu.wait_indirect_dma semaphore(%arg14 : memref<!tpu.dma_semaphore, #tpu.memory_space<semaphore_mem>>) src(%dma_wait3A_117 : memref<10000x128xf32, #tpu.memory_space<hbm>>) dst(%arg11 : memref<128x128xf32, #tpu.memory_space<vmem>>)
      %sub3A_118 = arith.constant 1 : i32
      %sub3A_119 = arith.subi %add3A_3, %sub3A_118 : i32
      %lt3A_120 = arith.cmpi slt, %add3A_108, %sub3A_119 : i32
      %convert_element_type3A_121 = arith.extui %lt3A_120 : i1 to i32
      %cond3A_122 = arith.constant 0 : i32
      %cond3A_123 = arith.cmpi ne, %convert_element_type3A_121, %cond3A_122 : i32
      scf.if %cond3A_123 {
        %dma_wait3A_149 = arith.constant 0 : i32
        %dma_wait3A_150 = tpu.memref_slice %arg2[%dma_wait3A_149] : memref<640000xi32, #tpu.memory_space<hbm>> -> memref<128xi32, #tpu.memory_space<hbm>>
        %dma_wait3A_151 = arith.constant 0 : i32
        %dma_wait3A_152 = tpu.memref_slice %arg2[%dma_wait3A_151] : memref<640000xi32, #tpu.memory_space<hbm>> -> memref<128xi32, #tpu.memory_space<hbm>>
        tpu.wait_dma2 semaphore(%arg15 : memref<!tpu.dma_semaphore, #tpu.memory_space<semaphore_mem>>) src(%dma_wait3A_152 : memref<128xi32, #tpu.memory_space<hbm>>) dst(%arg8 : memref<128xi32, #tpu.memory_space<vmem>>)
        %dma_wait3A_153 = arith.constant 0 : i32
        %dma_wait3A_154 = tpu.memref_slice %arg2[%dma_wait3A_153] : memref<640000xi32, #tpu.memory_space<hbm>> -> memref<128xi32, #tpu.memory_space<hbm>>
        %dma_wait3A_155 = arith.constant 0 : i32
        %dma_wait3A_156 = tpu.memref_slice %arg2[%dma_wait3A_155] : memref<640000xi32, #tpu.memory_space<hbm>> -> memref<128xi32, #tpu.memory_space<hbm>>
        tpu.wait_dma2 semaphore(%arg15 : memref<!tpu.dma_semaphore, #tpu.memory_space<semaphore_mem>>) src(%dma_wait3A_156 : memref<128xi32, #tpu.memory_space<hbm>>) dst(%arg10 : memref<128xi32, #tpu.memory_space<vmem>>)
        %gt3A = arith.constant 0 : i32
        %gt3A_157 = arith.cmpi sgt, %add3A_108, %gt3A : i32
        %convert_element_type3A_158 = arith.extui %gt3A_157 : i1 to i32
        %cond3A_159 = arith.constant 0 : i32
        %cond3A_160 = arith.cmpi ne, %convert_element_type3A_158, %cond3A_159 : i32
        scf.if %cond3A_160 {
          %dma_wait3A_164 = arith.constant 0 : i32
          %dma_wait3A_165 = arith.constant 0 : i32
          %dma_wait3A_166 = tpu.memref_slice %arg13[%dma_wait3A_164, %dma_wait3A_165] : memref<10240x128xf32, #tpu.memory_space<vmem_shared>> -> memref<10240x128xf32, #tpu.memory_space<vmem_shared>>
          tpu.wait_indirect_dma semaphore(%arg17 : memref<!tpu.dma_semaphore, #tpu.memory_space<semaphore_mem>>) src(%arg12 : memref<128x128xf32, #tpu.memory_space<vmem>>) dst(%dma_wait3A_166 : memref<10240x128xf32, #tpu.memory_space<vmem_shared>>)
        } else {
        }
        %dma_start3A_161 = arith.constant 0 : i32
        %dma_start3A_162 = arith.constant 0 : i32
        %dma_start3A_163 = tpu.memref_slice %arg3[%dma_start3A_161, %dma_start3A_162] : memref<10000x128xf32, #tpu.memory_space<hbm>> -> memref<10000x128xf32, #tpu.memory_space<hbm>>
        tpu.enqueue_indirect_dma source(%dma_start3A_163 : memref<10000x128xf32, #tpu.memory_space<hbm>>) target(%arg12 : memref<128x128xf32, #tpu.memory_space<vmem>>) offsets(%arg8 : memref<128xi32, #tpu.memory_space<vmem>>) semaphore(%arg14 : memref<!tpu.dma_semaphore, #tpu.memory_space<semaphore_mem>>)
      } else {
      }
      %dma_start3A_124 = arith.constant 0 : i32
      %dma_start3A_125 = arith.constant 0 : i32
      %dma_start3A_126 = tpu.memref_slice %arg13[%dma_start3A_124, %dma_start3A_125] : memref<10240x128xf32, #tpu.memory_space<vmem_shared>> -> memref<10240x128xf32, #tpu.memory_space<vmem_shared>>
      tpu.enqueue_indirect_dma source(%arg11 : memref<128x128xf32, #tpu.memory_space<vmem>>) target(%dma_start3A_126 : memref<10240x128xf32, #tpu.memory_space<vmem_shared>>) offsets(%arg9 : memref<128xi32, #tpu.memory_space<vmem>>) semaphore(%arg16 : memref<!tpu.dma_semaphore, #tpu.memory_space<semaphore_mem>>) {add = true}
      %mul3A_127 = arith.constant 2 : i32
      %mul3A_128 = arith.muli %while3A_104, %mul3A_127 : i32
      %add3A_129 = arith.constant 1 : i32
      %add3A_130 = arith.addi %mul3A_128, %add3A_129 : i32
      %sub3A_131 = arith.constant 1 : i32
      %sub3A_132 = arith.subi %add3A_3, %sub3A_131 : i32
      %lt3A_133 = arith.cmpi slt, %add3A_130, %sub3A_132 : i32
      %convert_element_type3A_134 = arith.extui %lt3A_133 : i1 to i32
      %cond3A_135 = arith.constant 0 : i32
      %cond3A_136 = arith.cmpi ne, %convert_element_type3A_134, %cond3A_135 : i32
      scf.if %cond3A_136 {
        %add3A_149 = arith.constant 1 : i32
        %add3A_150 = arith.addi %add3A_130, %add3A_149 : i32
        %add3A_151 = arith.addi %add3A_7, %add3A_150 : i32
        %mul3A_152 = arith.constant 128 : i32
        %mul3A_153 = arith.muli %add3A_151, %mul3A_152 : i32
        %dma_start3A_154 = tpu.memref_slice %arg2[%mul3A_153] : memref<640000xi32, #tpu.memory_space<hbm>> -> memref<128xi32, #tpu.memory_space<hbm>>
        %dma_start3A_155 = tpu.memref_slice %arg2[%mul3A_153] : memref<640000xi32, #tpu.memory_space<hbm>> -> memref<128xi32, #tpu.memory_space<hbm>>
        tpu.enqueue_dma source(%dma_start3A_155 : memref<128xi32, #tpu.memory_space<hbm>>) target(%arg7 : memref<128xi32, #tpu.memory_space<vmem>>) target_semaphore(%arg15 : memref<!tpu.dma_semaphore, #tpu.memory_space<semaphore_mem>>)
        %add3A_156 = arith.constant 320000 : i32
        %add3A_157 = arith.addi %add3A_156, %mul3A_153 : i32
        %dma_start3A_158 = tpu.memref_slice %arg2[%add3A_157] : memref<640000xi32, #tpu.memory_space<hbm>> -> memref<128xi32, #tpu.memory_space<hbm>>
        %dma_start3A_159 = tpu.memref_slice %arg2[%add3A_157] : memref<640000xi32, #tpu.memory_space<hbm>> -> memref<128xi32, #tpu.memory_space<hbm>>
        tpu.enqueue_dma source(%dma_start3A_159 : memref<128xi32, #tpu.memory_space<hbm>>) target(%arg9 : memref<128xi32, #tpu.memory_space<vmem>>) target_semaphore(%arg15 : memref<!tpu.dma_semaphore, #tpu.memory_space<semaphore_mem>>)
      } else {
      }
      %dma_wait3A_137 = arith.constant 0 : i32
      %dma_wait3A_138 = arith.constant 0 : i32
      %dma_wait3A_139 = tpu.memref_slice %arg3[%dma_wait3A_137, %dma_wait3A_138] : memref<10000x128xf32, #tpu.memory_space<hbm>> -> memref<10000x128xf32, #tpu.memory_space<hbm>>
      tpu.wait_indirect_dma semaphore(%arg14 : memref<!tpu.dma_semaphore, #tpu.memory_space<semaphore_mem>>) src(%dma_wait3A_139 : memref<10000x128xf32, #tpu.memory_space<hbm>>) dst(%arg12 : memref<128x128xf32, #tpu.memory_space<vmem>>)
      %sub3A_140 = arith.constant 1 : i32
      %sub3A_141 = arith.subi %add3A_3, %sub3A_140 : i32
      %lt3A_142 = arith.cmpi slt, %add3A_130, %sub3A_141 : i32
      %convert_element_type3A_143 = arith.extui %lt3A_142 : i1 to i32
      %cond3A_144 = arith.constant 0 : i32
      %cond3A_145 = arith.cmpi ne, %convert_element_type3A_143, %cond3A_144 : i32
      scf.if %cond3A_145 {
        %dma_wait3A_149 = arith.constant 0 : i32
        %dma_wait3A_150 = tpu.memref_slice %arg2[%dma_wait3A_149] : memref<640000xi32, #tpu.memory_space<hbm>> -> memref<128xi32, #tpu.memory_space<hbm>>
        %dma_wait3A_151 = arith.constant 0 : i32
        %dma_wait3A_152 = tpu.memref_slice %arg2[%dma_wait3A_151] : memref<640000xi32, #tpu.memory_space<hbm>> -> memref<128xi32, #tpu.memory_space<hbm>>
        tpu.wait_dma2 semaphore(%arg15 : memref<!tpu.dma_semaphore, #tpu.memory_space<semaphore_mem>>) src(%dma_wait3A_152 : memref<128xi32, #tpu.memory_space<hbm>>) dst(%arg7 : memref<128xi32, #tpu.memory_space<vmem>>)
        %dma_wait3A_153 = arith.constant 0 : i32
        %dma_wait3A_154 = tpu.memref_slice %arg2[%dma_wait3A_153] : memref<640000xi32, #tpu.memory_space<hbm>> -> memref<128xi32, #tpu.memory_space<hbm>>
        %dma_wait3A_155 = arith.constant 0 : i32
        %dma_wait3A_156 = tpu.memref_slice %arg2[%dma_wait3A_155] : memref<640000xi32, #tpu.memory_space<hbm>> -> memref<128xi32, #tpu.memory_space<hbm>>
        tpu.wait_dma2 semaphore(%arg15 : memref<!tpu.dma_semaphore, #tpu.memory_space<semaphore_mem>>) src(%dma_wait3A_156 : memref<128xi32, #tpu.memory_space<hbm>>) dst(%arg9 : memref<128xi32, #tpu.memory_space<vmem>>)
        %gt3A = arith.constant 0 : i32
        %gt3A_157 = arith.cmpi sgt, %add3A_130, %gt3A : i32
        %convert_element_type3A_158 = arith.extui %gt3A_157 : i1 to i32
        %cond3A_159 = arith.constant 0 : i32
        %cond3A_160 = arith.cmpi ne, %convert_element_type3A_158, %cond3A_159 : i32
        scf.if %cond3A_160 {
          %dma_wait3A_164 = arith.constant 0 : i32
          %dma_wait3A_165 = arith.constant 0 : i32
          %dma_wait3A_166 = tpu.memref_slice %arg13[%dma_wait3A_164, %dma_wait3A_165] : memref<10240x128xf32, #tpu.memory_space<vmem_shared>> -> memref<10240x128xf32, #tpu.memory_space<vmem_shared>>
          tpu.wait_indirect_dma semaphore(%arg16 : memref<!tpu.dma_semaphore, #tpu.memory_space<semaphore_mem>>) src(%arg11 : memref<128x128xf32, #tpu.memory_space<vmem>>) dst(%dma_wait3A_166 : memref<10240x128xf32, #tpu.memory_space<vmem_shared>>)
        } else {
        }
        %dma_start3A_161 = arith.constant 0 : i32
        %dma_start3A_162 = arith.constant 0 : i32
        %dma_start3A_163 = tpu.memref_slice %arg3[%dma_start3A_161, %dma_start3A_162] : memref<10000x128xf32, #tpu.memory_space<hbm>> -> memref<10000x128xf32, #tpu.memory_space<hbm>>
        tpu.enqueue_indirect_dma source(%dma_start3A_163 : memref<10000x128xf32, #tpu.memory_space<hbm>>) target(%arg11 : memref<128x128xf32, #tpu.memory_space<vmem>>) offsets(%arg7 : memref<128xi32, #tpu.memory_space<vmem>>) semaphore(%arg14 : memref<!tpu.dma_semaphore, #tpu.memory_space<semaphore_mem>>)
      } else {
      }
      %dma_start3A_146 = arith.constant 0 : i32
      %dma_start3A_147 = arith.constant 0 : i32
      %dma_start3A_148 = tpu.memref_slice %arg13[%dma_start3A_146, %dma_start3A_147] : memref<10240x128xf32, #tpu.memory_space<vmem_shared>> -> memref<10240x128xf32, #tpu.memory_space<vmem_shared>>
      tpu.enqueue_indirect_dma source(%arg12 : memref<128x128xf32, #tpu.memory_space<vmem>>) target(%dma_start3A_148 : memref<10240x128xf32, #tpu.memory_space<vmem_shared>>) offsets(%arg10 : memref<128xi32, #tpu.memory_space<vmem>>) semaphore(%arg17 : memref<!tpu.dma_semaphore, #tpu.memory_space<semaphore_mem>>) {add = true}
    }
    %while3A_56 = arith.constant 1 : i32
    scf.for %while3A_104 = %while3A_54 to %while3A_50 step %while3A_56  : i32 {
      %mul3A_105 = arith.constant 2 : i32
      %mul3A_106 = arith.muli %while3A_104, %mul3A_105 : i32
      %add3A_107 = arith.constant 0 : i32
      %add3A_108 = arith.addi %mul3A_106, %add3A_107 : i32
      %sub3A_109 = arith.constant 1 : i32
      %sub3A_110 = arith.subi %add3A_3, %sub3A_109 : i32
      %lt3A_111 = arith.cmpi slt, %add3A_108, %sub3A_110 : i32
      %convert_element_type3A_112 = arith.extui %lt3A_111 : i1 to i32
      %cond3A_113 = arith.constant 0 : i32
      %cond3A_114 = arith.cmpi ne, %convert_element_type3A_112, %cond3A_113 : i32
      scf.if %cond3A_114 {
        %add3A_149 = arith.constant 1 : i32
        %add3A_150 = arith.addi %add3A_108, %add3A_149 : i32
        %add3A_151 = arith.addi %add3A_7, %add3A_150 : i32
        %mul3A_152 = arith.constant 128 : i32
        %mul3A_153 = arith.muli %add3A_151, %mul3A_152 : i32
        %dma_start3A_154 = tpu.memref_slice %arg2[%mul3A_153] : memref<640000xi32, #tpu.memory_space<hbm>> -> memref<128xi32, #tpu.memory_space<hbm>>
        %dma_start3A_155 = tpu.memref_slice %arg2[%mul3A_153] : memref<640000xi32, #tpu.memory_space<hbm>> -> memref<128xi32, #tpu.memory_space<hbm>>
        tpu.enqueue_dma source(%dma_start3A_155 : memref<128xi32, #tpu.memory_space<hbm>>) target(%arg8 : memref<128xi32, #tpu.memory_space<vmem>>) target_semaphore(%arg15 : memref<!tpu.dma_semaphore, #tpu.memory_space<semaphore_mem>>)
        %add3A_156 = arith.constant 320000 : i32
        %add3A_157 = arith.addi %add3A_156, %mul3A_153 : i32
        %dma_start3A_158 = tpu.memref_slice %arg2[%add3A_157] : memref<640000xi32, #tpu.memory_space<hbm>> -> memref<128xi32, #tpu.memory_space<hbm>>
        %dma_start3A_159 = tpu.memref_slice %arg2[%add3A_157] : memref<640000xi32, #tpu.memory_space<hbm>> -> memref<128xi32, #tpu.memory_space<hbm>>
        tpu.enqueue_dma source(%dma_start3A_159 : memref<128xi32, #tpu.memory_space<hbm>>) target(%arg10 : memref<128xi32, #tpu.memory_space<vmem>>) target_semaphore(%arg15 : memref<!tpu.dma_semaphore, #tpu.memory_space<semaphore_mem>>)
      } else {
      }
      %dma_wait3A_115 = arith.constant 0 : i32
      %dma_wait3A_116 = arith.constant 0 : i32
      %dma_wait3A_117 = tpu.memref_slice %arg3[%dma_wait3A_115, %dma_wait3A_116] : memref<10000x128xf32, #tpu.memory_space<hbm>> -> memref<10000x128xf32, #tpu.memory_space<hbm>>
      tpu.wait_indirect_dma semaphore(%arg14 : memref<!tpu.dma_semaphore, #tpu.memory_space<semaphore_mem>>) src(%dma_wait3A_117 : memref<10000x128xf32, #tpu.memory_space<hbm>>) dst(%arg11 : memref<128x128xf32, #tpu.memory_space<vmem>>)
      %sub3A_118 = arith.constant 1 : i32
      %sub3A_119 = arith.subi %add3A_3, %sub3A_118 : i32
      %lt3A_120 = arith.cmpi slt, %add3A_108, %sub3A_119 : i32
      %convert_element_type3A_121 = arith.extui %lt3A_120 : i1 to i32
      %cond3A_122 = arith.constant 0 : i32
      %cond3A_123 = arith.cmpi ne, %convert_element_type3A_121, %cond3A_122 : i32
      scf.if %cond3A_123 {
        %dma_wait3A_149 = arith.constant 0 : i32
        %dma_wait3A_150 = tpu.memref_slice %arg2[%dma_wait3A_149] : memref<640000xi32, #tpu.memory_space<hbm>> -> memref<128xi32, #tpu.memory_space<hbm>>
        %dma_wait3A_151 = arith.constant 0 : i32
        %dma_wait3A_152 = tpu.memref_slice %arg2[%dma_wait3A_151] : memref<640000xi32, #tpu.memory_space<hbm>> -> memref<128xi32, #tpu.memory_space<hbm>>
        tpu.wait_dma2 semaphore(%arg15 : memref<!tpu.dma_semaphore, #tpu.memory_space<semaphore_mem>>) src(%dma_wait3A_152 : memref<128xi32, #tpu.memory_space<hbm>>) dst(%arg8 : memref<128xi32, #tpu.memory_space<vmem>>)
        %dma_wait3A_153 = arith.constant 0 : i32
        %dma_wait3A_154 = tpu.memref_slice %arg2[%dma_wait3A_153] : memref<640000xi32, #tpu.memory_space<hbm>> -> memref<128xi32, #tpu.memory_space<hbm>>
        %dma_wait3A_155 = arith.constant 0 : i32
        %dma_wait3A_156 = tpu.memref_slice %arg2[%dma_wait3A_155] : memref<640000xi32, #tpu.memory_space<hbm>> -> memref<128xi32, #tpu.memory_space<hbm>>
        tpu.wait_dma2 semaphore(%arg15 : memref<!tpu.dma_semaphore, #tpu.memory_space<semaphore_mem>>) src(%dma_wait3A_156 : memref<128xi32, #tpu.memory_space<hbm>>) dst(%arg10 : memref<128xi32, #tpu.memory_space<vmem>>)
        %gt3A = arith.constant 0 : i32
        %gt3A_157 = arith.cmpi sgt, %add3A_108, %gt3A : i32
        %convert_element_type3A_158 = arith.extui %gt3A_157 : i1 to i32
        %cond3A_159 = arith.constant 0 : i32
        %cond3A_160 = arith.cmpi ne, %convert_element_type3A_158, %cond3A_159 : i32
        scf.if %cond3A_160 {
          %dma_wait3A_164 = arith.constant 0 : i32
          %dma_wait3A_165 = arith.constant 0 : i32
          %dma_wait3A_166 = tpu.memref_slice %arg13[%dma_wait3A_164, %dma_wait3A_165] : memref<10240x128xf32, #tpu.memory_space<vmem_shared>> -> memref<10240x128xf32, #tpu.memory_space<vmem_shared>>
          tpu.wait_indirect_dma semaphore(%arg17 : memref<!tpu.dma_semaphore, #tpu.memory_space<semaphore_mem>>) src(%arg12 : memref<128x128xf32, #tpu.memory_space<vmem>>) dst(%dma_wait3A_166 : memref<10240x128xf32, #tpu.memory_space<vmem_shared>>)
        } else {
        }
        %dma_start3A_161 = arith.constant 0 : i32
        %dma_start3A_162 = arith.constant 0 : i32
        %dma_start3A_163 = tpu.memref_slice %arg3[%dma_start3A_161, %dma_start3A_162] : memref<10000x128xf32, #tpu.memory_space<hbm>> -> memref<10000x128xf32, #tpu.memory_space<hbm>>
        tpu.enqueue_indirect_dma source(%dma_start3A_163 : memref<10000x128xf32, #tpu.memory_space<hbm>>) target(%arg12 : memref<128x128xf32, #tpu.memory_space<vmem>>) offsets(%arg8 : memref<128xi32, #tpu.memory_space<vmem>>) semaphore(%arg14 : memref<!tpu.dma_semaphore, #tpu.memory_space<semaphore_mem>>)
      } else {
      }
      %dma_start3A_124 = arith.constant 0 : i32
      %dma_start3A_125 = arith.constant 0 : i32
      %dma_start3A_126 = tpu.memref_slice %arg13[%dma_start3A_124, %dma_start3A_125] : memref<10240x128xf32, #tpu.memory_space<vmem_shared>> -> memref<10240x128xf32, #tpu.memory_space<vmem_shared>>
      tpu.enqueue_indirect_dma source(%arg11 : memref<128x128xf32, #tpu.memory_space<vmem>>) target(%dma_start3A_126 : memref<10240x128xf32, #tpu.memory_space<vmem_shared>>) offsets(%arg9 : memref<128xi32, #tpu.memory_space<vmem>>) semaphore(%arg16 : memref<!tpu.dma_semaphore, #tpu.memory_space<semaphore_mem>>) {add = true}
      %mul3A_127 = arith.constant 2 : i32
      %mul3A_128 = arith.muli %while3A_104, %mul3A_127 : i32
      %add3A_129 = arith.constant 1 : i32
      %add3A_130 = arith.addi %mul3A_128, %add3A_129 : i32
      %sub3A_131 = arith.constant 1 : i32
      %sub3A_132 = arith.subi %add3A_3, %sub3A_131 : i32
      %lt3A_133 = arith.cmpi slt, %add3A_130, %sub3A_132 : i32
      %convert_element_type3A_134 = arith.extui %lt3A_133 : i1 to i32
      %cond3A_135 = arith.constant 0 : i32
      %cond3A_136 = arith.cmpi ne, %convert_element_type3A_134, %cond3A_135 : i32
      scf.if %cond3A_136 {
        %add3A_149 = arith.constant 1 : i32
        %add3A_150 = arith.addi %add3A_130, %add3A_149 : i32
        %add3A_151 = arith.addi %add3A_7, %add3A_150 : i32
        %mul3A_152 = arith.constant 128 : i32
        %mul3A_153 = arith.muli %add3A_151, %mul3A_152 : i32
        %dma_start3A_154 = tpu.memref_slice %arg2[%mul3A_153] : memref<640000xi32, #tpu.memory_space<hbm>> -> memref<128xi32, #tpu.memory_space<hbm>>
        %dma_start3A_155 = tpu.memref_slice %arg2[%mul3A_153] : memref<640000xi32, #tpu.memory_space<hbm>> -> memref<128xi32, #tpu.memory_space<hbm>>
        tpu.enqueue_dma source(%dma_start3A_155 : memref<128xi32, #tpu.memory_space<hbm>>) target(%arg7 : memref<128xi32, #tpu.memory_space<vmem>>) target_semaphore(%arg15 : memref<!tpu.dma_semaphore, #tpu.memory_space<semaphore_mem>>)
        %add3A_156 = arith.constant 320000 : i32
        %add3A_157 = arith.addi %add3A_156, %mul3A_153 : i32
        %dma_start3A_158 = tpu.memref_slice %arg2[%add3A_157] : memref<640000xi32, #tpu.memory_space<hbm>> -> memref<128xi32, #tpu.memory_space<hbm>>
        %dma_start3A_159 = tpu.memref_slice %arg2[%add3A_157] : memref<640000xi32, #tpu.memory_space<hbm>> -> memref<128xi32, #tpu.memory_space<hbm>>
        tpu.enqueue_dma source(%dma_start3A_159 : memref<128xi32, #tpu.memory_space<hbm>>) target(%arg9 : memref<128xi32, #tpu.memory_space<vmem>>) target_semaphore(%arg15 : memref<!tpu.dma_semaphore, #tpu.memory_space<semaphore_mem>>)
      } else {
      }
      %dma_wait3A_137 = arith.constant 0 : i32
      %dma_wait3A_138 = arith.constant 0 : i32
      %dma_wait3A_139 = tpu.memref_slice %arg3[%dma_wait3A_137, %dma_wait3A_138] : memref<10000x128xf32, #tpu.memory_space<hbm>> -> memref<10000x128xf32, #tpu.memory_space<hbm>>
      tpu.wait_indirect_dma semaphore(%arg14 : memref<!tpu.dma_semaphore, #tpu.memory_space<semaphore_mem>>) src(%dma_wait3A_139 : memref<10000x128xf32, #tpu.memory_space<hbm>>) dst(%arg12 : memref<128x128xf32, #tpu.memory_space<vmem>>)
      %sub3A_140 = arith.constant 1 : i32
      %sub3A_141 = arith.subi %add3A_3, %sub3A_140 : i32
      %lt3A_142 = arith.cmpi slt, %add3A_130, %sub3A_141 : i32
      %convert_element_type3A_143 = arith.extui %lt3A_142 : i1 to i32
      %cond3A_144 = arith.constant 0 : i32
      %cond3A_145 = arith.cmpi ne, %convert_element_type3A_143, %cond3A_144 : i32
      scf.if %cond3A_145 {
        %dma_wait3A_149 = arith.constant 0 : i32
        %dma_wait3A_150 = tpu.memref_slice %arg2[%dma_wait3A_149] : memref<640000xi32, #tpu.memory_space<hbm>> -> memref<128xi32, #tpu.memory_space<hbm>>
        %dma_wait3A_151 = arith.constant 0 : i32
        %dma_wait3A_152 = tpu.memref_slice %arg2[%dma_wait3A_151] : memref<640000xi32, #tpu.memory_space<hbm>> -> memref<128xi32, #tpu.memory_space<hbm>>
        tpu.wait_dma2 semaphore(%arg15 : memref<!tpu.dma_semaphore, #tpu.memory_space<semaphore_mem>>) src(%dma_wait3A_152 : memref<128xi32, #tpu.memory_space<hbm>>) dst(%arg7 : memref<128xi32, #tpu.memory_space<vmem>>)
        %dma_wait3A_153 = arith.constant 0 : i32
        %dma_wait3A_154 = tpu.memref_slice %arg2[%dma_wait3A_153] : memref<640000xi32, #tpu.memory_space<hbm>> -> memref<128xi32, #tpu.memory_space<hbm>>
        %dma_wait3A_155 = arith.constant 0 : i32
        %dma_wait3A_156 = tpu.memref_slice %arg2[%dma_wait3A_155] : memref<640000xi32, #tpu.memory_space<hbm>> -> memref<128xi32, #tpu.memory_space<hbm>>
        tpu.wait_dma2 semaphore(%arg15 : memref<!tpu.dma_semaphore, #tpu.memory_space<semaphore_mem>>) src(%dma_wait3A_156 : memref<128xi32, #tpu.memory_space<hbm>>) dst(%arg9 : memref<128xi32, #tpu.memory_space<vmem>>)
        %gt3A = arith.constant 0 : i32
        %gt3A_157 = arith.cmpi sgt, %add3A_130, %gt3A : i32
        %convert_element_type3A_158 = arith.extui %gt3A_157 : i1 to i32
        %cond3A_159 = arith.constant 0 : i32
        %cond3A_160 = arith.cmpi ne, %convert_element_type3A_158, %cond3A_159 : i32
        scf.if %cond3A_160 {
          %dma_wait3A_164 = arith.constant 0 : i32
          %dma_wait3A_165 = arith.constant 0 : i32
          %dma_wait3A_166 = tpu.memref_slice %arg13[%dma_wait3A_164, %dma_wait3A_165] : memref<10240x128xf32, #tpu.memory_space<vmem_shared>> -> memref<10240x128xf32, #tpu.memory_space<vmem_shared>>
          tpu.wait_indirect_dma semaphore(%arg16 : memref<!tpu.dma_semaphore, #tpu.memory_space<semaphore_mem>>) src(%arg11 : memref<128x128xf32, #tpu.memory_space<vmem>>) dst(%dma_wait3A_166 : memref<10240x128xf32, #tpu.memory_space<vmem_shared>>)
        } else {
        }
        %dma_start3A_161 = arith.constant 0 : i32
        %dma_start3A_162 = arith.constant 0 : i32
        %dma_start3A_163 = tpu.memref_slice %arg3[%dma_start3A_161, %dma_start3A_162] : memref<10000x128xf32, #tpu.memory_space<hbm>> -> memref<10000x128xf32, #tpu.memory_space<hbm>>
        tpu.enqueue_indirect_dma source(%dma_start3A_163 : memref<10000x128xf32, #tpu.memory_space<hbm>>) target(%arg11 : memref<128x128xf32, #tpu.memory_space<vmem>>) offsets(%arg7 : memref<128xi32, #tpu.memory_space<vmem>>) semaphore(%arg14 : memref<!tpu.dma_semaphore, #tpu.memory_space<semaphore_mem>>)
      } else {
      }
      %dma_start3A_146 = arith.constant 0 : i32
      %dma_start3A_147 = arith.constant 0 : i32
      %dma_start3A_148 = tpu.memref_slice %arg13[%dma_start3A_146, %dma_start3A_147] : memref<10240x128xf32, #tpu.memory_space<vmem_shared>> -> memref<10240x128xf32, #tpu.memory_space<vmem_shared>>
      tpu.enqueue_indirect_dma source(%arg12 : memref<128x128xf32, #tpu.memory_space<vmem>>) target(%dma_start3A_148 : memref<10240x128xf32, #tpu.memory_space<vmem_shared>>) offsets(%arg10 : memref<128xi32, #tpu.memory_space<vmem>>) semaphore(%arg17 : memref<!tpu.dma_semaphore, #tpu.memory_space<semaphore_mem>>) {add = true}
    }
    %jit3A_57 = arith.constant 2 : i32
    %eq3A = arith.constant 0 : i32
    %eq3A_58 = arith.cmpi eq, %jit3A_57, %eq3A : i32
    %jit3A_59 = arith.constant 1 : i32
    %select_n3A_60 = arith.select %eq3A_58, %jit3A_59, %jit3A_57 : i32
    %rem3A_61 = arith.remsi %add3A_3, %select_n3A_60 : i32
    %ne3A_62 = arith.constant 0 : i32
    %ne3A_63 = arith.cmpi ne, %rem3A_61, %ne3A_62 : i32
    %lt3A_64 = arith.constant 0 : i32
    %lt3A_65 = arith.cmpi slt, %rem3A_61, %lt3A_64 : i32
    %lt3A_66 = arith.constant 0 : i32
    %lt3A_67 = arith.cmpi slt, %select_n3A_60, %lt3A_66 : i32
    %ne3A_68 = arith.xori %lt3A_65, %lt3A_67 : i1
    %and3A_69 = arith.andi %ne3A_68, %ne3A_63 : i1
    %add3A_70 = arith.addi %rem3A_61, %select_n3A_60 : i32
    %select_n3A_71 = arith.select %and3A_69, %add3A_70, %rem3A_61 : i32
    %eq3A_72 = arith.constant 1 : i32
    %eq3A_73 = arith.cmpi eq, %select_n3A_71, %eq3A_72 : i32
    %convert_element_type3A_74 = arith.extui %eq3A_73 : i1 to i32
    %cond3A = arith.constant 0 : i32
    %cond3A_75 = arith.cmpi ne, %convert_element_type3A_74, %cond3A : i32
    scf.if %cond3A_75 {
      %dma_wait3A_104 = arith.constant 0 : i32
      %dma_wait3A_105 = arith.constant 0 : i32
      %dma_wait3A_106 = tpu.memref_slice %arg13[%dma_wait3A_104, %dma_wait3A_105] : memref<10240x128xf32, #tpu.memory_space<vmem_shared>> -> memref<10240x128xf32, #tpu.memory_space<vmem_shared>>
      tpu.wait_indirect_dma semaphore(%arg17 : memref<!tpu.dma_semaphore, #tpu.memory_space<semaphore_mem>>) src(%arg12 : memref<128x128xf32, #tpu.memory_space<vmem>>) dst(%dma_wait3A_106 : memref<10240x128xf32, #tpu.memory_space<vmem_shared>>)
      %dma_wait3A_107 = arith.constant 0 : i32
      %dma_wait3A_108 = arith.constant 0 : i32
      %dma_wait3A_109 = tpu.memref_slice %arg3[%dma_wait3A_107, %dma_wait3A_108] : memref<10000x128xf32, #tpu.memory_space<hbm>> -> memref<10000x128xf32, #tpu.memory_space<hbm>>
      tpu.wait_indirect_dma semaphore(%arg14 : memref<!tpu.dma_semaphore, #tpu.memory_space<semaphore_mem>>) src(%dma_wait3A_109 : memref<10000x128xf32, #tpu.memory_space<hbm>>) dst(%arg11 : memref<128x128xf32, #tpu.memory_space<vmem>>)
      %dma_start3A_110 = arith.constant 0 : i32
      %dma_start3A_111 = arith.constant 0 : i32
      %dma_start3A_112 = tpu.memref_slice %arg13[%dma_start3A_110, %dma_start3A_111] : memref<10240x128xf32, #tpu.memory_space<vmem_shared>> -> memref<10240x128xf32, #tpu.memory_space<vmem_shared>>
      tpu.enqueue_indirect_dma source(%arg11 : memref<128x128xf32, #tpu.memory_space<vmem>>) target(%dma_start3A_112 : memref<10240x128xf32, #tpu.memory_space<vmem_shared>>) offsets(%arg9 : memref<128xi32, #tpu.memory_space<vmem>>) semaphore(%arg16 : memref<!tpu.dma_semaphore, #tpu.memory_space<semaphore_mem>>) {add = true}
      %dma_wait3A_113 = arith.constant 0 : i32
      %dma_wait3A_114 = arith.constant 0 : i32
      %dma_wait3A_115 = tpu.memref_slice %arg13[%dma_wait3A_113, %dma_wait3A_114] : memref<10240x128xf32, #tpu.memory_space<vmem_shared>> -> memref<10240x128xf32, #tpu.memory_space<vmem_shared>>
      tpu.wait_indirect_dma semaphore(%arg16 : memref<!tpu.dma_semaphore, #tpu.memory_space<semaphore_mem>>) src(%arg11 : memref<128x128xf32, #tpu.memory_space<vmem>>) dst(%dma_wait3A_115 : memref<10240x128xf32, #tpu.memory_space<vmem_shared>>)
    } else {
    }
    %jit3A_76 = arith.constant 2 : i32
    %eq3A_77 = arith.constant 0 : i32
    %eq3A_78 = arith.cmpi eq, %jit3A_76, %eq3A_77 : i32
    %jit3A_79 = arith.constant 1 : i32
    %select_n3A_80 = arith.select %eq3A_78, %jit3A_79, %jit3A_76 : i32
    %rem3A_81 = arith.remsi %add3A_3, %select_n3A_80 : i32
    %ne3A_82 = arith.constant 0 : i32
    %ne3A_83 = arith.cmpi ne, %rem3A_81, %ne3A_82 : i32
    %lt3A_84 = arith.constant 0 : i32
    %lt3A_85 = arith.cmpi slt, %rem3A_81, %lt3A_84 : i32
    %lt3A_86 = arith.constant 0 : i32
    %lt3A_87 = arith.cmpi slt, %select_n3A_80, %lt3A_86 : i32
    %ne3A_88 = arith.xori %lt3A_85, %lt3A_87 : i1
    %and3A_89 = arith.andi %ne3A_88, %ne3A_83 : i1
    %add3A_90 = arith.addi %rem3A_81, %select_n3A_80 : i32
    %select_n3A_91 = arith.select %and3A_89, %add3A_90, %rem3A_81 : i32
    %eq3A_92 = arith.constant 0 : i32
    %eq3A_93 = arith.cmpi eq, %select_n3A_91, %eq3A_92 : i32
    %convert_element_type3A_94 = arith.extui %eq3A_93 : i1 to i32
    %cond3A_95 = arith.constant 0 : i32
    %cond3A_96 = arith.cmpi ne, %convert_element_type3A_94, %cond3A_95 : i32
    scf.if %cond3A_96 {
      %dma_wait3A_104 = arith.constant 0 : i32
      %dma_wait3A_105 = arith.constant 0 : i32
      %dma_wait3A_106 = tpu.memref_slice %arg13[%dma_wait3A_104, %dma_wait3A_105] : memref<10240x128xf32, #tpu.memory_space<vmem_shared>> -> memref<10240x128xf32, #tpu.memory_space<vmem_shared>>
      tpu.wait_indirect_dma semaphore(%arg16 : memref<!tpu.dma_semaphore, #tpu.memory_space<semaphore_mem>>) src(%arg11 : memref<128x128xf32, #tpu.memory_space<vmem>>) dst(%dma_wait3A_106 : memref<10240x128xf32, #tpu.memory_space<vmem_shared>>)
      %dma_wait3A_107 = arith.constant 0 : i32
      %dma_wait3A_108 = arith.constant 0 : i32
      %dma_wait3A_109 = tpu.memref_slice %arg13[%dma_wait3A_107, %dma_wait3A_108] : memref<10240x128xf32, #tpu.memory_space<vmem_shared>> -> memref<10240x128xf32, #tpu.memory_space<vmem_shared>>
      tpu.wait_indirect_dma semaphore(%arg17 : memref<!tpu.dma_semaphore, #tpu.memory_space<semaphore_mem>>) src(%arg12 : memref<128x128xf32, #tpu.memory_space<vmem>>) dst(%dma_wait3A_109 : memref<10240x128xf32, #tpu.memory_space<vmem_shared>>)
    } else {
    }
    %barrier3A_97 = arith.constant 0 : index
    tpu.barrier barrier_id(%barrier3A_97)
    %scan3A_98 = arith.constant 0 : i32
    %scan3A_99 = arith.constant 0 : i32
    %scan3A_100 = arith.constant 5 : i32
    %scan3A_101 = arith.addi %scan3A_99, %scan3A_100 : i32
    %scan3A_102 = arith.constant 1 : i32
    scf.for %scan3A_104 = %scan3A_99 to %scan3A_101 step %scan3A_102  : i32 {
      %mul3A_105 = arith.constant 640 : i32
      %mul3A_106 = arith.muli %arg1, %mul3A_105 : i32
      %mul3A_107 = arith.constant 128 : i32
      %mul3A_108 = arith.muli %scan3A_104, %mul3A_107 : i32
      %add3A_109 = arith.addi %mul3A_106, %mul3A_108 : i32
      "tpu.region"() ({
        %run_scoped3A = tpu.sem_alloc : memref<!tpu.dma_semaphore, #tpu.memory_space<semaphore_mem>>
        %dma_start3A_120 = arith.constant 0 : i32
        %dma_start3A_121 = tpu.memref_slice %arg13[%add3A_109, %dma_start3A_120] : memref<10240x128xf32, #tpu.memory_space<vmem_shared>> -> memref<128x128xf32, #tpu.memory_space<vmem_shared>>
        %dma_start3A_122 = arith.constant 0 : i32
        %dma_start3A_123 = tpu.memref_slice %arg13[%add3A_109, %dma_start3A_122] : memref<10240x128xf32, #tpu.memory_space<vmem_shared>> -> memref<128x128xf32, #tpu.memory_space<vmem_shared>>
        tpu.enqueue_dma source(%dma_start3A_123 : memref<128x128xf32, #tpu.memory_space<vmem_shared>>) target(%arg11 : memref<128x128xf32, #tpu.memory_space<vmem>>) target_semaphore(%run_scoped3A : memref<!tpu.dma_semaphore, #tpu.memory_space<semaphore_mem>>)
        %dma_wait3A_124 = arith.constant 0 : i32
        %dma_wait3A_125 = tpu.memref_slice %arg13[%add3A_109, %dma_wait3A_124] : memref<10240x128xf32, #tpu.memory_space<vmem_shared>> -> memref<128x128xf32, #tpu.memory_space<vmem_shared>>
        %dma_wait3A_126 = arith.constant 0 : i32
        %dma_wait3A_127 = tpu.memref_slice %arg13[%add3A_109, %dma_wait3A_126] : memref<10240x128xf32, #tpu.memory_space<vmem_shared>> -> memref<128x128xf32, #tpu.memory_space<vmem_shared>>
        tpu.wait_dma2 semaphore(%run_scoped3A : memref<!tpu.dma_semaphore, #tpu.memory_space<semaphore_mem>>) src(%dma_wait3A_127 : memref<128x128xf32, #tpu.memory_space<vmem_shared>>) dst(%arg11 : memref<128x128xf32, #tpu.memory_space<vmem>>)
        tpu.yield
      }) : () -> ()
      %eq3A_110 = arith.constant 0 : i32
      %eq3A_111 = arith.cmpi eq, %arg0, %eq3A_110 : i32
      %convert_element_type3A_112 = arith.extui %eq3A_111 : i1 to i32
      %cond3A_113 = arith.constant 0 : i32
      %cond3A_114 = arith.cmpi ne, %convert_element_type3A_112, %cond3A_113 : i32
      scf.if %cond3A_114 {
        "tpu.region"() ({
          %run_scoped3A = tpu.sem_alloc : memref<!tpu.dma_semaphore, #tpu.memory_space<semaphore_mem>>
          %dma_start3A_120 = arith.constant 0 : i32
          %dma_start3A_121 = tpu.memref_slice %arg5[%add3A_109, %dma_start3A_120] : memref<10240x128xf32, #tpu.memory_space<hbm>> -> memref<128x128xf32, #tpu.memory_space<hbm>>
          %dma_start3A_122 = arith.constant 0 : i32
          %dma_start3A_123 = tpu.memref_slice %arg5[%add3A_109, %dma_start3A_122] : memref<10240x128xf32, #tpu.memory_space<hbm>> -> memref<128x128xf32, #tpu.memory_space<hbm>>
          tpu.enqueue_dma source(%arg11 : memref<128x128xf32, #tpu.memory_space<vmem>>) target(%dma_start3A_123 : memref<128x128xf32, #tpu.memory_space<hbm>>) target_semaphore(%run_scoped3A : memref<!tpu.dma_semaphore, #tpu.memory_space<semaphore_mem>>)
          %dma_wait3A_124 = arith.constant 0 : i32
          %dma_wait3A_125 = tpu.memref_slice %arg5[%add3A_109, %dma_wait3A_124] : memref<10240x128xf32, #tpu.memory_space<hbm>> -> memref<128x128xf32, #tpu.memory_space<hbm>>
          %dma_wait3A_126 = arith.constant 0 : i32
          %dma_wait3A_127 = tpu.memref_slice %arg5[%add3A_109, %dma_wait3A_126] : memref<10240x128xf32, #tpu.memory_space<hbm>> -> memref<128x128xf32, #tpu.memory_space<hbm>>
          tpu.wait_dma2 semaphore(%run_scoped3A : memref<!tpu.dma_semaphore, #tpu.memory_space<semaphore_mem>>) src(%arg11 : memref<128x128xf32, #tpu.memory_space<vmem>>) dst(%dma_wait3A_127 : memref<128x128xf32, #tpu.memory_space<hbm>>)
          tpu.yield
        }) : () -> ()
      } else {
      }
      %eq3A_115 = arith.constant 1 : i32
      %eq3A_116 = arith.cmpi eq, %arg0, %eq3A_115 : i32
      %convert_element_type3A_117 = arith.extui %eq3A_116 : i1 to i32
      %cond3A_118 = arith.constant 0 : i32
      %cond3A_119 = arith.cmpi ne, %convert_element_type3A_117, %cond3A_118 : i32
      scf.if %cond3A_119 {
        "tpu.region"() ({
          %run_scoped3A = tpu.sem_alloc : memref<!tpu.dma_semaphore, #tpu.memory_space<semaphore_mem>>
          %dma_start3A_120 = arith.constant 0 : i32
          %dma_start3A_121 = tpu.memref_slice %arg6[%add3A_109, %dma_start3A_120] : memref<10240x128xf32, #tpu.memory_space<hbm>> -> memref<128x128xf32, #tpu.memory_space<hbm>>
          %dma_start3A_122 = arith.constant 0 : i32
          %dma_start3A_123 = tpu.memref_slice %arg6[%add3A_109, %dma_start3A_122] : memref<10240x128xf32, #tpu.memory_space<hbm>> -> memref<128x128xf32, #tpu.memory_space<hbm>>
          tpu.enqueue_dma source(%arg11 : memref<128x128xf32, #tpu.memory_space<vmem>>) target(%dma_start3A_123 : memref<128x128xf32, #tpu.memory_space<hbm>>) target_semaphore(%run_scoped3A : memref<!tpu.dma_semaphore, #tpu.memory_space<semaphore_mem>>)
          %dma_wait3A_124 = arith.constant 0 : i32
          %dma_wait3A_125 = tpu.memref_slice %arg6[%add3A_109, %dma_wait3A_124] : memref<10240x128xf32, #tpu.memory_space<hbm>> -> memref<128x128xf32, #tpu.memory_space<hbm>>
          %dma_wait3A_126 = arith.constant 0 : i32
          %dma_wait3A_127 = tpu.memref_slice %arg6[%add3A_109, %dma_wait3A_126] : memref<10240x128xf32, #tpu.memory_space<hbm>> -> memref<128x128xf32, #tpu.memory_space<hbm>>
          tpu.wait_dma2 semaphore(%run_scoped3A : memref<!tpu.dma_semaphore, #tpu.memory_space<semaphore_mem>>) src(%arg11 : memref<128x128xf32, #tpu.memory_space<vmem>>) dst(%dma_wait3A_127 : memref<128x128xf32, #tpu.memory_space<hbm>>)
          tpu.yield
        }) : () -> ()
      } else {
      }
    }
    %scan3A_103 = arith.constant 5 : i32
    return
  }
}

module attributes {stable_mosaic.version = 14 : i64} {
  func.func @_tc1_body(%arg0: i32, %arg1: memref<1000x128xf32, #tpu.memory_space<vmem>>, %arg2: memref<128x128xf32, #tpu.memory_space<vmem>>, %arg3: memref<8x128xf32, #tpu.memory_space<vmem>>, %arg4: memref<1000x128xf32, #tpu.memory_space<vmem>>) attributes {dimension_semantics = [#tpu.dimension_semantics<arbitrary>], iteration_bounds = array<i64: 10>, scalar_prefetch = 0 : i64, scratch_operands = 0 : i64, tpu.core_type = #tpu.core_type<tc>, window_params = [{transform_indices = @transform_0, window_bounds = array<i64: 1000, 128>}, {pipeline_mode = #tpu.pipeline_mode<synchronous>, transform_indices = @transform_1, window_bounds = array<i64: 128, 128>}, {pipeline_mode = #tpu.pipeline_mode<synchronous>, transform_indices = @transform_2, window_bounds = array<i64: 8, 128>}, {transform_indices = @transform_3, window_bounds = array<i64: 1000, 128>}]} {
    %get3A = arith.constant 0 : index
    %get3A_0 = arith.constant 0 : index
    %get3A_1 = vector.load %arg1[%get3A, %get3A_0] : memref<1000x128xf32, #tpu.memory_space<vmem>>, vector<1000x128xf32>
    %get3A_2 = arith.constant 0 : index
    %get3A_3 = arith.constant 0 : index
    %get3A_4 = vector.load %arg2[%get3A_2, %get3A_3] : memref<128x128xf32, #tpu.memory_space<vmem>>, vector<128x128xf32>
    %dot_general3A = arith.constant dense<0.000000e+00> : vector<1000x128xf32>
    %dot_general3A_5 = tpu.matmul %get3A_1, %get3A_4, %dot_general3A {dimension_numbers = #tpu.dot_dimension_numbers<[1], [1], [0], [0], [0, 0, 1, 0], [], []>, transpose_lhs_hint = false} : vector<1000x128xf32>, vector<128x128xf32>, vector<1000x128xf32> -> vector<1000x128xf32>
    %get3A_6 = arith.constant 0 : index
    %get3A_7 = arith.constant 0 : index
    %get3A_8 = vector.load %arg3[%get3A_6, %get3A_7] : memref<8x128xf32, #tpu.memory_space<vmem>>, vector<1x128xf32>
    %add3A = vector.broadcast %get3A_8 : vector<1x128xf32> to vector<1000x128xf32>
    %add3A_9 = arith.addf %dot_general3A_5, %add3A : vector<1000x128xf32>
    %swap3A = arith.constant 0 : index
    %swap3A_10 = arith.constant 0 : index
    %swap3A_11 = vector.load %arg4[%swap3A, %swap3A_10] : memref<1000x128xf32, #tpu.memory_space<vmem>>, vector<1000x128xf32>
    tpu.vector_store %arg4[%swap3A, %swap3A_10], %add3A_9 {strides = array<i32>} : memref<1000x128xf32, #tpu.memory_space<vmem>>, vector<1000x128xf32>,
    return
  }
  func.func @transform_0(%arg0: i32) -> (i32, i32) {
    %c0_i32 = arith.constant 0 : i32
    %c0_i32_0 = arith.constant 0 : i32
    return %arg0, %c0_i32 : i32, i32
  }
  func.func @transform_1(%arg0: i32) -> (i32, i32) {
    %c0_i32 = arith.constant 0 : i32
    %c0_i32_0 = arith.constant 0 : i32
    %c0_i32_1 = arith.constant 0 : i32
    return %c0_i32, %c0_i32_0 : i32, i32
  }
  func.func @transform_2(%arg0: i32) -> (i32, i32) {
    %c0_i32 = arith.constant 0 : i32
    %c0_i32_0 = arith.constant 0 : i32
    %c0_i32_1 = arith.constant 0 : i32
    return %c0_i32, %c0_i32_0 : i32, i32
  }
  func.func @transform_3(%arg0: i32) -> (i32, i32) {
    %c0_i32 = arith.constant 0 : i32
    %c0_i32_0 = arith.constant 0 : i32
    return %arg0, %c0_i32 : i32, i32
  }
}

module attributes {stable_mosaic.version = 14 : i64} {
  func.func @_tc2_body(%arg0: i32, %arg1: memref<1000x128xf32, #tpu.memory_space<vmem>>, %arg2: memref<1000x128xf32, #tpu.memory_space<vmem>>, %arg3: memref<1000x128xf32, #tpu.memory_space<vmem>>, %arg4: memref<1000x128xf32, #tpu.memory_space<vmem>>, %arg5: memref<1000x128xf32, #tpu.memory_space<vmem>>, %arg6: memref<128x128xf32, #tpu.memory_space<vmem>>, %arg7: memref<64x128xf32, #tpu.memory_space<vmem>>, %arg8: memref<8x64xf32, #tpu.memory_space<vmem>>, %arg9: memref<1000x128xf32, #tpu.memory_space<vmem>>, %arg10: memref<1000x64xf32, #tpu.memory_space<vmem>>) attributes {dimension_semantics = [#tpu.dimension_semantics<arbitrary>], iteration_bounds = array<i64: 10>, scalar_prefetch = 0 : i64, scratch_operands = 0 : i64, tpu.core_type = #tpu.core_type<tc>, window_params = [{transform_indices = @transform_0, window_bounds = array<i64: 1000, 128>}, {transform_indices = @transform_1, window_bounds = array<i64: 1000, 128>}, {transform_indices = @transform_2, window_bounds = array<i64: 1000, 128>}, {transform_indices = @transform_3, window_bounds = array<i64: 1000, 128>}, {transform_indices = @transform_4, window_bounds = array<i64: 1000, 128>}, {pipeline_mode = #tpu.pipeline_mode<synchronous>, transform_indices = @transform_5, window_bounds = array<i64: 128, 128>}, {pipeline_mode = #tpu.pipeline_mode<synchronous>, transform_indices = @transform_6, window_bounds = array<i64: 64, 128>}, {pipeline_mode = #tpu.pipeline_mode<synchronous>, transform_indices = @transform_7, window_bounds = array<i64: 8, 64>}, {transform_indices = @transform_8, window_bounds = array<i64: 1000, 128>}, {transform_indices = @transform_9, window_bounds = array<i64: 1000, 64>}]} {
    %get3A = arith.constant 0 : index
    %get3A_0 = arith.constant 0 : index
    %get3A_1 = vector.load %arg3[%get3A, %get3A_0] : memref<1000x128xf32, #tpu.memory_space<vmem>>, vector<1000x128xf32>
    %get3A_2 = arith.constant 0 : index
    %get3A_3 = arith.constant 0 : index
    %get3A_4 = vector.load %arg4[%get3A_2, %get3A_3] : memref<1000x128xf32, #tpu.memory_space<vmem>>, vector<1000x128xf32>
    %add3A = arith.addf %get3A_1, %get3A_4 : vector<1000x128xf32>
    %slice3A = vector.extract_strided_slice %add3A {offsets = [0, 0], sizes = [1000, 1], strides = [1, 1]} : vector<1000x128xf32> to vector<1000x1xf32>
    %max3A = arith.constant 1.000000e+00 : f32
    %max3A_5 = vector.broadcast %max3A : f32 to vector<1000x1xf32>
    %max3A_6 = arith.maximumf %slice3A, %max3A_5 : vector<1000x1xf32>
    %get3A_7 = arith.constant 0 : index
    %get3A_8 = arith.constant 0 : index
    %get3A_9 = vector.load %arg1[%get3A_7, %get3A_8] : memref<1000x128xf32, #tpu.memory_space<vmem>>, vector<1000x128xf32>
    %get3A_10 = arith.constant 0 : index
    %get3A_11 = arith.constant 0 : index
    %get3A_12 = vector.load %arg2[%get3A_10, %get3A_11] : memref<1000x128xf32, #tpu.memory_space<vmem>>, vector<1000x128xf32>
    %add3A_13 = arith.addf %get3A_9, %get3A_12 : vector<1000x128xf32>
    %div3A = vector.broadcast %max3A_6 : vector<1000x1xf32> to vector<1000x128xf32>
    %div3A_14 = arith.divf %add3A_13, %div3A : vector<1000x128xf32>
    %get3A_15 = arith.constant 0 : index
    %get3A_16 = arith.constant 0 : index
    %get3A_17 = vector.load %arg6[%get3A_15, %get3A_16] : memref<128x128xf32, #tpu.memory_space<vmem>>, vector<128x128xf32>
    %dot_general3A = arith.constant dense<0.000000e+00> : vector<1000x128xf32>
    %dot_general3A_18 = tpu.matmul %div3A_14, %get3A_17, %dot_general3A {dimension_numbers = #tpu.dot_dimension_numbers<[1], [1], [0], [0], [0, 0, 1, 0], [], []>, transpose_lhs_hint = false} : vector<1000x128xf32>, vector<128x128xf32>, vector<1000x128xf32> -> vector<1000x128xf32>
    %get3A_19 = arith.constant 0 : index
    %get3A_20 = arith.constant 0 : index
    %get3A_21 = vector.load %arg5[%get3A_19, %get3A_20] : memref<1000x128xf32, #tpu.memory_space<vmem>>, vector<1000x128xf32>
    %add3A_22 = arith.addf %dot_general3A_18, %get3A_21 : vector<1000x128xf32>
    %max3A_23 = arith.constant 0.000000e+00 : f32
    %max3A_24 = vector.broadcast %max3A_23 : f32 to vector<1000x128xf32>
    %max3A_25 = arith.maximumf %add3A_22, %max3A_24 : vector<1000x128xf32>
    %swap3A = arith.constant 0 : index
    %swap3A_26 = arith.constant 0 : index
    %swap3A_27 = vector.load %arg9[%swap3A, %swap3A_26] : memref<1000x128xf32, #tpu.memory_space<vmem>>, vector<1000x128xf32>
    tpu.vector_store %arg9[%swap3A, %swap3A_26], %max3A_25 {strides = array<i32>} : memref<1000x128xf32, #tpu.memory_space<vmem>>, vector<1000x128xf32>,
    %get3A_28 = arith.constant 0 : index
    %get3A_29 = arith.constant 0 : index
    %get3A_30 = vector.load %arg7[%get3A_28, %get3A_29] : memref<64x128xf32, #tpu.memory_space<vmem>>, vector<64x128xf32>
    %dot_general3A_31 = arith.constant dense<0.000000e+00> : vector<1000x64xf32>
    %dot_general3A_32 = tpu.matmul %max3A_25, %get3A_30, %dot_general3A_31 {dimension_numbers = #tpu.dot_dimension_numbers<[1], [1], [0], [0], [0, 0, 1, 0], [], []>, transpose_lhs_hint = false} : vector<1000x128xf32>, vector<64x128xf32>, vector<1000x64xf32> -> vector<1000x64xf32>
    %get3A_33 = arith.constant 0 : index
    %get3A_34 = arith.constant 0 : index
    %get3A_35 = vector.load %arg8[%get3A_33, %get3A_34] : memref<8x64xf32, #tpu.memory_space<vmem>>, vector<1x64xf32>
    %add3A_36 = vector.broadcast %get3A_35 : vector<1x64xf32> to vector<1000x64xf32>
    %add3A_37 = arith.addf %dot_general3A_32, %add3A_36 : vector<1000x64xf32>
    %swap3A_38 = arith.constant 0 : index
    %swap3A_39 = arith.constant 0 : index
    %swap3A_40 = vector.load %arg10[%swap3A_38, %swap3A_39] : memref<1000x64xf32, #tpu.memory_space<vmem>>, vector<1000x64xf32>
    tpu.vector_store %arg10[%swap3A_38, %swap3A_39], %add3A_37 {strides = array<i32>} : memref<1000x64xf32, #tpu.memory_space<vmem>>, vector<1000x64xf32>,
    return
  }
  func.func @transform_0(%arg0: i32) -> (i32, i32) {
    %c0_i32 = arith.constant 0 : i32
    %c0_i32_0 = arith.constant 0 : i32
    return %arg0, %c0_i32 : i32, i32
  }
  func.func @transform_1(%arg0: i32) -> (i32, i32) {
    %c0_i32 = arith.constant 0 : i32
    %c0_i32_0 = arith.constant 0 : i32
    return %arg0, %c0_i32 : i32, i32
  }
  func.func @transform_2(%arg0: i32) -> (i32, i32) {
    %c0_i32 = arith.constant 0 : i32
    %c0_i32_0 = arith.constant 0 : i32
    return %arg0, %c0_i32 : i32, i32
  }
  func.func @transform_3(%arg0: i32) -> (i32, i32) {
    %c0_i32 = arith.constant 0 : i32
    %c0_i32_0 = arith.constant 0 : i32
    return %arg0, %c0_i32 : i32, i32
  }
  func.func @transform_4(%arg0: i32) -> (i32, i32) {
    %c0_i32 = arith.constant 0 : i32
    %c0_i32_0 = arith.constant 0 : i32
    return %arg0, %c0_i32 : i32, i32
  }
  func.func @transform_5(%arg0: i32) -> (i32, i32) {
    %c0_i32 = arith.constant 0 : i32
    %c0_i32_0 = arith.constant 0 : i32
    %c0_i32_1 = arith.constant 0 : i32
    return %c0_i32, %c0_i32_0 : i32, i32
  }
  func.func @transform_6(%arg0: i32) -> (i32, i32) {
    %c0_i32 = arith.constant 0 : i32
    %c0_i32_0 = arith.constant 0 : i32
    %c0_i32_1 = arith.constant 0 : i32
    return %c0_i32, %c0_i32_0 : i32, i32
  }
  func.func @transform_7(%arg0: i32) -> (i32, i32) {
    %c0_i32 = arith.constant 0 : i32
    %c0_i32_0 = arith.constant 0 : i32
    %c0_i32_1 = arith.constant 0 : i32
    return %c0_i32, %c0_i32_0 : i32, i32
  }
  func.func @transform_8(%arg0: i32) -> (i32, i32) {
    %c0_i32 = arith.constant 0 : i32
    %c0_i32_0 = arith.constant 0 : i32
    return %arg0, %c0_i32 : i32, i32
  }
  func.func @transform_9(%arg0: i32) -> (i32, i32) {
    %c0_i32 = arith.constant 0 : i32
    %c0_i32_0 = arith.constant 0 : i32
    return %arg0, %c0_i32 : i32, i32
  }
}

module attributes {stable_mosaic.version = 14 : i64} {
  func.func @_tc3_body(%arg0: i32, %arg1: memref<1000x128xf32, #tpu.memory_space<vmem>>, %arg2: memref<1000x128xf32, #tpu.memory_space<vmem>>, %arg3: memref<1000x128xf32, #tpu.memory_space<vmem>>, %arg4: memref<1000x128xf32, #tpu.memory_space<vmem>>, %arg5: memref<1000x64xf32, #tpu.memory_space<vmem>>, %arg6: memref<64x128xf32, #tpu.memory_space<vmem>>, %arg7: memref<1000x64xf32, #tpu.memory_space<vmem>>) attributes {dimension_semantics = [#tpu.dimension_semantics<arbitrary>], iteration_bounds = array<i64: 10>, scalar_prefetch = 0 : i64, scratch_operands = 0 : i64, tpu.core_type = #tpu.core_type<tc>, window_params = [{transform_indices = @transform_0, window_bounds = array<i64: 1000, 128>}, {transform_indices = @transform_1, window_bounds = array<i64: 1000, 128>}, {transform_indices = @transform_2, window_bounds = array<i64: 1000, 128>}, {transform_indices = @transform_3, window_bounds = array<i64: 1000, 128>}, {transform_indices = @transform_4, window_bounds = array<i64: 1000, 64>}, {pipeline_mode = #tpu.pipeline_mode<synchronous>, transform_indices = @transform_5, window_bounds = array<i64: 64, 128>}, {transform_indices = @transform_6, window_bounds = array<i64: 1000, 64>}]} {
    %get3A = arith.constant 0 : index
    %get3A_0 = arith.constant 0 : index
    %get3A_1 = vector.load %arg3[%get3A, %get3A_0] : memref<1000x128xf32, #tpu.memory_space<vmem>>, vector<1000x128xf32>
    %get3A_2 = arith.constant 0 : index
    %get3A_3 = arith.constant 0 : index
    %get3A_4 = vector.load %arg4[%get3A_2, %get3A_3] : memref<1000x128xf32, #tpu.memory_space<vmem>>, vector<1000x128xf32>
    %add3A = arith.addf %get3A_1, %get3A_4 : vector<1000x128xf32>
    %slice3A = vector.extract_strided_slice %add3A {offsets = [0, 0], sizes = [1000, 1], strides = [1, 1]} : vector<1000x128xf32> to vector<1000x1xf32>
    %max3A = arith.constant 1.000000e+00 : f32
    %max3A_5 = vector.broadcast %max3A : f32 to vector<1000x1xf32>
    %max3A_6 = arith.maximumf %slice3A, %max3A_5 : vector<1000x1xf32>
    %get3A_7 = arith.constant 0 : index
    %get3A_8 = arith.constant 0 : index
    %get3A_9 = vector.load %arg1[%get3A_7, %get3A_8] : memref<1000x128xf32, #tpu.memory_space<vmem>>, vector<1000x128xf32>
    %get3A_10 = arith.constant 0 : index
    %get3A_11 = arith.constant 0 : index
    %get3A_12 = vector.load %arg2[%get3A_10, %get3A_11] : memref<1000x128xf32, #tpu.memory_space<vmem>>, vector<1000x128xf32>
    %add3A_13 = arith.addf %get3A_9, %get3A_12 : vector<1000x128xf32>
    %div3A = vector.broadcast %max3A_6 : vector<1000x1xf32> to vector<1000x128xf32>
    %div3A_14 = arith.divf %add3A_13, %div3A : vector<1000x128xf32>
    %get3A_15 = arith.constant 0 : index
    %get3A_16 = arith.constant 0 : index
    %get3A_17 = vector.load %arg6[%get3A_15, %get3A_16] : memref<64x128xf32, #tpu.memory_space<vmem>>, vector<64x128xf32>
    %dot_general3A = arith.constant dense<0.000000e+00> : vector<1000x64xf32>
    %dot_general3A_18 = tpu.matmul %div3A_14, %get3A_17, %dot_general3A {dimension_numbers = #tpu.dot_dimension_numbers<[1], [1], [0], [0], [0, 0, 1, 0], [], []>, transpose_lhs_hint = false} : vector<1000x128xf32>, vector<64x128xf32>, vector<1000x64xf32> -> vector<1000x64xf32>
    %get3A_19 = arith.constant 0 : index
    %get3A_20 = arith.constant 0 : index
    %get3A_21 = vector.load %arg5[%get3A_19, %get3A_20] : memref<1000x64xf32, #tpu.memory_space<vmem>>, vector<1000x64xf32>
    %add3A_22 = arith.addf %dot_general3A_18, %get3A_21 : vector<1000x64xf32>
    %reduce_max3A = arith.constant dense<0xFF800000> : vector<1000xf32>
    %reduce_max3A_23 = vector.multi_reduction <maximumf>, %add3A_22, %reduce_max3A [1] : vector<1000x64xf32> to vector<1000xf32>
    %broadcast_in_dim3A = vector.shape_cast %reduce_max3A_23 : vector<1000xf32> to vector<1000x1xf32>
    %sub3A = vector.broadcast %broadcast_in_dim3A : vector<1000x1xf32> to vector<1000x64xf32>
    %sub3A_24 = arith.subf %add3A_22, %sub3A : vector<1000x64xf32>
    %exp3A = math.exp %sub3A_24 : vector<1000x64xf32>
    %reduce_sum3A = arith.constant dense<0.000000e+00> : vector<1000xf32>
    %reduce_sum3A_25 = vector.multi_reduction <add>, %exp3A, %reduce_sum3A [1] : vector<1000x64xf32> to vector<1000xf32>
    %broadcast_in_dim3A_26 = vector.shape_cast %reduce_sum3A_25 : vector<1000xf32> to vector<1000x1xf32>
    %log3A = math.log %broadcast_in_dim3A_26 : vector<1000x1xf32>
    %sub3A_27 = vector.broadcast %log3A : vector<1000x1xf32> to vector<1000x64xf32>
    %sub3A_28 = arith.subf %sub3A_24, %sub3A_27 : vector<1000x64xf32>
    %swap3A = arith.constant 0 : index
    %swap3A_29 = arith.constant 0 : index
    %swap3A_30 = vector.load %arg7[%swap3A, %swap3A_29] : memref<1000x64xf32, #tpu.memory_space<vmem>>, vector<1000x64xf32>
    tpu.vector_store %arg7[%swap3A, %swap3A_29], %sub3A_28 {strides = array<i32>} : memref<1000x64xf32, #tpu.memory_space<vmem>>, vector<1000x64xf32>,
    return
  }
  func.func @transform_0(%arg0: i32) -> (i32, i32) {
    %c0_i32 = arith.constant 0 : i32
    %c0_i32_0 = arith.constant 0 : i32
    return %arg0, %c0_i32 : i32, i32
  }
  func.func @transform_1(%arg0: i32) -> (i32, i32) {
    %c0_i32 = arith.constant 0 : i32
    %c0_i32_0 = arith.constant 0 : i32
    return %arg0, %c0_i32 : i32, i32
  }
  func.func @transform_2(%arg0: i32) -> (i32, i32) {
    %c0_i32 = arith.constant 0 : i32
    %c0_i32_0 = arith.constant 0 : i32
    return %arg0, %c0_i32 : i32, i32
  }
  func.func @transform_3(%arg0: i32) -> (i32, i32) {
    %c0_i32 = arith.constant 0 : i32
    %c0_i32_0 = arith.constant 0 : i32
    return %arg0, %c0_i32 : i32, i32
  }
  func.func @transform_4(%arg0: i32) -> (i32, i32) {
    %c0_i32 = arith.constant 0 : i32
    %c0_i32_0 = arith.constant 0 : i32
    return %arg0, %c0_i32 : i32, i32
  }
  func.func @transform_5(%arg0: i32) -> (i32, i32) {
    %c0_i32 = arith.constant 0 : i32
    %c0_i32_0 = arith.constant 0 : i32
    %c0_i32_1 = arith.constant 0 : i32
    return %c0_i32, %c0_i32_0 : i32, i32
  }
  func.func @transform_6(%arg0: i32) -> (i32, i32) {
    %c0_i32 = arith.constant 0 : i32
    %c0_i32_0 = arith.constant 0 : i32
    return %arg0, %c0_i32 : i32, i32
  }
}

</mosaic_0001>

<sc_bundles>
// kernel: kernel.11.cloned.1.call-start
scs
__scs_entry_jumppad:
0x0: {  	(pc) =	sbr.rel $0x88, $3  }
0x1: {  	(tag) =	ssettag $0x0;
	lr =	simm.s32 $0x1  }
0x2: {  	[smem:$0x3F99] =	sst lr;
	_ =	strace $0xD0000000  }
0x3: {  	_ = 	snop  }
0x4: {  	_ = 	snop  }
0x5: {  	_ = 	snop  }
0x6: {  	_ = 	snop  }
0x7: {  	_ = 	snop  }
__scs_overlays_trampoline_lowered:
0x8: {  	[smem:$0x3FA8] =	sst s0  }
0x9: {  	[smem:$0x3FA9] =	sst s1  }
0xa: {  	[smem:$0x3FAA] =	sst s2  }
0xb: {  	[smem:$0x3FAB] =	sst s3  }
0xc: {  	[smem:$0x3FAC] =	sst s4  }
0xd: {  	[smem:$0x3FAD] =	sst s5  }
0xe: {  	[smem:$0x3FAE] =	sst s6  }
0xf: {  	[smem:$0x3FAF] =	sst s7  }
0x10: {  	[smem:$0x3FB0] =	sst s8  }
0x11: {  	[smem:$0x3FB1] =	sst s9;
	s0 =	simm.s32 @!p0 $0x0  }
0x12: {  	s1 =	sld [smem:$0x3F97];
	s0 =	simm.s32 @p0 $0x1  }
0x13: {  	[smem:$0x3FB2] =	sst s0;
	s0 =	simm.s32 @!p1 $0x0  }
0x14: {  	s2 =	sld [smem:$0x3F96];
	s0 =	simm.s32 @p1 $0x1  }
0x15: {  	[smem:$0x3FB3] =	sst s0;
	s0 =	simm.s32 @!p2 $0x0  }
0x16: {  	s3 =	sld [smem:$0x3FDB];
	s0 =	simm.s32 @p2 $0x1  }
0x17: {  	s4 =	simm.s32 $0x1BF5;
	[smem:$0x3FB5] =	sst s0  }
0x18: {  	s0 =	sld [smem:$0x3F98];
	_ =	swait.ge [sflag:s4], $0x0  }
0x19: {  	s7 =	sld [smem:$0x3F99]  }
0x1a: {  	s8 =	sadd.s32 $0xFFFFE003, lr  }
0x1b: {  	s9 =	sadd.s32 $0xFFFFFEF7, lr;
	s5 =	simm.s32 $0xFFFFFFFF;
	p2 =	slt.u32 s8, $0xFFFFF086  }
0x1c: {  	p1 =	slt.u32 s9, $0xF7A;
	s5 =	simm.s32 @!p2 $0x0  }
0x1d: {  	s5 =	simm.s32 @p1 $0x1;
	p0 =	seq.s32 s7, s2  }
0x1e: {  	s7 =	smul.u32 @!p0 $0xF7A, s2;
	p2 =	seq.s32 @!p0 s5, $0x0  }
0x1f: {  	s9 =	smul.u32 $0xF7A, s1;
	s8 =	simm.s32 @!p0 $0x1BF5;
	p2 =	por !p2, p0  }
0x20: {  	[sflag:s8] =	ssyncset.s32 @!p0 $0xFFFFF086;
	s6 =	sadd.s32 @!p0 s3, s7;
	s7 =	simm.s32 @!p0 $0x108  }
0x21: {  	s3 =	sadd.s32 s3, s9;
	s6 =	sadd.s32 @!p0 $0x88, s6;
	s7 =	simm.s32 @p2 $0x1082  }
0x22: {  	[simem:s7], [sflag:s8] =	dma.local @!p0 [hbm:s6], $0xF7A  }
0x23: {  	s9 =	sor.u32 $0xD0000000, s2;
	s6 =	simm.s32 $0x108;
	_ =	swait.ge @!p0 [sflag:s8], $0x0  }
0x24: {  	s3 =	sadd.s32 $0x88, s3;
	s6 =	simm.s32 @!p1 $0x1082;
	[sflag:s4] =	ssyncset.s32 $0xFFFFF086  }
0x25: {  	[simem:s6], [sflag:s4] =	dma.local [hbm:s3], $0xF7A  }
0x26: {  	[smem:$0x3F99] =	sst s1;
	(tag) =	ssettag s2;
	_ =	strace s9  }
0x27: {  	s1 =	sld [smem:$0x3FA9]  }
0x28: {  	s2 =	sld [smem:$0x3FAA]  }
0x29: {  	s4 =	sld [smem:$0x3FAC]  }
0x2a: {  	p0 =	seq.s32 s5, $0x0;
	s5 =	sld [smem:$0x3FAD]  }
0x2b: {  	s6 =	sld [smem:$0x3FAE]  }
0x2c: {  	s7 =	sld [smem:$0x3FAF]  }
0x2d: {  	s3 =	simm.s32 $0x108;
	s8 =	sld [smem:$0x3FB0]  }
0x2e: {  	s3 =	simm.s32 @!p0 $0x1082;
	s9 =	sld [smem:$0x3FB1]  }
0x2f: {  	lr =	sadd.s32 s0, s3;
	s0 =	sld [smem:$0x3FA8]  }
0x30: {  	s3 =	sld [smem:$0x3FAB]  }
0x31: {  	[smem:$0x3FB4] =	sst s10  }
0x32: {  	s10 =	sld [smem:$0x3FB2];
	_ =	sdelay $0x3  }
0x33: {  	p0 =	seq.s32 s10, $0x1;
	s10 =	sld [smem:$0x3FB4];
	_ =	sdelay $0x3  }
0x34: {  	[smem:$0x3FB4] =	sst s10  }
0x35: {  	s10 =	sld [smem:$0x3FB3];
	_ =	sdelay $0x3  }
0x36: {  	p1 =	seq.s32 s10, $0x1;
	s10 =	sld [smem:$0x3FB4];
	_ =	sdelay $0x3  }
0x37: {  	[smem:$0x3FB4] =	sst s10  }
0x38: {  	s10 =	sld [smem:$0x3FB5]  }
0x39: {  	_ = 	snop;
	(pc) =	sbr.ind lr, $3  }
0x3a: {  	_ = 	snop  }
0x3b: {  	_ = 	snop  }
0x3c: {  	p2 =	seq.s32 s10, $0x1;
	s10 =	sld [smem:$0x3FB4]  }
0x3d: {  	_ =	shalt  }
0x3e: {  	_ =	shalt  }
0x3f: {  	_ =	shalt  }
0x40: {  	_ =	shalt  }
0x41: {  	_ =	shalt  }
0x42: {  	_ =	shalt  }
0x43: {  	_ =	shalt  }
0x44: {  	_ =	shalt  }
0x45: {  	_ =	shalt  }
0x46: {  	_ =	shalt  }
0x47: {  	_ =	shalt  }
0x48: {  	_ =	shalt  }
0x49: {  	_ =	shalt  }
0x4a: {  	_ =	shalt  }
0x4b: {  	_ =	shalt  }
0x4c: {  	_ =	shalt  }
0x4d: {  	_ =	shalt  }
0x4e: {  	_ =	shalt  }
0x4f: {  	_ =	shalt  }
0x50: {  	_ =	shalt  }
0x51: {  	_ =	shalt  }
0x52: {  	_ =	shalt  }
0x53: {  	_ =	shalt  }
0x54: {  	_ =	shalt  }
0x55: {  	_ =	shalt  }
0x56: {  	_ =	shalt  }
0x57: {  	_ =	shalt  }
0x58: {  	_ =	shalt  }
0x59: {  	_ =	shalt  }
0x5a: {  	_ =	shalt  }
0x5b: {  	_ =	shalt  }
0x5c: {  	_ =	shalt  }
0x5d: {  	_ =	shalt  }
0x5e: {  	_ =	shalt  }
0x5f: {  	_ =	shalt  }
0x60: {  	_ =	shalt  }
0x61: {  	_ =	shalt  }
0x62: {  	_ =	shalt  }
0x63: {  	_ =	shalt  }
0x64: {  	_ =	shalt  }
0x65: {  	_ =	shalt  }
0x66: {  	_ =	shalt  }
0x67: {  	_ =	shalt  }
0x68: {  	_ =	shalt  }
0x69: {  	_ =	shalt  }
0x6a: {  	_ =	shalt  }
0x6b: {  	_ =	shalt  }
0x6c: {  	_ =	shalt  }
0x6d: {  	_ =	shalt  }
0x6e: {  	_ =	shalt  }
0x6f: {  	_ =	shalt  }
0x70: {  	_ =	shalt  }
0x71: {  	_ =	shalt  }
0x72: {  	_ =	shalt  }
0x73: {  	_ =	shalt  }
0x74: {  	_ =	shalt  }
0x75: {  	_ =	shalt  }
0x76: {  	_ =	shalt  }
0x77: {  	_ =	shalt  }
0x78: {  	_ =	shalt  }
0x79: {  	_ =	shalt  }
0x7a: {  	_ =	shalt  }
0x7b: {  	_ =	shalt  }
0x7c: {  	_ =	shalt  }
0x7d: {  	_ =	shalt  }
0x7e: {  	_ =	shalt  }
0x7f: {  	_ =	shalt  }
0x80: {  	_ =	shalt  }
0x81: {  	_ =	shalt  }
0x82: {  	_ =	shalt  }
0x83: {  	_ =	shalt  }
0x84: {  	_ =	shalt  }
0x85: {  	_ =	shalt  }
0x86: {  	_ =	shalt  }
0x87: {  	_ =	shalt  }
.Lfunc_end0:
.L_simem_size_0:
called_computation.1_lowered:
.L_overlay_start_0:
0x88: {  	s2 =	sld [smem:$0x3FD9]  }
0x89: {  	s3 =	sld [smem:$0x3FFE];
	_ =	sdelay $0x1  }
0x8a: {  	s1 =	srdreg.scid  }
0x8b: {  	s0 =	sand.u32 $0x1, s1  }
0x8c: {  	s17 =	sshll.u32 s0, $0xA;
	s2 =	sadd.s32 s3, s2  }
0x8d: {  	s2 =	sadd.s32 s2, s17  }
0x8e: {  	[smem:$0x3FC0] =	sst s2  }
0x8f: {  	_ = 	snop  }
0x90: {  	s18 =	sld [smem:$0x3FC9]  }
0x91: {  	s4 =	sld [smem:$0x3FD0];
	(tm) =	ssettm $0x1  }
0x92: {  	s19 =	sld [smem:$0x3FFB];
	_ =	sdelay $0x3  }
0x93: {  	_ =	strace s19  }
0x94: {  	s2 =	sld [smem:$0x3FFC];
	_ =	sdelay $0x3  }
0x95: {  	_ =	strace s2  }
0x96: {  	s2 =	sld [smem:$0x3FFD];
	_ =	sdelay $0x3  }
0x97: {  	_ =	strace s2  }
0x98: {  	_ =	strace $0x8FFFFFFF  }
0x99: {  	s20 =	sld [smem:$0x3FDB];
	_ =	sdelay $0x1  }
0x9a: {  	s5 =	simm.s32 $_scs_section_size  }
0x9b: {  	s6 =	simm.s32 $_size__tile_overlayer_lowered;
	s7 =	simm.s32 $_tile_overlayer_lowered  }
0x9c: {  	s8 =	simm.s32 $0x1BFF;
	s21 =	sshll.u32 s7, $0x1;
	s5 =	sadd.s32 s5, s20  }
0x9d: {  	s22 =	simm.s32 $0x0;
	s6 =	sshll.u32 s6, $0x1;
	s7 =	sadd.s32 s21, s5  }
0x9e: {  	[timem:s22], [sflag:s8] =	dma.local [hbm:s7], s6  }
0x9f: {  	_ =	swait.ge [sflag:s8], s6  }
0xa0: {  	s6 =	ssub.s32 $0x0, s6;
	[sflag:s8] =	ssyncset.done $0x0  }
0xa1: {  	[sflag:s8] =	ssyncadd.s32 s6;
	_ =	sdelay $0x1  }
0xa2: {  	s23 =	simm.s32 $0x1B8B  }
0xa3: {  	_ =	swait.ge [sflag:s23], $0x1  }
0xa4: {  	[sflag:s23] =	ssyncset.done $0x0  }
0xa5: {  	[sflag:s23] =	ssyncadd.s32 $0xFFFFFFFF  }
0xa6: {  	s6 =	sld [smem:$0x0]  }
0xa7: {  	s7 =	sand.u32 $0xFFFFFFFE, s1  }
0xa8: {  	p0 =	sne.s32 s1, s7  }
0xa9: {  	s7 =	sshll.u32 @p0 s7, $0xE  }
0xaa: {  	s7 =	sadd.s32 @p0 $0x11B8D, s7;
	s8 =	sshll.u32 @p0 s6, $0x11  }
0xab: {  	s7 =	sor.u32 @p0 s8, s7  }
0xac: {  	[sflag:s7] =	ssyncadd.remote.s32 @p0 $0x1;
	_ =	sdelay $0x1  }
0xad: {  	s7 =	simm.s32 @p0 $0x1B8D  }
0xae: {  	_ =	swait.eq @p0 [sflag:s7], $0x1  }
0xaf: {  	[sflag:s7] =	ssyncadd.s32 @p0 $0xFFFFFFFF  }
0xb0: {  	s8 =	sshll.u32 @!p0 s1, $0xE  }
0xb1: {  	s8 =	sor.u32 @!p0 $0x4000, s8;
	s7 =	simm.s32 @!p0 $0x1B8D  }
0xb2: {  	s6 =	sshll.u32 @!p0 s6, $0x11;
	s8 =	sadd.s32 @!p0 $0x11B8D, s8;
	_ =	swait.eq @!p0 [sflag:s7], $0x1  }
0xb3: {  	s6 =	sor.u32 @!p0 s6, s8;
	[sflag:s7] =	ssyncadd.s32 @!p0 $0xFFFFFFFF  }
0xb4: {  	s25 =	simm.s32 $0x1B8E;
	s24 =	sld [smem:$0x3FFE];
	[sflag:s6] =	ssyncadd.remote.s32 @!p0 $0x1  }
0xb5: {  	s26 =	simm.s32 $execute0_lowered;
	[smem:$0x3FD2] =	sst s25  }
0xb6: {  	s7 =	sshll.u32 s26, $0x1;
	_ =	strace $0x80000049;
	[dreg:$0x1] =	wrdreg $0xFFFFFFFF  }
0xb7: {  	s28 =	simm.s32 $_size_execute0_lowered;
	s5 =	sadd.s32 s5, s7;
	[dreg:$0x0] =	wrdreg $0x0  }
0xb8: {  	s7 =	sshll.u32 s28, $0x1;
	[dreg:$0x2] =	wrdreg s5  }
0xb9: {  	[dreg:$0x3] =	wrdreg s7  }
0xba: {  	[dreg:$0x4] =	wrdreg $0xC0  }
0xbb: {  	_ =	task [dreg:s22], $0x5FFFF  }
0xbc: {  	[dreg:$0x1] =	wrdreg $0xFFFFFFFF  }
0xbd: {  	[dreg:$0x0] =	wrdreg $0x60  }
0xbe: {  	[dreg:$0x2] =	wrdreg s4  }
0xbf: {  	[dreg:$0x3] =	wrdreg s18  }
0xc0: {  	[dreg:$0x4] =	wrdreg s24  }
0xc1: {  	[dreg:$0x5] =	wrdreg $0x82000  }
0xc2: {  	[dreg:$0x6] =	wrdreg $0xA  }
0xc3: {  	_ =	task.clear_ibuf [dreg:s22], $0x7FFFF;
	_ =	strace $0x90000049  }
0xc4: {  	s29 =	simm.s32 $0xA;
	_ =	strace $0x8000004B  }
0xc5: {  	_ =	swait.ge [sflag:s29], $0x1  }
0xc6: {  	[sflag:s29] =	ssyncadd.s32 $0xFFFFFFFF  }
0xc7: {  	_ =	strace $0x9000004B  }
0xc8: {  	_ =	sfence  }
0xc9: {  	s30 =	sld [smem:$0x0];
	_ =	sdelay $0x2  }
0xca: {  	s31 =	sshll.u32 s1, $0xD;
	s1 =	sshrl.u32 s1, $0x2  }
0xcb: {  	s4 =	sand.u32 $0x4000, s31;
	s1 =	sadd.s32 s1, s30  }
0xcc: {  	s0 =	sor.u32 s4, s0;
	s1 =	sshll.u32 s1, $0x11  }
0xcd: {  	s0 =	sor.u32 s1, s0  }
0xce: {  	s0 =	sadd.s32 $0x8F2B, s0  }
0xcf: {  	[sflag:s0] =	ssyncadd.remote.s32 $0x1  }
0xd0: {  	_ =	sfence.sel $0xFFFF  }
0xd1: {  	[dreg:$0x0] =	wrdreg $0xFFFFFFFF;
	(pc) =	sbr.abs _section_cstart, $3  }
0xd2: {  	[dreg:$0x1] =	wrdreg $0xFFFFFFFF  }
0xd3: {  	_ =	task.clear_ibuf [dreg:s22], $0x2FFFF;
	_ =	strace $0x9FFFFFFF  }
0xd4: {  	(tm) =	ssettm $0x7FFFFFFF  }
0xd5: {  	_ =	shalt  }
tec
execute0_lowered:
.L_overlay_start_1:
0x0: {  	(tag) =	ssettag $0x1  }
0x1: {  	s0 =	rddreg [dreg:$0x0]  }
0x2: {  	s1 =	rddreg [dreg:$0x1]  }
0x3: {  	s2 =	rddreg [dreg:$0x2];
	s20 =	stileid.u32  }
0x4: {  	s3 =	rddreg [dreg:$0x3];
	s4 =	simm.s32 $0x0;
	s10 =	smul.u32 $0x50000, s20  }
0x5: {  	s5 =	srdreg.scid;
	s17 =	simm.s32 $0x54600;
	s23 =	smul.u32 $0x280, s20  }
0x6: {  	[smem:$0x7FF] =	sst s4;
	s5 =	sand.u32 $0x1, s5;
	s12 =	smul.u32 $0x2800, s20  }
0x7: {  	s6 =	sshll.u32 s20, $0x1;
	s7 =	sadd.s32 $0x3600, s2;
	s24 =	smul.u32 $0x9C0, s20  }
0x8: {  	p1 =	slt.u32 s20, $0x2;
	s6 =	sor.u32 s5, s6;
	s26 =	smul.u32 $0x4E0, s5  }
0x9: {  	s22 =	ssub.s32 $0x2, s5;
	p0 =	seq.s32 s5, $0x0;
	s5 =	smul.u32 $0x4E, s5  }
0xa: {  	_ =	strace $0x8000004A;
	[dreg:$0x5] =	wrdreg s7;
	s8 =	smul.u32 $0x4E, s6  }
0xb: {  	s9 =	sshrl.u32 s22, $0x1;
	s6 =	smin.u32 s6, $0x4;
	s10 =	sshrl.u32 s10, $0x2  }
0xc: {  	s14 =	sadd.s32 $0x100, s23;
	s16 =	sadd.s32 $0x180, s23;
	s17 =	simm.s32 @!p0 $0x7C600  }
0xd: {  	s7 =	ssub.s32 s22, s9;
	s15 =	sshll.u32 s14, $0x4;
	s2 =	sadd.s32 s17, s2  }
0xe: {  	s18 =	sshll.u32 s16, $0x4;
	s9 =	sadd.s32 $0x200, s23;
	s12 =	sadd.s32 s2, s12  }
0xf: {  	s22 =	smul.u32 $0x9C, s20;
	s15 =	sadd.s32 s2, s15;
	[dreg:$0x7] =	wrdreg s12  }
0x10: {  	s8 =	sadd.s32 s6, s8;
	s21 =	sadd.s32 s2, s18;
	[dreg:$0x9] =	wrdreg s15  }
0x11: {  	s19 =	sshll.u32 s9, $0x4;
	s8 =	sshll.u32 s8, $0x4;
	[dreg:$0xa] =	wrdreg s21  }
0x12: {  	s5 =	sadd.s32 s5, s22;
	s15 =	simm.s32 $0x0;
	s11 =	sadd.s32 s0, s8  }
0x13: {  	s5 =	sadd.s32 s6, s5;
	[dreg:$0x6] =	wrdreg s11;
	s11 =	sadd.s32 $0x80, s23  }
0x14: {  	s23 =	sadd.s32 s24, s0;
	s24 =	sadd.s32 $0x9C40, s0;
	s5 =	sshll.u32 s5, $0x4  }
0x15: {  	s13 =	sshll.u32 s11, $0x4;
	s17 =	sadd.s32 s8, s24;
	s22 =	sshll.u32 s11, $0x7  }
0x16: {  	s11 =	simm.s32 $0x2;
	s25 =	sadd.s32 s2, s13;
	[dreg:$0xc] =	wrdreg s17  }
0x17: {  	s2 =	sadd.s32 s2, s19;
	s19 =	sadd.s32 $0x20, s8;
	[dreg:$0x8] =	wrdreg s25  }
0x18: {  	s13 =	simm.s32 $0x4;
	[dreg:$0xb] =	wrdreg s2;
	s2 =	sadd.s32 s26, s23  }
0x19: {  	s25 =	sshll.u32 s6, $0x4;
	s26 =	sadd.s32 $0x10, s8;
	s21 =	sadd.s32 s19, s24  }
0x1a: {  	s23 =	smax.u32 s7, $0x1;
	s7 =	simm.s32 $0x180;
	s8 =	simm.s32 $0x1  }
0x1b: {  	s12 =	sadd.s32 s25, s2;
	s18 =	sand.u32 $0x1FFFFFF0, s26;
	[dreg:$0xf] =	wrdreg s21  }
0x1c: {  	s2 =	sadd.s32 s26, s24;
	[dreg:$0x11] =	wrdreg s23;
	s24 =	sshll.u32 s14, $0x7  }
0x1d: {  	s25 =	sshll.u32 s16, $0x7;
	s26 =	sshll.u32 s9, $0x7;
	s9 =	simm.s32 $0x4200  }
0x1e: {  	s14 =	simm.s32 $0x6;
	s6 =	sadd.s32 s0, s18;
	[dreg:$0xe] =	wrdreg s2  }
0x1f: {  	s2 =	sand.u32 $0x1FFFFFF0, s19;
	s18 =	simm.s32 $0x4D;
	s19 =	sadd.s32 s10, s3  }
0x20: {  	s10 =	simm.s32 $0x3;
	[dreg:$0xd] =	wrdreg s6;
	s2 =	sadd.s32 s0, s2  }
0x21: {  	s0 =	sadd.s32 s0, s5;
	s18 =	simm.s32 @!p1 $0x4C;
	p1 =	sgt.u32 s20, $0x1  }
0x22: {  	s28 =	sadd.s32 $0x4000, s19;
	s29 =	sadd.s32 $0x8000, s19;
	s30 =	sadd.s32 $0xC000, s19  }
0x23: {  	s31 =	sadd.s32 $0x10000, s19;
	[dreg:$0x10] =	wrdreg s2;
	s2 =	sadd.s32 s22, s3  }
0x24: {  	s5 =	simm.s32 $0x100;
	s6 =	simm.s32 $0x80;
	[dreg:$0x12] =	wrdreg s2  }
0x25: {  	s2 =	sadd.s32 s24, s3;
	s24 =	sadd.s32 s26, s3;
	s26 =	sadd.s32 $0x30, s0  }
0x26: {  	[dreg:$0x13] =	wrdreg s2;
	s2 =	sadd.s32 s25, s3;
	s25 =	sadd.s32 $0x40, s0  }
0x27: {  	s0 =	simm.s32 $0x200;
	[dreg:$0x14] =	wrdreg s2;
	s2 =	simm.s32 $0x5  }
.LBB2_1:
0x28: {  	s16 =	rddreg [dreg:$0x5]  }
0x29: {  	[tilespmem:s0], [sflag:$0x5] =	stream.linear.gather [hbm4b:s16+s4], $0x4000, $0x38;
	[tilespmem:$0x1C200] =	vst v63  }
0x2a: {  	_ =	swait.ge [sflag:s2], $0x4000  }
0x2b: {  	[sflag:s2] =	ssyncset.done $0x0  }
0x2c: {  	[sflag:s2] =	ssyncadd.s32 $0xFFFFC000  }
0x2d: {  	[spmem:s19] =	stream.linear.scatter [tilespmem:s0], [sflag:$0x5], $0x4000, $0x38;
	[tilespmem:$0x1C200] =	vst v63  }
0x2e: {  	_ =	swait.ge [sflag:s2], $0x4000  }
0x2f: {  	[sflag:s2] =	ssyncset.done $0x0  }
0x30: {  	[sflag:s2] =	ssyncadd.s32 $0xFFFFC000  }
0x31: {  	[spmem:s28] =	stream.linear.scatter [tilespmem:s0], [sflag:$0x5], $0x4000, $0x38;
	[tilespmem:$0x1C200] =	vst v63  }
0x32: {  	_ =	swait.ge [sflag:s2], $0x4000  }
0x33: {  	[sflag:s2] =	ssyncset.done $0x0  }
0x34: {  	[sflag:s2] =	ssyncadd.s32 $0xFFFFC000  }
0x35: {  	[spmem:s29] =	stream.linear.scatter [tilespmem:s0], [sflag:$0x5], $0x4000, $0x38;
	[tilespmem:$0x1C200] =	vst v63  }
0x36: {  	_ =	swait.ge [sflag:s2], $0x4000  }
0x37: {  	[sflag:s2] =	ssyncset.done $0x0  }
0x38: {  	[sflag:s2] =	ssyncadd.s32 $0xFFFFC000  }
0x39: {  	[spmem:s30] =	stream.linear.scatter [tilespmem:s0], [sflag:$0x5], $0x4000, $0x38;
	[tilespmem:$0x1C200] =	vst v63  }
0x3a: {  	_ =	swait.ge [sflag:s2], $0x4000  }
0x3b: {  	[sflag:s2] =	ssyncset.done $0x0  }
0x3c: {  	[sflag:s2] =	ssyncadd.s32 $0xFFFFC000  }
0x3d: {  	[spmem:s31] =	stream.linear.scatter [tilespmem:s0], [sflag:$0x5], $0x4000, $0x38;
	[tilespmem:$0x1C200] =	vst v63  }
0x3e: {  	_ =	swait.ge [sflag:s2], $0x4000  }
0x3f: {  	[sflag:s2] =	ssyncset.done $0x0  }
0x40: {  	[sflag:s2] =	ssyncadd.s32 $0xFFFFC000  }
0x41: {  	[bflag:$0x0] =	sbarrier.arrive $0xFFFF  }
0x42: {  	s21 =	rddreg [dreg:$0x6]  }
0x43: {  	[tilespmem:s4], [sflag:$0x2] =	stream.linear.gather [hbm4b:s21+s4], $0x80, $0x38;
	[tilespmem:$0x1C200] =	vst v63  }
0x44: {  	s22 =	rddreg [dreg:$0xc]  }
0x45: {  	[tilespmem:s5], [sflag:$0x2] =	stream.linear.gather [hbm4b:s22+s4], $0x80, $0x38;
	[tilespmem:$0x1C200] =	vst v63  }
0x46: {  	_ =	swait.ge [sflag:s11], $0x80  }
0x47: {  	[sflag:s11] =	ssyncset.done $0x0  }
0x48: {  	[sflag:s11] =	ssyncadd.s32 $0xFFFFFF80  }
0x49: {  	_ =	swait.ge [sflag:s11], $0x80  }
0x4a: {  	[sflag:s11] =	ssyncset.done $0x0  }
0x4b: {  	[sflag:s11] =	ssyncadd.s32 $0xFFFFFF80  }
0x4c: {  	[tilespmem:s0], [sflag:$0x1] =	stream.indirect.gather [hbm4b:s1+s6], $0x80, s4, s6, $0xb8;
	[tilespmem:$0x1C200] =	vst v63  }
0x4d: {  	s23 =	rddreg [dreg:$0xd]  }
0x4e: {  	[tilespmem:s6], [sflag:$0x2] =	stream.linear.gather [hbm4b:s23+s4], $0x80, $0x38;
	[tilespmem:$0x1C200] =	vst v63  }
0x4f: {  	s17 =	rddreg [dreg:$0xe]  }
0x50: {  	[tilespmem:s7], [sflag:$0x2] =	stream.linear.gather [hbm4b:s17+s4], $0x80, $0x38;
	[tilespmem:$0x1C200] =	vst v63  }
0x51: {  	_ =	swait.ge [sflag:s8], $0x4000  }
0x52: {  	[sflag:s8] =	ssyncset.done $0x0  }
0x53: {  	[sflag:s8] =	ssyncadd.s32 $0xFFFFC000  }
0x54: {  	_ =	swait.ge [sflag:s11], $0x80  }
0x55: {  	[sflag:s11] =	ssyncset.done $0x0  }
0x56: {  	[sflag:s11] =	ssyncadd.s32 $0xFFFFFF80  }
0x57: {  	_ =	swait.ge [sflag:s11], $0x80  }
0x58: {  	[sflag:s11] =	ssyncset.done $0x0  }
0x59: {  	[sflag:s11] =	ssyncadd.s32 $0xFFFFFF80  }
0x5a: {  	[tilespmem:s9], [sflag:$0x1] =	stream.indirect.gather [hbm4b:s1+s6], $0x80, s6, s6, $0xb8;
	[tilespmem:$0x1C200] =	vst v63  }
0x5b: {  	_ = 	snop  }
0x5c: {  	[spmem:s3] =	stream.indirect.scatter.add.f32 [tilespmem:s0], [sflag:$0x3], $0x80, s5, s6, $0xb8;
	[tilespmem:$0x1C200] =	vst v63  }
0x5d: {  	s20 =	rddreg [dreg:$0x10]  }
0x5e: {  	[tilespmem:s4], [sflag:$0x2] =	stream.linear.gather [hbm4b:s20+s4], $0x80, $0x38;
	[tilespmem:$0x1C200] =	vst v63  }
0x5f: {  	s21 =	rddreg [dreg:$0xf]  }
0x60: {  	[tilespmem:s5], [sflag:$0x2] =	stream.linear.gather [hbm4b:s21+s4], $0x80, $0x38;
	[tilespmem:$0x1C200] =	vst v63  }
0x61: {  	_ =	swait.ge [sflag:s8], $0x4000  }
0x62: {  	[sflag:s8] =	ssyncset.done $0x0  }
0x63: {  	[sflag:s8] =	ssyncadd.s32 $0xFFFFC000  }
0x64: {  	_ =	swait.ge [sflag:s11], $0x80  }
0x65: {  	[sflag:s11] =	ssyncset.done $0x0  }
0x66: {  	[sflag:s11] =	ssyncadd.s32 $0xFFFFFF80  }
0x67: {  	_ =	swait.ge [sflag:s11], $0x80  }
0x68: {  	[sflag:s11] =	ssyncset.done $0x0  }
0x69: {  	[sflag:s11] =	ssyncadd.s32 $0xFFFFFF80  }
0x6a: {  	_ =	swait.ge [sflag:s10], $0x4000  }
0x6b: {  	[sflag:s10] =	ssyncset.done $0x0  }
0x6c: {  	[sflag:s10] =	ssyncadd.s32 $0xFFFFC000  }
0x6d: {  	[tilespmem:s0], [sflag:$0x1] =	stream.indirect.gather [hbm4b:s1+s6], $0x80, s4, s6, $0xb8;
	[tilespmem:$0x1C200] =	vst v63  }
0x6e: {  	_ = 	snop  }
0x6f: {  	[spmem:s3] =	stream.indirect.scatter.add.f32 [tilespmem:s9], [sflag:$0x4], $0x80, s7, s6, $0xb8;
	[tilespmem:$0x1C200] =	vst v63  }
0x70: {  	s22 =	sadd.s32 $0x0, s26;
	s17 =	sadd.s32 $0x0, s12  }
0x71: {  	[tilespmem:s6], [sflag:$0x2] =	stream.linear.gather [hbm4b:s22+s4], $0x80, $0x38;
	[tilespmem:$0x1C200] =	vst v63  }
0x72: {  	s23 =	sadd.s32 $0x9C70, s17  }
0x73: {  	[tilespmem:s7], [sflag:$0x2] =	stream.linear.gather [hbm4b:s23+s4], $0x80, $0x38;
	[tilespmem:$0x1C200] =	vst v63  }
0x74: {  	_ =	swait.ge [sflag:s8], $0x4000  }
0x75: {  	[sflag:s8] =	ssyncset.done $0x0  }
0x76: {  	[sflag:s8] =	ssyncadd.s32 $0xFFFFC000  }
0x77: {  	_ =	swait.ge [sflag:s11], $0x80  }
0x78: {  	[sflag:s11] =	ssyncset.done $0x0  }
0x79: {  	[sflag:s11] =	ssyncadd.s32 $0xFFFFFF80  }
0x7a: {  	_ =	swait.ge [sflag:s11], $0x80  }
0x7b: {  	[sflag:s11] =	ssyncset.done $0x0  }
0x7c: {  	[sflag:s11] =	ssyncadd.s32 $0xFFFFFF80  }
0x7d: {  	_ =	swait.ge [sflag:s13], $0x4000  }
0x7e: {  	[sflag:s13] =	ssyncset.done $0x0  }
0x7f: {  	p2 =	sle.u32 s18, $0x2;
	[sflag:s13] =	ssyncadd.s32 $0xFFFFC000  }
0x80: {  	[tilespmem:s9], [sflag:$0x1] =	stream.indirect.gather [hbm4b:s1+s6], $0x80, s6, s6, $0xb8;
	[tilespmem:$0x1C200] =	vst v63  }
0x81: {  	s16 =	simm.s32 @p2 $0x1  }
0x82: {  	[spmem:s3] =	stream.indirect.scatter.add.f32 [tilespmem:s0], [sflag:$0x3], $0x80, s5, s6, $0xb8;
	[tilespmem:$0x1C200] =	vst v63  }
0x83: {  	_ =	swait.ge @p2 [sflag:s16], $0x4000  }
0x84: {  	s17 =	sadd.s32 @!p2 $0x0, s12;
	[sflag:s16] =	ssyncset.done @p2 $0x0  }
0x85: {  	s20 =	sadd.s32 @!p2 $0x0, s25;
	[sflag:s16] =	ssyncadd.s32 @p2 $0xFFFFC000;
	s16 =	simm.s32 @!p2 $0x0  }
0x86: {  	[tilespmem:s16], [sflag:$0x2] =	stream.linear.gather @!p2 [hbm4b:s20+s16], $0x80, $0x38;
	[tilespmem:$0x1C200] =	vst v63  }
0x87: {  	s17 =	sadd.s32 @!p2 $0x9C80, s17;
	s20 =	simm.s32 @!p2 $0x100  }
0x88: {  	[tilespmem:s20], [sflag:$0x2] =	stream.linear.gather @!p2 [hbm4b:s17+s16], $0x80, $0x38;
	[tilespmem:$0x1C200] =	vst v63  }
0x89: {  	s17 =	simm.s32 @!p2 $0x1  }
0x8a: {  	_ =	swait.ge @!p2 [sflag:s17], $0x4000  }
0x8b: {  	[sflag:s17] =	ssyncset.done @!p2 $0x0  }
0x8c: {  	s20 =	simm.s32 @!p2 $0x2;
	[sflag:s17] =	ssyncadd.s32 @!p2 $0xFFFFC000  }
0x8d: {  	_ =	swait.ge @!p2 [sflag:s20], $0x80  }
0x8e: {  	[sflag:s20] =	ssyncset.done @!p2 $0x0  }
0x8f: {  	[sflag:s20] =	ssyncadd.s32 @!p2 $0xFFFFFF80  }
0x90: {  	_ =	swait.ge @!p2 [sflag:s20], $0x80  }
0x91: {  	[sflag:s20] =	ssyncset.done @!p2 $0x0  }
0x92: {  	s17 =	simm.s32 @!p2 $0x3;
	[sflag:s20] =	ssyncadd.s32 @!p2 $0xFFFFFF80  }
0x93: {  	_ =	swait.ge @!p2 [sflag:s17], $0x4000  }
0x94: {  	[sflag:s17] =	ssyncset.done @!p2 $0x0  }
0x95: {  	s20 =	simm.s32 @!p2 $0x80;
	[sflag:s17] =	ssyncadd.s32 @!p2 $0xFFFFC000;
	s17 =	simm.s32 @!p2 $0x200  }
0x96: {  	[tilespmem:s17], [sflag:$0x1] =	stream.indirect.gather @!p2 [hbm4b:s1+s20], $0x80, s16, s20, $0xb8;
	[tilespmem:$0x1C200] =	vst v63  }
0x97: {  	s16 =	simm.s32 $0x20;
	s17 =	simm.s32 $0x2  }
.LBB2_2:
0x98: {  	s17 =	sadd.s32 $0x2, s17;
	s20 =	smov.u32 s16;
	s16 =	sadd.s32 $0x20, s16  }
0x99: {  	[spmem:s3] =	stream.indirect.scatter.add.f32 [tilespmem:s9], [sflag:$0x4], $0x80, s7, s6, $0xb8;
	[tilespmem:$0x1C200] =	vst v63  }
0x9a: {  	s21 =	sadd.s32 s20, s26;
	s22 =	sadd.s32 s20, s12;
	p2 =	sne.s32 s16, $0x4C0  }
0x9b: {  	[tilespmem:s6], [sflag:$0x2] =	stream.linear.gather [hbm4b:s21+s4], $0x80, $0x38;
	[tilespmem:$0x1C200] =	vst v63  }
0x9c: {  	s21 =	sadd.s32 $0x9C70, s22  }
0x9d: {  	[tilespmem:s7], [sflag:$0x2] =	stream.linear.gather [hbm4b:s21+s4], $0x80, $0x38;
	[tilespmem:$0x1C200] =	vst v63  }
0x9e: {  	_ =	swait.ge [sflag:s8], $0x4000  }
0x9f: {  	[sflag:s8] =	ssyncset.done $0x0  }
0xa0: {  	[sflag:s8] =	ssyncadd.s32 $0xFFFFC000  }
0xa1: {  	_ =	swait.ge [sflag:s11], $0x80  }
0xa2: {  	[sflag:s11] =	ssyncset.done $0x0  }
0xa3: {  	[sflag:s11] =	ssyncadd.s32 $0xFFFFFF80  }
0xa4: {  	_ =	swait.ge [sflag:s11], $0x80  }
0xa5: {  	[sflag:s11] =	ssyncset.done $0x0  }
0xa6: {  	[sflag:s11] =	ssyncadd.s32 $0xFFFFFF80  }
0xa7: {  	_ =	swait.ge [sflag:s13], $0x4000  }
0xa8: {  	[sflag:s13] =	ssyncset.done $0x0  }
0xa9: {  	[sflag:s13] =	ssyncadd.s32 $0xFFFFC000  }
0xaa: {  	[tilespmem:s9], [sflag:$0x1] =	stream.indirect.gather [hbm4b:s1+s6], $0x80, s6, s6, $0xb8;
	[tilespmem:$0x1C200] =	vst v63  }
0xab: {  	p3 =	sge.u32 s17, s18  }
0xac: {  	[spmem:s3] =	stream.indirect.scatter.add.f32 [tilespmem:s0], [sflag:$0x3], $0x80, s5, s6, $0xb8;
	[tilespmem:$0x1C200] =	vst v63  }
0xad: {  	s22 =	sadd.s32 @!p3 s20, s12;
	s21 =	simm.s32 @p3 $0x1  }
0xae: {  	s22 =	sadd.s32 @!p3 $0x9C80, s22;
	_ =	swait.ge @p3 [sflag:s21], $0x4000  }
0xaf: {  	s23 =	simm.s32 @!p3 $0x0;
	s20 =	sadd.s32 @!p3 s20, s25;
	[sflag:s21] =	ssyncset.done @p3 $0x0  }
0xb0: {  	[sflag:s21] =	ssyncadd.s32 @p3 $0xFFFFC000;
	s21 =	simm.s32 @!p3 $0x100  }
0xb1: {  	[tilespmem:s23], [sflag:$0x2] =	stream.linear.gather @!p3 [hbm4b:s20+s23], $0x80, $0x38;
	[tilespmem:$0x1C200] =	vst v63  }
0xb2: {  	s20 =	simm.s32 @!p3 $0x1  }
0xb3: {  	[tilespmem:s21], [sflag:$0x2] =	stream.linear.gather @!p3 [hbm4b:s22+s23], $0x80, $0x38;
	[tilespmem:$0x1C200] =	vst v63  }
0xb4: {  	_ =	swait.ge @!p3 [sflag:s20], $0x4000  }
0xb5: {  	s21 =	simm.s32 @!p3 $0x2;
	[sflag:s20] =	ssyncset.done @!p3 $0x0  }
0xb6: {  	[sflag:s20] =	ssyncadd.s32 @!p3 $0xFFFFC000  }
0xb7: {  	_ =	swait.ge @!p3 [sflag:s21], $0x80  }
0xb8: {  	[sflag:s21] =	ssyncset.done @!p3 $0x0  }
0xb9: {  	[sflag:s21] =	ssyncadd.s32 @!p3 $0xFFFFFF80  }
0xba: {  	_ =	swait.ge @!p3 [sflag:s21], $0x80  }
0xbb: {  	s20 =	simm.s32 @!p3 $0x3;
	[sflag:s21] =	ssyncset.done @!p3 $0x0  }
.Ltmp0:
0xbc: {  	[sflag:s21] =	ssyncadd.s32 @!p3 $0xFFFFFF80;
	(pc) =	sbr.rel @p2 .LBB2_2-.Ltmp0, $4  }
0xbd: {  	_ =	swait.ge @!p3 [sflag:s20], $0x4000  }
0xbe: {  	s22 =	simm.s32 @!p3 $0x200;
	s21 =	simm.s32 @!p3 $0x80;
	[sflag:s20] =	ssyncset.done @!p3 $0x0  }
0xbf: {  	[sflag:s20] =	ssyncadd.s32 @!p3 $0xFFFFC000  }
0xc0: {  	[tilespmem:s22], [sflag:$0x1] =	stream.indirect.gather @!p3 [hbm4b:s1+s21], $0x80, s23, s21, $0xb8;
	[tilespmem:$0x1C200] =	vst v63  }
0xc1: {  	[spmem:s3] =	stream.indirect.scatter.add.f32 [tilespmem:s9], [sflag:$0x4], $0x80, s7, s6, $0xb8;
	[tilespmem:$0x1C200] =	vst v63  }
0xc2: {  	s16 =	simm.s32 @p1 $0x3  }
0xc3: {  	_ =	swait.ge @p1 [sflag:s16], $0x4000  }
0xc4: {  	[sflag:s16] =	ssyncset.done @p1 $0x0  }
0xc5: {  	[sflag:s16] =	ssyncadd.s32 @p1 $0xFFFFC000;
	s16 =	simm.s32 @!p1 $0x4  }
0xc6: {  	_ =	swait.ge @!p1 [sflag:s16], $0x4000  }
0xc7: {  	[sflag:s16] =	ssyncset.done @!p1 $0x0  }
0xc8: {  	[sflag:s16] =	ssyncadd.s32 @!p1 $0xFFFFC000;
	s16 =	simm.s32 @!p1 $0x1  }
0xc9: {  	_ =	swait.ge @!p1 [sflag:s16], $0x4000  }
0xca: {  	s17 =	simm.s32 @!p1 $0x100;
	[sflag:s16] =	ssyncset.done @!p1 $0x0  }
0xcb: {  	s20 =	simm.s32 @!p1 $0x200;
	[sflag:s16] =	ssyncadd.s32 @!p1 $0xFFFFC000;
	s16 =	simm.s32 @!p1 $0x80  }
0xcc: {  	[spmem:s3] =	stream.indirect.scatter.add.f32 @!p1 [tilespmem:s20], [sflag:$0x3], $0x80, s17, s16, $0xb8;
	[tilespmem:$0x1C200] =	vst v63  }
0xcd: {  	s16 =	simm.s32 @!p1 $0x3  }
0xce: {  	s16 =	simm.s32 @p1 $0x4  }
0xcf: {  	_ =	swait.ge [sflag:s16], $0x4000  }
0xd0: {  	[sflag:s16] =	ssyncset.done $0x0  }
0xd1: {  	[sflag:s16] =	ssyncadd.s32 $0xFFFFC000  }
0xd2: {  	[bflag:$0x0] =	sbarrier.arrive $0xFFFF  }
0xd3: {  	[tilespmem:s0], [sflag:$0x6] =	stream.linear.gather [spmem:s19], $0x4000, $0x38;
	[tilespmem:$0x1C200] =	vst v63  }
0xd4: {  	_ =	swait.ge [sflag:s14], $0x4000  }
0xd5: {  	s16 =	simm.s32 $0x6;
	[sflag:s14] =	ssyncset.done $0x0  }
0xd6: {  	s16 =	simm.s32 @!p0 $0x5;
	s23 =	rddreg [dreg:$0x7];
	[sflag:s14] =	ssyncadd.s32 $0xFFFFC000  }
0xd7: {  	[hbm4b:s23+s4] =	stream.linear.scatter [tilespmem:s0], [sflag:s16], $0x4000, $0x38;
	[tilespmem:$0x1C200] =	vst v63  }
0xd8: {  	_ =	swait.ge [sflag:s16], $0x4000  }
0xd9: {  	[sflag:s16] =	ssyncset.done $0x0  }
0xda: {  	s20 =	rddreg [dreg:$0x12];
	[sflag:s16] =	ssyncadd.s32 $0xFFFFC000  }
0xdb: {  	[tilespmem:s0], [sflag:$0x6] =	stream.linear.gather [spmem:s20], $0x4000, $0x38;
	[tilespmem:$0x1C200] =	vst v63  }
0xdc: {  	_ =	swait.ge [sflag:s14], $0x4000  }
0xdd: {  	[sflag:s14] =	ssyncset.done $0x0  }
0xde: {  	s21 =	rddreg [dreg:$0x8];
	[sflag:s14] =	ssyncadd.s32 $0xFFFFC000  }
0xdf: {  	[hbm4b:s21+s4] =	stream.linear.scatter [tilespmem:s0], [sflag:s16], $0x4000, $0x38;
	[tilespmem:$0x1C200] =	vst v63  }
0xe0: {  	_ =	swait.ge [sflag:s16], $0x4000  }
0xe1: {  	[sflag:s16] =	ssyncset.done $0x0  }
0xe2: {  	s22 =	rddreg [dreg:$0x13];
	[sflag:s16] =	ssyncadd.s32 $0xFFFFC000  }
0xe3: {  	[tilespmem:s0], [sflag:$0x6] =	stream.linear.gather [spmem:s22], $0x4000, $0x38;
	[tilespmem:$0x1C200] =	vst v63  }
0xe4: {  	_ =	swait.ge [sflag:s14], $0x4000  }
0xe5: {  	[sflag:s14] =	ssyncset.done $0x0  }
0xe6: {  	s23 =	rddreg [dreg:$0x9];
	[sflag:s14] =	ssyncadd.s32 $0xFFFFC000  }
0xe7: {  	[hbm4b:s23+s4] =	stream.linear.scatter [tilespmem:s0], [sflag:s16], $0x4000, $0x38;
	[tilespmem:$0x1C200] =	vst v63  }
0xe8: {  	_ =	swait.ge [sflag:s16], $0x4000  }
0xe9: {  	[sflag:s16] =	ssyncset.done $0x0  }
0xea: {  	s20 =	rddreg [dreg:$0x14];
	[sflag:s16] =	ssyncadd.s32 $0xFFFFC000  }
0xeb: {  	[tilespmem:s0], [sflag:$0x6] =	stream.linear.gather [spmem:s20], $0x4000, $0x38;
	[tilespmem:$0x1C200] =	vst v63  }
0xec: {  	_ =	swait.ge [sflag:s14], $0x4000  }
0xed: {  	[sflag:s14] =	ssyncset.done $0x0  }
0xee: {  	s21 =	rddreg [dreg:$0xa];
	[sflag:s14] =	ssyncadd.s32 $0xFFFFC000  }
0xef: {  	[hbm4b:s21+s4] =	stream.linear.scatter [tilespmem:s0], [sflag:s16], $0x4000, $0x38;
	[tilespmem:$0x1C200] =	vst v63  }
0xf0: {  	_ =	swait.ge [sflag:s16], $0x4000  }
0xf1: {  	[sflag:s16] =	ssyncset.done $0x0  }
0xf2: {  	[sflag:s16] =	ssyncadd.s32 $0xFFFFC000  }
0xf3: {  	[tilespmem:s0], [sflag:$0x6] =	stream.linear.gather [spmem:s24], $0x4000, $0x38;
	[tilespmem:$0x1C200] =	vst v63  }
0xf4: {  	_ =	swait.ge [sflag:s14], $0x4000  }
0xf5: {  	[sflag:s14] =	ssyncset.done $0x0  }
0xf6: {  	s22 =	rddreg [dreg:$0xb];
	[sflag:s14] =	ssyncadd.s32 $0xFFFFC000  }
0xf7: {  	[hbm4b:s22+s4] =	stream.linear.scatter [tilespmem:s0], [sflag:s16], $0x4000, $0x38;
	[tilespmem:$0x1C200] =	vst v63  }
0xf8: {  	_ =	swait.ge [sflag:s16], $0x4000  }
0xf9: {  	s15 =	sadd.s32 $0x1, s15;
	s23 =	rddreg [dreg:$0x11]  }
0xfa: {  	p2 =	sne.s32 s15, s23  }
.Ltmp1:
0xfb: {  	_ = 	snop;
	(pc) =	sbr.rel @p2 .LBB2_1-.Ltmp1, $3  }
0xfc: {  	_ =	sdelay $0x1  }
0xfd: {  	[sflag:s16] =	ssyncset.done $0x0  }
0xfe: {  	[sflag:s16] =	ssyncadd.s32 $0xFFFFC000  }
0xff: {  	_ =	sfence.sel $0x180000  }
0x100: {  	[bflag:$0x0] =	sbarrier.arrive $0xFFFF  }
0x101: {  	_ =	strace $0x9000004A  }
0x102: {  	s0 =	stileid.u32;
	[bflag:$0x2] =	sbarrier.arrive $0xFFFF  }
0x103: {  	p0 =	sne.s32 s0, $0x0;
	s0 =	rddreg [dreg:$0x4]  }
0x104: {  	s0 =	sadd.s32 @!p0 $0x100000, s0  }
0x105: {  	[sflag:s0] =	ssyncadd.tile.s32 @!p0 $0x1;
	_ =	shalt  }
.Lfunc_end2:
_tile_overlayer_lowered:
.L_overlay_start_2:
0x106: {  	(tag) =	ssettag $0x2  }
0x107: {  	s0 =	rddreg [dreg:$0x0];
	s2 =	stileid.u32  }
0x108: {  	s1 =	rddreg [dreg:$0x1];
	p0 =	sne.s32 s2, $0x0  }
0x109: {  	s3 =	rddreg [dreg:$0x2];
	[bflag:$0x3] =	sbarrier.arrive $0xFFFF;
	s2 =	simm.s32 @!p0 $0x1C05  }
0x10a: {  	[timem:s3], [sflag:s2] =	dma.local @!p0 [hbm:s0], s1  }
0x10b: {  	s0 =	simm.s32 @!p0 $0x5  }
0x10c: {  	_ =	swait.ge @!p0 [sflag:s0], s1  }
0x10d: {  	s1 =	ssub.s32 @!p0 $0x0, s1;
	[sflag:s0] =	ssyncset.done @!p0 $0x0  }
0x10e: {  	[sflag:s0] =	ssyncadd.s32 @!p0 s1  }
0x10f: {  	[bflag:$0x3] =	sbarrier.arrive $0xFFFF  }
0x110: {  	_ =	shalt  }

// kernel: kernel.14.cloned.1.call-start
scs
__scs_entry_jumppad:
0x0: {  	(pc) =	sbr.rel $0x88, $3  }
0x1: {  	(tag) =	ssettag $0x0;
	lr =	simm.s32 $0x1  }
0x2: {  	[smem:$0x3F99] =	sst lr;
	_ =	strace $0xD0000000  }
0x3: {  	_ = 	snop  }
0x4: {  	_ = 	snop  }
0x5: {  	_ = 	snop  }
0x6: {  	_ = 	snop  }
0x7: {  	_ = 	snop  }
__scs_overlays_trampoline_lowered:
0x8: {  	[smem:$0x3FA8] =	sst s0  }
0x9: {  	[smem:$0x3FA9] =	sst s1  }
0xa: {  	[smem:$0x3FAA] =	sst s2  }
0xb: {  	[smem:$0x3FAB] =	sst s3  }
0xc: {  	[smem:$0x3FAC] =	sst s4  }
0xd: {  	[smem:$0x3FAD] =	sst s5  }
0xe: {  	[smem:$0x3FAE] =	sst s6  }
0xf: {  	[smem:$0x3FAF] =	sst s7  }
0x10: {  	[smem:$0x3FB0] =	sst s8  }
0x11: {  	[smem:$0x3FB1] =	sst s9;
	s0 =	simm.s32 @!p0 $0x0  }
0x12: {  	s1 =	sld [smem:$0x3F97];
	s0 =	simm.s32 @p0 $0x1  }
0x13: {  	[smem:$0x3FB2] =	sst s0;
	s0 =	simm.s32 @!p1 $0x0  }
0x14: {  	s2 =	sld [smem:$0x3F96];
	s0 =	simm.s32 @p1 $0x1  }
0x15: {  	[smem:$0x3FB3] =	sst s0;
	s0 =	simm.s32 @!p2 $0x0  }
0x16: {  	s3 =	sld [smem:$0x3FDB];
	s0 =	simm.s32 @p2 $0x1  }
0x17: {  	s4 =	simm.s32 $0x1BF5;
	[smem:$0x3FB5] =	sst s0  }
0x18: {  	s0 =	sld [smem:$0x3F98];
	_ =	swait.ge [sflag:s4], $0x0  }
0x19: {  	s7 =	sld [smem:$0x3F99]  }
0x1a: {  	s8 =	sadd.s32 $0xFFFFE003, lr  }
0x1b: {  	s9 =	sadd.s32 $0xFFFFFEF7, lr;
	s5 =	simm.s32 $0xFFFFFFFF;
	p2 =	slt.u32 s8, $0xFFFFF086  }
0x1c: {  	p1 =	slt.u32 s9, $0xF7A;
	s5 =	simm.s32 @!p2 $0x0  }
0x1d: {  	s5 =	simm.s32 @p1 $0x1;
	p0 =	seq.s32 s7, s2  }
0x1e: {  	s7 =	smul.u32 @!p0 $0xF7A, s2;
	p2 =	seq.s32 @!p0 s5, $0x0  }
0x1f: {  	s9 =	smul.u32 $0xF7A, s1;
	s8 =	simm.s32 @!p0 $0x1BF5;
	p2 =	por !p2, p0  }
0x20: {  	[sflag:s8] =	ssyncset.s32 @!p0 $0xFFFFF086;
	s6 =	sadd.s32 @!p0 s3, s7;
	s7 =	simm.s32 @!p0 $0x108  }
0x21: {  	s3 =	sadd.s32 s3, s9;
	s6 =	sadd.s32 @!p0 $0x88, s6;
	s7 =	simm.s32 @p2 $0x1082  }
0x22: {  	[simem:s7], [sflag:s8] =	dma.local @!p0 [hbm:s6], $0xF7A  }
0x23: {  	s9 =	sor.u32 $0xD0000000, s2;
	s6 =	simm.s32 $0x108;
	_ =	swait.ge @!p0 [sflag:s8], $0x0  }
0x24: {  	s3 =	sadd.s32 $0x88, s3;
	s6 =	simm.s32 @!p1 $0x1082;
	[sflag:s4] =	ssyncset.s32 $0xFFFFF086  }
0x25: {  	[simem:s6], [sflag:s4] =	dma.local [hbm:s3], $0xF7A  }
0x26: {  	[smem:$0x3F99] =	sst s1;
	(tag) =	ssettag s2;
	_ =	strace s9  }
0x27: {  	s1 =	sld [smem:$0x3FA9]  }
0x28: {  	s2 =	sld [smem:$0x3FAA]  }
0x29: {  	s4 =	sld [smem:$0x3FAC]  }
0x2a: {  	p0 =	seq.s32 s5, $0x0;
	s5 =	sld [smem:$0x3FAD]  }
0x2b: {  	s6 =	sld [smem:$0x3FAE]  }
0x2c: {  	s7 =	sld [smem:$0x3FAF]  }
0x2d: {  	s3 =	simm.s32 $0x108;
	s8 =	sld [smem:$0x3FB0]  }
0x2e: {  	s3 =	simm.s32 @!p0 $0x1082;
	s9 =	sld [smem:$0x3FB1]  }
0x2f: {  	lr =	sadd.s32 s0, s3;
	s0 =	sld [smem:$0x3FA8]  }
0x30: {  	s3 =	sld [smem:$0x3FAB]  }
0x31: {  	[smem:$0x3FB4] =	sst s10  }
0x32: {  	s10 =	sld [smem:$0x3FB2];
	_ =	sdelay $0x3  }
0x33: {  	p0 =	seq.s32 s10, $0x1;
	s10 =	sld [smem:$0x3FB4];
	_ =	sdelay $0x3  }
0x34: {  	[smem:$0x3FB4] =	sst s10  }
0x35: {  	s10 =	sld [smem:$0x3FB3];
	_ =	sdelay $0x3  }
0x36: {  	p1 =	seq.s32 s10, $0x1;
	s10 =	sld [smem:$0x3FB4];
	_ =	sdelay $0x3  }
0x37: {  	[smem:$0x3FB4] =	sst s10  }
0x38: {  	s10 =	sld [smem:$0x3FB5]  }
0x39: {  	_ = 	snop;
	(pc) =	sbr.ind lr, $3  }
0x3a: {  	_ = 	snop  }
0x3b: {  	_ = 	snop  }
0x3c: {  	p2 =	seq.s32 s10, $0x1;
	s10 =	sld [smem:$0x3FB4]  }
0x3d: {  	_ =	shalt  }
0x3e: {  	_ =	shalt  }
0x3f: {  	_ =	shalt  }
0x40: {  	_ =	shalt  }
0x41: {  	_ =	shalt  }
0x42: {  	_ =	shalt  }
0x43: {  	_ =	shalt  }
0x44: {  	_ =	shalt  }
0x45: {  	_ =	shalt  }
0x46: {  	_ =	shalt  }
0x47: {  	_ =	shalt  }
0x48: {  	_ =	shalt  }
0x49: {  	_ =	shalt  }
0x4a: {  	_ =	shalt  }
0x4b: {  	_ =	shalt  }
0x4c: {  	_ =	shalt  }
0x4d: {  	_ =	shalt  }
0x4e: {  	_ =	shalt  }
0x4f: {  	_ =	shalt  }
0x50: {  	_ =	shalt  }
0x51: {  	_ =	shalt  }
0x52: {  	_ =	shalt  }
0x53: {  	_ =	shalt  }
0x54: {  	_ =	shalt  }
0x55: {  	_ =	shalt  }
0x56: {  	_ =	shalt  }
0x57: {  	_ =	shalt  }
0x58: {  	_ =	shalt  }
0x59: {  	_ =	shalt  }
0x5a: {  	_ =	shalt  }
0x5b: {  	_ =	shalt  }
0x5c: {  	_ =	shalt  }
0x5d: {  	_ =	shalt  }
0x5e: {  	_ =	shalt  }
0x5f: {  	_ =	shalt  }
0x60: {  	_ =	shalt  }
0x61: {  	_ =	shalt  }
0x62: {  	_ =	shalt  }
0x63: {  	_ =	shalt  }
0x64: {  	_ =	shalt  }
0x65: {  	_ =	shalt  }
0x66: {  	_ =	shalt  }
0x67: {  	_ =	shalt  }
0x68: {  	_ =	shalt  }
0x69: {  	_ =	shalt  }
0x6a: {  	_ =	shalt  }
0x6b: {  	_ =	shalt  }
0x6c: {  	_ =	shalt  }
0x6d: {  	_ =	shalt  }
0x6e: {  	_ =	shalt  }
0x6f: {  	_ =	shalt  }
0x70: {  	_ =	shalt  }
0x71: {  	_ =	shalt  }
0x72: {  	_ =	shalt  }
0x73: {  	_ =	shalt  }
0x74: {  	_ =	shalt  }
0x75: {  	_ =	shalt  }
0x76: {  	_ =	shalt  }
0x77: {  	_ =	shalt  }
0x78: {  	_ =	shalt  }
0x79: {  	_ =	shalt  }
0x7a: {  	_ =	shalt  }
0x7b: {  	_ =	shalt  }
0x7c: {  	_ =	shalt  }
0x7d: {  	_ =	shalt  }
0x7e: {  	_ =	shalt  }
0x7f: {  	_ =	shalt  }
0x80: {  	_ =	shalt  }
0x81: {  	_ =	shalt  }
0x82: {  	_ =	shalt  }
0x83: {  	_ =	shalt  }
0x84: {  	_ =	shalt  }
0x85: {  	_ =	shalt  }
0x86: {  	_ =	shalt  }
0x87: {  	_ =	shalt  }
.Lfunc_end0:
.L_simem_size_0:
called_computation.2_lowered:
.L_overlay_start_0:
0x88: {  	s2 =	sld [smem:$0x3FD9]  }
0x89: {  	s3 =	sld [smem:$0x3FFE];
	_ =	sdelay $0x1  }
0x8a: {  	s1 =	srdreg.scid  }
0x8b: {  	s0 =	sand.u32 $0x1, s1  }
0x8c: {  	s17 =	sshll.u32 s0, $0xA;
	s2 =	sadd.s32 s3, s2  }
0x8d: {  	s2 =	sadd.s32 s2, s17  }
0x8e: {  	[smem:$0x3FC0] =	sst s2  }
0x8f: {  	_ = 	snop  }
0x90: {  	s2 =	sld [smem:$0x3FD0];
	(tm) =	ssettm $0x1  }
0x91: {  	s18 =	sld [smem:$0x3FFB];
	_ =	sdelay $0x3  }
0x92: {  	_ =	strace s18  }
0x93: {  	s3 =	sld [smem:$0x3FFC];
	_ =	sdelay $0x3  }
0x94: {  	_ =	strace s3  }
0x95: {  	s3 =	sld [smem:$0x3FFD];
	_ =	sdelay $0x3  }
0x96: {  	_ =	strace s3  }
0x97: {  	_ =	strace $0x8FFFFFFF  }
0x98: {  	s19 =	sld [smem:$0x3FDB];
	_ =	sdelay $0x1  }
0x99: {  	s4 =	simm.s32 $_scs_section_size  }
0x9a: {  	s5 =	simm.s32 $_size__tile_overlayer_lowered;
	s6 =	simm.s32 $_tile_overlayer_lowered  }
0x9b: {  	s22 =	simm.s32 $0x1BFF;
	s21 =	sshll.u32 s6, $0x1;
	s3 =	sadd.s32 s4, s19  }
0x9c: {  	s7 =	simm.s32 $0x0;
	s20 =	sshll.u32 s5, $0x1;
	s5 =	sadd.s32 s21, s3  }
0x9d: {  	[timem:s7], [sflag:s22] =	dma.local [hbm:s5], s20  }
0x9e: {  	_ =	swait.ge [sflag:s22], s20  }
0x9f: {  	s4 =	ssub.s32 $0x0, s20;
	[sflag:s22] =	ssyncset.done $0x0  }
0xa0: {  	[sflag:s22] =	ssyncadd.s32 s4;
	_ =	sdelay $0x1  }
0xa1: {  	s23 =	simm.s32 $0x1B8B  }
0xa2: {  	_ =	swait.ge [sflag:s23], $0x1  }
0xa3: {  	[sflag:s23] =	ssyncset.done $0x0  }
0xa4: {  	s25 =	simm.s32 $0x1B8E;
	s24 =	sld [smem:$0x3FFE];
	[sflag:s23] =	ssyncadd.s32 $0xFFFFFFFF  }
0xa5: {  	s26 =	simm.s32 $execute0_lowered;
	[smem:$0x3FD2] =	sst s25  }
0xa6: {  	s5 =	sshll.u32 s26, $0x1;
	_ =	strace $0x8000004C;
	[dreg:$0x1] =	wrdreg $0xFFFFFFFF  }
0xa7: {  	s28 =	simm.s32 $_size_execute0_lowered;
	s3 =	sadd.s32 s3, s5;
	[dreg:$0x0] =	wrdreg $0x0  }
0xa8: {  	s5 =	sshll.u32 s28, $0x1;
	[dreg:$0x2] =	wrdreg s3  }
0xa9: {  	[dreg:$0x3] =	wrdreg s5  }
0xaa: {  	[dreg:$0x4] =	wrdreg $0xC0  }
0xab: {  	_ =	task [dreg:s7], $0x5FFFF  }
0xac: {  	[dreg:$0x1] =	wrdreg $0xFFFFFFFF  }
0xad: {  	[dreg:$0x0] =	wrdreg $0x60  }
0xae: {  	[dreg:$0x2] =	wrdreg s2  }
0xaf: {  	[dreg:$0x3] =	wrdreg s24  }
0xb0: {  	[dreg:$0x4] =	wrdreg $0x82000  }
0xb1: {  	[dreg:$0x5] =	wrdreg $0x9  }
0xb2: {  	_ =	task.clear_ibuf [dreg:s7], $0x6FFFF;
	_ =	strace $0x9000004C  }
0xb3: {  	s29 =	simm.s32 $0x9;
	_ =	strace $0x8000004E  }
0xb4: {  	_ =	swait.ge [sflag:s29], $0x1  }
0xb5: {  	[sflag:s29] =	ssyncadd.s32 $0xFFFFFFFF  }
0xb6: {  	_ =	strace $0x9000004E  }
0xb7: {  	_ =	sfence  }
0xb8: {  	s30 =	sld [smem:$0x0];
	_ =	sdelay $0x2  }
0xb9: {  	s31 =	sshll.u32 s1, $0xD;
	s1 =	sshrl.u32 s1, $0x2  }
0xba: {  	s3 =	sand.u32 $0x4000, s31;
	s1 =	sadd.s32 s1, s30  }
0xbb: {  	s0 =	sor.u32 s3, s0;
	s1 =	sshll.u32 s1, $0x11  }
0xbc: {  	s0 =	sor.u32 s1, s0  }
0xbd: {  	s0 =	sadd.s32 $0x8F2B, s0  }
0xbe: {  	[sflag:s0] =	ssyncadd.remote.s32 $0x1  }
0xbf: {  	_ =	sfence.sel $0xFFFF  }
0xc0: {  	[dreg:$0x0] =	wrdreg $0xFFFFFFFF;
	(pc) =	sbr.abs _section_cstart, $3  }
0xc1: {  	[dreg:$0x1] =	wrdreg $0xFFFFFFFF  }
0xc2: {  	_ =	task.clear_ibuf [dreg:s7], $0x2FFFF;
	_ =	strace $0x9FFFFFFF  }
0xc3: {  	(tm) =	ssettm $0x7FFFFFFF  }
tec
execute0_lowered:
.L_overlay_start_1:
0x0: {  	(tag) =	ssettag $0x1  }
0x1: {  	s0 =	rddreg [dreg:$0x0]  }
0x2: {  	s1 =	rddreg [dreg:$0x1]  }
0x3: {  	s2 =	rddreg [dreg:$0x2];
	s20 =	stileid.u32  }
0x4: {  	s3 =	simm.s32 $0x0;
	s4 =	srdreg.scid;
	s10 =	smul.u32 $0x50000, s20  }
0x5: {  	s17 =	simm.s32 $0x7B800;
	[smem:$0x7FF] =	sst s3;
	s23 =	smul.u32 $0x280, s20  }
0x6: {  	s5 =	sand.u32 $0x1, s4;
	s6 =	sshll.u32 s20, $0x1;
	s12 =	smul.u32 $0x2800, s20  }
0x7: {  	s4 =	sadd.s32 $0x54600, s1;
	s7 =	sadd.s32 $0x3600, s1;
	s24 =	smul.u32 $0x9C0, s20  }
0x8: {  	p1 =	slt.u32 s20, $0x2;
	s6 =	sor.u32 s5, s6;
	s26 =	smul.u32 $0x4E0, s5  }
0x9: {  	s22 =	ssub.s32 $0x2, s5;
	p0 =	seq.s32 s5, $0x0;
	s5 =	smul.u32 $0x4E, s5  }
0xa: {  	_ =	strace $0x8000004D;
	[dreg:$0x4] =	wrdreg s7;
	s8 =	smul.u32 $0x4E, s6  }
0xb: {  	s9 =	sshrl.u32 s22, $0x1;
	s6 =	smin.u32 s6, $0x4;
	s10 =	sshrl.u32 s10, $0x2  }
0xc: {  	s14 =	sadd.s32 $0x100, s23;
	s16 =	sadd.s32 $0x180, s23;
	s17 =	simm.s32 @!p0 $0xA3800  }
0xd: {  	s7 =	ssub.s32 s22, s9;
	s15 =	sshll.u32 s14, $0x4;
	s1 =	sadd.s32 s17, s1  }
0xe: {  	s18 =	sshll.u32 s16, $0x4;
	s9 =	sadd.s32 $0x200, s23;
	s12 =	sadd.s32 s1, s12  }
0xf: {  	s22 =	smul.u32 $0x9C, s20;
	s15 =	sadd.s32 s1, s15;
	[dreg:$0x6] =	wrdreg s12  }
0x10: {  	s8 =	sadd.s32 s6, s8;
	s21 =	sadd.s32 s1, s18;
	[dreg:$0x8] =	wrdreg s15  }
0x11: {  	s19 =	sshll.u32 s9, $0x4;
	s8 =	sshll.u32 s8, $0x4;
	[dreg:$0x9] =	wrdreg s21  }
0x12: {  	s5 =	sadd.s32 s5, s22;
	s15 =	simm.s32 $0x0;
	s11 =	sadd.s32 s0, s8  }
0x13: {  	s5 =	sadd.s32 s6, s5;
	[dreg:$0x5] =	wrdreg s11;
	s11 =	sadd.s32 $0x80, s23  }
0x14: {  	s23 =	sadd.s32 s24, s0;
	s24 =	sadd.s32 $0x9C40, s0;
	s5 =	sshll.u32 s5, $0x4  }
0x15: {  	s13 =	sshll.u32 s11, $0x4;
	s17 =	sadd.s32 s8, s24;
	s22 =	sshll.u32 s11, $0x7  }
0x16: {  	s11 =	simm.s32 $0x2;
	s25 =	sadd.s32 s1, s13;
	[dreg:$0xb] =	wrdreg s17  }
0x17: {  	s1 =	sadd.s32 s1, s19;
	s19 =	sadd.s32 $0x20, s8;
	[dreg:$0x7] =	wrdreg s25  }
0x18: {  	s13 =	simm.s32 $0x4;
	[dreg:$0xa] =	wrdreg s1;
	s1 =	sadd.s32 s26, s23  }
0x19: {  	s25 =	sshll.u32 s6, $0x4;
	s26 =	sadd.s32 $0x10, s8;
	s21 =	sadd.s32 s19, s24  }
0x1a: {  	s23 =	smax.u32 s7, $0x1;
	s7 =	simm.s32 $0x180;
	s8 =	simm.s32 $0x1  }
0x1b: {  	s12 =	sadd.s32 s25, s1;
	s18 =	sand.u32 $0x1FFFFFF0, s26;
	[dreg:$0xe] =	wrdreg s21  }
0x1c: {  	s1 =	sadd.s32 s26, s24;
	[dreg:$0x10] =	wrdreg s23;
	s24 =	sshll.u32 s14, $0x7  }
0x1d: {  	s25 =	sshll.u32 s16, $0x7;
	s26 =	sshll.u32 s9, $0x7;
	s9 =	simm.s32 $0x4200  }
0x1e: {  	s14 =	simm.s32 $0x6;
	s6 =	sadd.s32 s0, s18;
	[dreg:$0xd] =	wrdreg s1  }
0x1f: {  	s1 =	sand.u32 $0x1FFFFFF0, s19;
	s18 =	simm.s32 $0x4D;
	s19 =	sadd.s32 s10, s2  }
0x20: {  	s10 =	simm.s32 $0x3;
	[dreg:$0xc] =	wrdreg s6;
	s1 =	sadd.s32 s0, s1  }
0x21: {  	s0 =	sadd.s32 s0, s5;
	s18 =	simm.s32 @!p1 $0x4C;
	p1 =	sgt.u32 s20, $0x1  }
0x22: {  	s28 =	sadd.s32 $0x4000, s19;
	s29 =	sadd.s32 $0x8000, s19;
	s30 =	sadd.s32 $0xC000, s19  }
0x23: {  	s31 =	sadd.s32 $0x10000, s19;
	[dreg:$0xf] =	wrdreg s1;
	s1 =	sadd.s32 s22, s2  }
0x24: {  	s5 =	simm.s32 $0x100;
	s6 =	simm.s32 $0x80;
	[dreg:$0x11] =	wrdreg s1  }
0x25: {  	s1 =	sadd.s32 s24, s2;
	s24 =	sadd.s32 s26, s2;
	s26 =	sadd.s32 $0x30, s0  }
0x26: {  	[dreg:$0x12] =	wrdreg s1;
	s1 =	sadd.s32 s25, s2;
	s25 =	sadd.s32 $0x40, s0  }
0x27: {  	s0 =	simm.s32 $0x200;
	[dreg:$0x13] =	wrdreg s1;
	s1 =	simm.s32 $0x5  }
.LBB2_1:
0x28: {  	s16 =	rddreg [dreg:$0x4]  }
0x29: {  	[tilespmem:s0], [sflag:$0x5] =	stream.linear.gather [hbm4b:s16+s3], $0x4000, $0x38;
	[tilespmem:$0x1C200] =	vst v63  }
0x2a: {  	_ =	swait.ge [sflag:s1], $0x4000  }
0x2b: {  	[sflag:s1] =	ssyncset.done $0x0  }
0x2c: {  	[sflag:s1] =	ssyncadd.s32 $0xFFFFC000  }
0x2d: {  	[spmem:s19] =	stream.linear.scatter [tilespmem:s0], [sflag:$0x5], $0x4000, $0x38;
	[tilespmem:$0x1C200] =	vst v63  }
0x2e: {  	_ =	swait.ge [sflag:s1], $0x4000  }
0x2f: {  	[sflag:s1] =	ssyncset.done $0x0  }
0x30: {  	[sflag:s1] =	ssyncadd.s32 $0xFFFFC000  }
0x31: {  	[spmem:s28] =	stream.linear.scatter [tilespmem:s0], [sflag:$0x5], $0x4000, $0x38;
	[tilespmem:$0x1C200] =	vst v63  }
0x32: {  	_ =	swait.ge [sflag:s1], $0x4000  }
0x33: {  	[sflag:s1] =	ssyncset.done $0x0  }
0x34: {  	[sflag:s1] =	ssyncadd.s32 $0xFFFFC000  }
0x35: {  	[spmem:s29] =	stream.linear.scatter [tilespmem:s0], [sflag:$0x5], $0x4000, $0x38;
	[tilespmem:$0x1C200] =	vst v63  }
0x36: {  	_ =	swait.ge [sflag:s1], $0x4000  }
0x37: {  	[sflag:s1] =	ssyncset.done $0x0  }
0x38: {  	[sflag:s1] =	ssyncadd.s32 $0xFFFFC000  }
0x39: {  	[spmem:s30] =	stream.linear.scatter [tilespmem:s0], [sflag:$0x5], $0x4000, $0x38;
	[tilespmem:$0x1C200] =	vst v63  }
0x3a: {  	_ =	swait.ge [sflag:s1], $0x4000  }
0x3b: {  	[sflag:s1] =	ssyncset.done $0x0  }
0x3c: {  	[sflag:s1] =	ssyncadd.s32 $0xFFFFC000  }
0x3d: {  	[spmem:s31] =	stream.linear.scatter [tilespmem:s0], [sflag:$0x5], $0x4000, $0x38;
	[tilespmem:$0x1C200] =	vst v63  }
0x3e: {  	_ =	swait.ge [sflag:s1], $0x4000  }
0x3f: {  	[sflag:s1] =	ssyncset.done $0x0  }
0x40: {  	[sflag:s1] =	ssyncadd.s32 $0xFFFFC000  }
0x41: {  	[bflag:$0x0] =	sbarrier.arrive $0xFFFF  }
0x42: {  	s21 =	rddreg [dreg:$0x5]  }
0x43: {  	[tilespmem:s3], [sflag:$0x2] =	stream.linear.gather [hbm4b:s21+s3], $0x80, $0x38;
	[tilespmem:$0x1C200] =	vst v63  }
0x44: {  	s22 =	rddreg [dreg:$0xb]  }
0x45: {  	[tilespmem:s5], [sflag:$0x2] =	stream.linear.gather [hbm4b:s22+s3], $0x80, $0x38;
	[tilespmem:$0x1C200] =	vst v63  }
0x46: {  	_ =	swait.ge [sflag:s11], $0x80  }
0x47: {  	[sflag:s11] =	ssyncset.done $0x0  }
0x48: {  	[sflag:s11] =	ssyncadd.s32 $0xFFFFFF80  }
0x49: {  	_ =	swait.ge [sflag:s11], $0x80  }
0x4a: {  	[sflag:s11] =	ssyncset.done $0x0  }
0x4b: {  	[sflag:s11] =	ssyncadd.s32 $0xFFFFFF80  }
0x4c: {  	[tilespmem:s0], [sflag:$0x1] =	stream.indirect.gather [hbm4b:s4+s6], $0x80, s3, s6, $0xb8;
	[tilespmem:$0x1C200] =	vst v63  }
0x4d: {  	s23 =	rddreg [dreg:$0xc]  }
0x4e: {  	[tilespmem:s6], [sflag:$0x2] =	stream.linear.gather [hbm4b:s23+s3], $0x80, $0x38;
	[tilespmem:$0x1C200] =	vst v63  }
0x4f: {  	s17 =	rddreg [dreg:$0xd]  }
0x50: {  	[tilespmem:s7], [sflag:$0x2] =	stream.linear.gather [hbm4b:s17+s3], $0x80, $0x38;
	[tilespmem:$0x1C200] =	vst v63  }
0x51: {  	_ =	swait.ge [sflag:s8], $0x4000  }
0x52: {  	[sflag:s8] =	ssyncset.done $0x0  }
0x53: {  	[sflag:s8] =	ssyncadd.s32 $0xFFFFC000  }
0x54: {  	_ =	swait.ge [sflag:s11], $0x80  }
0x55: {  	[sflag:s11] =	ssyncset.done $0x0  }
0x56: {  	[sflag:s11] =	ssyncadd.s32 $0xFFFFFF80  }
0x57: {  	_ =	swait.ge [sflag:s11], $0x80  }
0x58: {  	[sflag:s11] =	ssyncset.done $0x0  }
0x59: {  	[sflag:s11] =	ssyncadd.s32 $0xFFFFFF80  }
0x5a: {  	[tilespmem:s9], [sflag:$0x1] =	stream.indirect.gather [hbm4b:s4+s6], $0x80, s6, s6, $0xb8;
	[tilespmem:$0x1C200] =	vst v63  }
0x5b: {  	_ = 	snop  }
0x5c: {  	[spmem:s2] =	stream.indirect.scatter.add.f32 [tilespmem:s0], [sflag:$0x3], $0x80, s5, s6, $0xb8;
	[tilespmem:$0x1C200] =	vst v63  }
0x5d: {  	s20 =	rddreg [dreg:$0xf]  }
0x5e: {  	[tilespmem:s3], [sflag:$0x2] =	stream.linear.gather [hbm4b:s20+s3], $0x80, $0x38;
	[tilespmem:$0x1C200] =	vst v63  }
0x5f: {  	s21 =	rddreg [dreg:$0xe]  }
0x60: {  	[tilespmem:s5], [sflag:$0x2] =	stream.linear.gather [hbm4b:s21+s3], $0x80, $0x38;
	[tilespmem:$0x1C200] =	vst v63  }
0x61: {  	_ =	swait.ge [sflag:s8], $0x4000  }
0x62: {  	[sflag:s8] =	ssyncset.done $0x0  }
0x63: {  	[sflag:s8] =	ssyncadd.s32 $0xFFFFC000  }
0x64: {  	_ =	swait.ge [sflag:s11], $0x80  }
0x65: {  	[sflag:s11] =	ssyncset.done $0x0  }
0x66: {  	[sflag:s11] =	ssyncadd.s32 $0xFFFFFF80  }
0x67: {  	_ =	swait.ge [sflag:s11], $0x80  }
0x68: {  	[sflag:s11] =	ssyncset.done $0x0  }
0x69: {  	[sflag:s11] =	ssyncadd.s32 $0xFFFFFF80  }
0x6a: {  	_ =	swait.ge [sflag:s10], $0x4000  }
0x6b: {  	[sflag:s10] =	ssyncset.done $0x0  }
0x6c: {  	[sflag:s10] =	ssyncadd.s32 $0xFFFFC000  }
0x6d: {  	[tilespmem:s0], [sflag:$0x1] =	stream.indirect.gather [hbm4b:s4+s6], $0x80, s3, s6, $0xb8;
	[tilespmem:$0x1C200] =	vst v63  }
0x6e: {  	_ = 	snop  }
0x6f: {  	[spmem:s2] =	stream.indirect.scatter.add.f32 [tilespmem:s9], [sflag:$0x4], $0x80, s7, s6, $0xb8;
	[tilespmem:$0x1C200] =	vst v63  }
0x70: {  	s22 =	sadd.s32 $0x0, s26;
	s17 =	sadd.s32 $0x0, s12  }
0x71: {  	[tilespmem:s6], [sflag:$0x2] =	stream.linear.gather [hbm4b:s22+s3], $0x80, $0x38;
	[tilespmem:$0x1C200] =	vst v63  }
0x72: {  	s23 =	sadd.s32 $0x9C70, s17  }
0x73: {  	[tilespmem:s7], [sflag:$0x2] =	stream.linear.gather [hbm4b:s23+s3], $0x80, $0x38;
	[tilespmem:$0x1C200] =	vst v63  }
0x74: {  	_ =	swait.ge [sflag:s8], $0x4000  }
0x75: {  	[sflag:s8] =	ssyncset.done $0x0  }
0x76: {  	[sflag:s8] =	ssyncadd.s32 $0xFFFFC000  }
0x77: {  	_ =	swait.ge [sflag:s11], $0x80  }
0x78: {  	[sflag:s11] =	ssyncset.done $0x0  }
0x79: {  	[sflag:s11] =	ssyncadd.s32 $0xFFFFFF80  }
0x7a: {  	_ =	swait.ge [sflag:s11], $0x80  }
0x7b: {  	[sflag:s11] =	ssyncset.done $0x0  }
0x7c: {  	[sflag:s11] =	ssyncadd.s32 $0xFFFFFF80  }
0x7d: {  	_ =	swait.ge [sflag:s13], $0x4000  }
0x7e: {  	[sflag:s13] =	ssyncset.done $0x0  }
0x7f: {  	p2 =	sle.u32 s18, $0x2;
	[sflag:s13] =	ssyncadd.s32 $0xFFFFC000  }
0x80: {  	[tilespmem:s9], [sflag:$0x1] =	stream.indirect.gather [hbm4b:s4+s6], $0x80, s6, s6, $0xb8;
	[tilespmem:$0x1C200] =	vst v63  }
0x81: {  	s16 =	simm.s32 @p2 $0x1  }
0x82: {  	[spmem:s2] =	stream.indirect.scatter.add.f32 [tilespmem:s0], [sflag:$0x3], $0x80, s5, s6, $0xb8;
	[tilespmem:$0x1C200] =	vst v63  }
0x83: {  	_ =	swait.ge @p2 [sflag:s16], $0x4000  }
0x84: {  	s17 =	sadd.s32 @!p2 $0x0, s12;
	[sflag:s16] =	ssyncset.done @p2 $0x0  }
0x85: {  	s20 =	sadd.s32 @!p2 $0x0, s25;
	[sflag:s16] =	ssyncadd.s32 @p2 $0xFFFFC000;
	s16 =	simm.s32 @!p2 $0x0  }
0x86: {  	[tilespmem:s16], [sflag:$0x2] =	stream.linear.gather @!p2 [hbm4b:s20+s16], $0x80, $0x38;
	[tilespmem:$0x1C200] =	vst v63  }
0x87: {  	s17 =	sadd.s32 @!p2 $0x9C80, s17;
	s20 =	simm.s32 @!p2 $0x100  }
0x88: {  	[tilespmem:s20], [sflag:$0x2] =	stream.linear.gather @!p2 [hbm4b:s17+s16], $0x80, $0x38;
	[tilespmem:$0x1C200] =	vst v63  }
0x89: {  	s17 =	simm.s32 @!p2 $0x1  }
0x8a: {  	_ =	swait.ge @!p2 [sflag:s17], $0x4000  }
0x8b: {  	[sflag:s17] =	ssyncset.done @!p2 $0x0  }
0x8c: {  	s20 =	simm.s32 @!p2 $0x2;
	[sflag:s17] =	ssyncadd.s32 @!p2 $0xFFFFC000  }
0x8d: {  	_ =	swait.ge @!p2 [sflag:s20], $0x80  }
0x8e: {  	[sflag:s20] =	ssyncset.done @!p2 $0x0  }
0x8f: {  	[sflag:s20] =	ssyncadd.s32 @!p2 $0xFFFFFF80  }
0x90: {  	_ =	swait.ge @!p2 [sflag:s20], $0x80  }
0x91: {  	[sflag:s20] =	ssyncset.done @!p2 $0x0  }
0x92: {  	s17 =	simm.s32 @!p2 $0x3;
	[sflag:s20] =	ssyncadd.s32 @!p2 $0xFFFFFF80  }
0x93: {  	_ =	swait.ge @!p2 [sflag:s17], $0x4000  }
0x94: {  	[sflag:s17] =	ssyncset.done @!p2 $0x0  }
0x95: {  	s20 =	simm.s32 @!p2 $0x80;
	[sflag:s17] =	ssyncadd.s32 @!p2 $0xFFFFC000;
	s17 =	simm.s32 @!p2 $0x200  }
0x96: {  	[tilespmem:s17], [sflag:$0x1] =	stream.indirect.gather @!p2 [hbm4b:s4+s20], $0x80, s16, s20, $0xb8;
	[tilespmem:$0x1C200] =	vst v63  }
0x97: {  	s16 =	simm.s32 $0x20;
	s17 =	simm.s32 $0x2  }
.LBB2_2:
0x98: {  	s17 =	sadd.s32 $0x2, s17;
	s20 =	smov.u32 s16;
	s16 =	sadd.s32 $0x20, s16  }
0x99: {  	[spmem:s2] =	stream.indirect.scatter.add.f32 [tilespmem:s9], [sflag:$0x4], $0x80, s7, s6, $0xb8;
	[tilespmem:$0x1C200] =	vst v63  }
0x9a: {  	s21 =	sadd.s32 s20, s26;
	s22 =	sadd.s32 s20, s12;
	p2 =	sne.s32 s16, $0x4C0  }
0x9b: {  	[tilespmem:s6], [sflag:$0x2] =	stream.linear.gather [hbm4b:s21+s3], $0x80, $0x38;
	[tilespmem:$0x1C200] =	vst v63  }
0x9c: {  	s21 =	sadd.s32 $0x9C70, s22  }
0x9d: {  	[tilespmem:s7], [sflag:$0x2] =	stream.linear.gather [hbm4b:s21+s3], $0x80, $0x38;
	[tilespmem:$0x1C200] =	vst v63  }
0x9e: {  	_ =	swait.ge [sflag:s8], $0x4000  }
0x9f: {  	[sflag:s8] =	ssyncset.done $0x0  }
0xa0: {  	[sflag:s8] =	ssyncadd.s32 $0xFFFFC000  }
0xa1: {  	_ =	swait.ge [sflag:s11], $0x80  }
0xa2: {  	[sflag:s11] =	ssyncset.done $0x0  }
0xa3: {  	[sflag:s11] =	ssyncadd.s32 $0xFFFFFF80  }
0xa4: {  	_ =	swait.ge [sflag:s11], $0x80  }
0xa5: {  	[sflag:s11] =	ssyncset.done $0x0  }
0xa6: {  	[sflag:s11] =	ssyncadd.s32 $0xFFFFFF80  }
0xa7: {  	_ =	swait.ge [sflag:s13], $0x4000  }
0xa8: {  	[sflag:s13] =	ssyncset.done $0x0  }
0xa9: {  	[sflag:s13] =	ssyncadd.s32 $0xFFFFC000  }
0xaa: {  	[tilespmem:s9], [sflag:$0x1] =	stream.indirect.gather [hbm4b:s4+s6], $0x80, s6, s6, $0xb8;
	[tilespmem:$0x1C200] =	vst v63  }
0xab: {  	p3 =	sge.u32 s17, s18  }
0xac: {  	[spmem:s2] =	stream.indirect.scatter.add.f32 [tilespmem:s0], [sflag:$0x3], $0x80, s5, s6, $0xb8;
	[tilespmem:$0x1C200] =	vst v63  }
0xad: {  	s22 =	sadd.s32 @!p3 s20, s12;
	s21 =	simm.s32 @p3 $0x1  }
0xae: {  	s22 =	sadd.s32 @!p3 $0x9C80, s22;
	_ =	swait.ge @p3 [sflag:s21], $0x4000  }
0xaf: {  	s23 =	simm.s32 @!p3 $0x0;
	s20 =	sadd.s32 @!p3 s20, s25;
	[sflag:s21] =	ssyncset.done @p3 $0x0  }
0xb0: {  	[sflag:s21] =	ssyncadd.s32 @p3 $0xFFFFC000;
	s21 =	simm.s32 @!p3 $0x100  }
0xb1: {  	[tilespmem:s23], [sflag:$0x2] =	stream.linear.gather @!p3 [hbm4b:s20+s23], $0x80, $0x38;
	[tilespmem:$0x1C200] =	vst v63  }
0xb2: {  	s20 =	simm.s32 @!p3 $0x1  }
0xb3: {  	[tilespmem:s21], [sflag:$0x2] =	stream.linear.gather @!p3 [hbm4b:s22+s23], $0x80, $0x38;
	[tilespmem:$0x1C200] =	vst v63  }
0xb4: {  	_ =	swait.ge @!p3 [sflag:s20], $0x4000  }
0xb5: {  	s21 =	simm.s32 @!p3 $0x2;
	[sflag:s20] =	ssyncset.done @!p3 $0x0  }
0xb6: {  	[sflag:s20] =	ssyncadd.s32 @!p3 $0xFFFFC000  }
0xb7: {  	_ =	swait.ge @!p3 [sflag:s21], $0x80  }
0xb8: {  	[sflag:s21] =	ssyncset.done @!p3 $0x0  }
0xb9: {  	[sflag:s21] =	ssyncadd.s32 @!p3 $0xFFFFFF80  }
0xba: {  	_ =	swait.ge @!p3 [sflag:s21], $0x80  }
0xbb: {  	s20 =	simm.s32 @!p3 $0x3;
	[sflag:s21] =	ssyncset.done @!p3 $0x0  }
.Ltmp0:
0xbc: {  	[sflag:s21] =	ssyncadd.s32 @!p3 $0xFFFFFF80;
	(pc) =	sbr.rel @p2 .LBB2_2-.Ltmp0, $4  }
0xbd: {  	_ =	swait.ge @!p3 [sflag:s20], $0x4000  }
0xbe: {  	s22 =	simm.s32 @!p3 $0x200;
	s21 =	simm.s32 @!p3 $0x80;
	[sflag:s20] =	ssyncset.done @!p3 $0x0  }
0xbf: {  	[sflag:s20] =	ssyncadd.s32 @!p3 $0xFFFFC000  }
0xc0: {  	[tilespmem:s22], [sflag:$0x1] =	stream.indirect.gather @!p3 [hbm4b:s4+s21], $0x80, s23, s21, $0xb8;
	[tilespmem:$0x1C200] =	vst v63  }
0xc1: {  	[spmem:s2] =	stream.indirect.scatter.add.f32 [tilespmem:s9], [sflag:$0x4], $0x80, s7, s6, $0xb8;
	[tilespmem:$0x1C200] =	vst v63  }
0xc2: {  	s16 =	simm.s32 @p1 $0x3  }
0xc3: {  	_ =	swait.ge @p1 [sflag:s16], $0x4000  }
0xc4: {  	[sflag:s16] =	ssyncset.done @p1 $0x0  }
0xc5: {  	[sflag:s16] =	ssyncadd.s32 @p1 $0xFFFFC000;
	s16 =	simm.s32 @!p1 $0x4  }
0xc6: {  	_ =	swait.ge @!p1 [sflag:s16], $0x4000  }
0xc7: {  	[sflag:s16] =	ssyncset.done @!p1 $0x0  }
0xc8: {  	[sflag:s16] =	ssyncadd.s32 @!p1 $0xFFFFC000;
	s16 =	simm.s32 @!p1 $0x1  }
0xc9: {  	_ =	swait.ge @!p1 [sflag:s16], $0x4000  }
0xca: {  	s17 =	simm.s32 @!p1 $0x100;
	[sflag:s16] =	ssyncset.done @!p1 $0x0  }
0xcb: {  	s20 =	simm.s32 @!p1 $0x200;
	[sflag:s16] =	ssyncadd.s32 @!p1 $0xFFFFC000;
	s16 =	simm.s32 @!p1 $0x80  }
0xcc: {  	[spmem:s2] =	stream.indirect.scatter.add.f32 @!p1 [tilespmem:s20], [sflag:$0x3], $0x80, s17, s16, $0xb8;
	[tilespmem:$0x1C200] =	vst v63  }
0xcd: {  	s16 =	simm.s32 @!p1 $0x3  }
0xce: {  	s16 =	simm.s32 @p1 $0x4  }
0xcf: {  	_ =	swait.ge [sflag:s16], $0x4000  }
0xd0: {  	[sflag:s16] =	ssyncset.done $0x0  }
0xd1: {  	[sflag:s16] =	ssyncadd.s32 $0xFFFFC000  }
0xd2: {  	[bflag:$0x0] =	sbarrier.arrive $0xFFFF  }
0xd3: {  	[tilespmem:s0], [sflag:$0x6] =	stream.linear.gather [spmem:s19], $0x4000, $0x38;
	[tilespmem:$0x1C200] =	vst v63  }
0xd4: {  	_ =	swait.ge [sflag:s14], $0x4000  }
0xd5: {  	s16 =	simm.s32 $0x6;
	[sflag:s14] =	ssyncset.done $0x0  }
0xd6: {  	s16 =	simm.s32 @!p0 $0x5;
	s23 =	rddreg [dreg:$0x6];
	[sflag:s14] =	ssyncadd.s32 $0xFFFFC000  }
0xd7: {  	[hbm4b:s23+s3] =	stream.linear.scatter [tilespmem:s0], [sflag:s16], $0x4000, $0x38;
	[tilespmem:$0x1C200] =	vst v63  }
0xd8: {  	_ =	swait.ge [sflag:s16], $0x4000  }
0xd9: {  	[sflag:s16] =	ssyncset.done $0x0  }
0xda: {  	s20 =	rddreg [dreg:$0x11];
	[sflag:s16] =	ssyncadd.s32 $0xFFFFC000  }
0xdb: {  	[tilespmem:s0], [sflag:$0x6] =	stream.linear.gather [spmem:s20], $0x4000, $0x38;
	[tilespmem:$0x1C200] =	vst v63  }
0xdc: {  	_ =	swait.ge [sflag:s14], $0x4000  }
0xdd: {  	[sflag:s14] =	ssyncset.done $0x0  }
0xde: {  	s21 =	rddreg [dreg:$0x7];
	[sflag:s14] =	ssyncadd.s32 $0xFFFFC000  }
0xdf: {  	[hbm4b:s21+s3] =	stream.linear.scatter [tilespmem:s0], [sflag:s16], $0x4000, $0x38;
	[tilespmem:$0x1C200] =	vst v63  }
0xe0: {  	_ =	swait.ge [sflag:s16], $0x4000  }
0xe1: {  	[sflag:s16] =	ssyncset.done $0x0  }
0xe2: {  	s22 =	rddreg [dreg:$0x12];
	[sflag:s16] =	ssyncadd.s32 $0xFFFFC000  }
0xe3: {  	[tilespmem:s0], [sflag:$0x6] =	stream.linear.gather [spmem:s22], $0x4000, $0x38;
	[tilespmem:$0x1C200] =	vst v63  }
0xe4: {  	_ =	swait.ge [sflag:s14], $0x4000  }
0xe5: {  	[sflag:s14] =	ssyncset.done $0x0  }
0xe6: {  	s23 =	rddreg [dreg:$0x8];
	[sflag:s14] =	ssyncadd.s32 $0xFFFFC000  }
0xe7: {  	[hbm4b:s23+s3] =	stream.linear.scatter [tilespmem:s0], [sflag:s16], $0x4000, $0x38;
	[tilespmem:$0x1C200] =	vst v63  }
0xe8: {  	_ =	swait.ge [sflag:s16], $0x4000  }
0xe9: {  	[sflag:s16] =	ssyncset.done $0x0  }
0xea: {  	s20 =	rddreg [dreg:$0x13];
	[sflag:s16] =	ssyncadd.s32 $0xFFFFC000  }
0xeb: {  	[tilespmem:s0], [sflag:$0x6] =	stream.linear.gather [spmem:s20], $0x4000, $0x38;
	[tilespmem:$0x1C200] =	vst v63  }
0xec: {  	_ =	swait.ge [sflag:s14], $0x4000  }
0xed: {  	[sflag:s14] =	ssyncset.done $0x0  }
0xee: {  	s21 =	rddreg [dreg:$0x9];
	[sflag:s14] =	ssyncadd.s32 $0xFFFFC000  }
0xef: {  	[hbm4b:s21+s3] =	stream.linear.scatter [tilespmem:s0], [sflag:s16], $0x4000, $0x38;
	[tilespmem:$0x1C200] =	vst v63  }
0xf0: {  	_ =	swait.ge [sflag:s16], $0x4000  }
0xf1: {  	[sflag:s16] =	ssyncset.done $0x0  }
0xf2: {  	[sflag:s16] =	ssyncadd.s32 $0xFFFFC000  }
0xf3: {  	[tilespmem:s0], [sflag:$0x6] =	stream.linear.gather [spmem:s24], $0x4000, $0x38;
	[tilespmem:$0x1C200] =	vst v63  }
0xf4: {  	_ =	swait.ge [sflag:s14], $0x4000  }
0xf5: {  	[sflag:s14] =	ssyncset.done $0x0  }
0xf6: {  	s22 =	rddreg [dreg:$0xa];
	[sflag:s14] =	ssyncadd.s32 $0xFFFFC000  }
0xf7: {  	[hbm4b:s22+s3] =	stream.linear.scatter [tilespmem:s0], [sflag:s16], $0x4000, $0x38;
	[tilespmem:$0x1C200] =	vst v63  }
0xf8: {  	_ =	swait.ge [sflag:s16], $0x4000  }
0xf9: {  	s15 =	sadd.s32 $0x1, s15;
	s23 =	rddreg [dreg:$0x10]  }
0xfa: {  	p2 =	sne.s32 s15, s23  }
.Ltmp1:
0xfb: {  	_ = 	snop;
	(pc) =	sbr.rel @p2 .LBB2_1-.Ltmp1, $3  }
0xfc: {  	_ =	sdelay $0x1  }
0xfd: {  	[sflag:s16] =	ssyncset.done $0x0  }
0xfe: {  	[sflag:s16] =	ssyncadd.s32 $0xFFFFC000  }
0xff: {  	_ =	sfence.sel $0x180000  }
0x100: {  	[bflag:$0x0] =	sbarrier.arrive $0xFFFF  }
0x101: {  	_ =	strace $0x9000004D  }
0x102: {  	s0 =	stileid.u32;
	[bflag:$0x2] =	sbarrier.arrive $0xFFFF  }
0x103: {  	p0 =	sne.s32 s0, $0x0;
	s0 =	rddreg [dreg:$0x3]  }
0x104: {  	s0 =	sadd.s32 @!p0 $0x100000, s0  }
0x105: {  	[sflag:s0] =	ssyncadd.tile.s32 @!p0 $0x1;
	_ =	shalt  }
.Lfunc_end2:
_tile_overlayer_lowered:
.L_overlay_start_2:
0x106: {  	(tag) =	ssettag $0x2  }
0x107: {  	s0 =	rddreg [dreg:$0x0];
	s2 =	stileid.u32  }
0x108: {  	s1 =	rddreg [dreg:$0x1];
	p0 =	sne.s32 s2, $0x0  }
0x109: {  	s3 =	rddreg [dreg:$0x2];
	[bflag:$0x3] =	sbarrier.arrive $0xFFFF;
	s2 =	simm.s32 @!p0 $0x1C05  }
0x10a: {  	[timem:s3], [sflag:s2] =	dma.local @!p0 [hbm:s0], s1  }
0x10b: {  	s0 =	simm.s32 @!p0 $0x5  }
0x10c: {  	_ =	swait.ge @!p0 [sflag:s0], s1  }
0x10d: {  	s1 =	ssub.s32 @!p0 $0x0, s1;
	[sflag:s0] =	ssyncset.done @!p0 $0x0  }
0x10e: {  	[sflag:s0] =	ssyncadd.s32 @!p0 s1  }
0x10f: {  	[bflag:$0x3] =	sbarrier.arrive $0xFFFF  }
0x110: {  	_ =	shalt  }

// kernel: kernel.8.cloned.1.call-start
scs
__scs_entry_jumppad:
0x0: {  	(pc) =	sbr.rel $0x88, $3  }
0x1: {  	(tag) =	ssettag $0x0;
	lr =	simm.s32 $0x1  }
0x2: {  	[smem:$0x3F99] =	sst lr;
	_ =	strace $0xD0000000  }
0x3: {  	_ = 	snop  }
0x4: {  	_ = 	snop  }
0x5: {  	_ = 	snop  }
0x6: {  	_ = 	snop  }
0x7: {  	_ = 	snop  }
__scs_overlays_trampoline_lowered:
0x8: {  	[smem:$0x3FA8] =	sst s0  }
0x9: {  	[smem:$0x3FA9] =	sst s1  }
0xa: {  	[smem:$0x3FAA] =	sst s2  }
0xb: {  	[smem:$0x3FAB] =	sst s3  }
0xc: {  	[smem:$0x3FAC] =	sst s4  }
0xd: {  	[smem:$0x3FAD] =	sst s5  }
0xe: {  	[smem:$0x3FAE] =	sst s6  }
0xf: {  	[smem:$0x3FAF] =	sst s7  }
0x10: {  	[smem:$0x3FB0] =	sst s8  }
0x11: {  	[smem:$0x3FB1] =	sst s9;
	s0 =	simm.s32 @!p0 $0x0  }
0x12: {  	s1 =	sld [smem:$0x3F97];
	s0 =	simm.s32 @p0 $0x1  }
0x13: {  	[smem:$0x3FB2] =	sst s0;
	s0 =	simm.s32 @!p1 $0x0  }
0x14: {  	s2 =	sld [smem:$0x3F96];
	s0 =	simm.s32 @p1 $0x1  }
0x15: {  	[smem:$0x3FB3] =	sst s0;
	s0 =	simm.s32 @!p2 $0x0  }
0x16: {  	s3 =	sld [smem:$0x3FDB];
	s0 =	simm.s32 @p2 $0x1  }
0x17: {  	s4 =	simm.s32 $0x1BF5;
	[smem:$0x3FB5] =	sst s0  }
0x18: {  	s0 =	sld [smem:$0x3F98];
	_ =	swait.ge [sflag:s4], $0x0  }
0x19: {  	s7 =	sld [smem:$0x3F99]  }
0x1a: {  	s8 =	sadd.s32 $0xFFFFE003, lr  }
0x1b: {  	s9 =	sadd.s32 $0xFFFFFEF7, lr;
	s5 =	simm.s32 $0xFFFFFFFF;
	p2 =	slt.u32 s8, $0xFFFFF086  }
0x1c: {  	p1 =	slt.u32 s9, $0xF7A;
	s5 =	simm.s32 @!p2 $0x0  }
0x1d: {  	s5 =	simm.s32 @p1 $0x1;
	p0 =	seq.s32 s7, s2  }
0x1e: {  	s7 =	smul.u32 @!p0 $0xF7A, s2;
	p2 =	seq.s32 @!p0 s5, $0x0  }
0x1f: {  	s9 =	smul.u32 $0xF7A, s1;
	s8 =	simm.s32 @!p0 $0x1BF5;
	p2 =	por !p2, p0  }
0x20: {  	[sflag:s8] =	ssyncset.s32 @!p0 $0xFFFFF086;
	s6 =	sadd.s32 @!p0 s3, s7;
	s7 =	simm.s32 @!p0 $0x108  }
0x21: {  	s3 =	sadd.s32 s3, s9;
	s6 =	sadd.s32 @!p0 $0x88, s6;
	s7 =	simm.s32 @p2 $0x1082  }
0x22: {  	[simem:s7], [sflag:s8] =	dma.local @!p0 [hbm:s6], $0xF7A  }
0x23: {  	s9 =	sor.u32 $0xD0000000, s2;
	s6 =	simm.s32 $0x108;
	_ =	swait.ge @!p0 [sflag:s8], $0x0  }
0x24: {  	s3 =	sadd.s32 $0x88, s3;
	s6 =	simm.s32 @!p1 $0x1082;
	[sflag:s4] =	ssyncset.s32 $0xFFFFF086  }
0x25: {  	[simem:s6], [sflag:s4] =	dma.local [hbm:s3], $0xF7A  }
0x26: {  	[smem:$0x3F99] =	sst s1;
	(tag) =	ssettag s2;
	_ =	strace s9  }
0x27: {  	s1 =	sld [smem:$0x3FA9]  }
0x28: {  	s2 =	sld [smem:$0x3FAA]  }
0x29: {  	s4 =	sld [smem:$0x3FAC]  }
0x2a: {  	p0 =	seq.s32 s5, $0x0;
	s5 =	sld [smem:$0x3FAD]  }
0x2b: {  	s6 =	sld [smem:$0x3FAE]  }
0x2c: {  	s7 =	sld [smem:$0x3FAF]  }
0x2d: {  	s3 =	simm.s32 $0x108;
	s8 =	sld [smem:$0x3FB0]  }
0x2e: {  	s3 =	simm.s32 @!p0 $0x1082;
	s9 =	sld [smem:$0x3FB1]  }
0x2f: {  	lr =	sadd.s32 s0, s3;
	s0 =	sld [smem:$0x3FA8]  }
0x30: {  	s3 =	sld [smem:$0x3FAB]  }
0x31: {  	[smem:$0x3FB4] =	sst s10  }
0x32: {  	s10 =	sld [smem:$0x3FB2];
	_ =	sdelay $0x3  }
0x33: {  	p0 =	seq.s32 s10, $0x1;
	s10 =	sld [smem:$0x3FB4];
	_ =	sdelay $0x3  }
0x34: {  	[smem:$0x3FB4] =	sst s10  }
0x35: {  	s10 =	sld [smem:$0x3FB3];
	_ =	sdelay $0x3  }
0x36: {  	p1 =	seq.s32 s10, $0x1;
	s10 =	sld [smem:$0x3FB4];
	_ =	sdelay $0x3  }
0x37: {  	[smem:$0x3FB4] =	sst s10  }
0x38: {  	s10 =	sld [smem:$0x3FB5]  }
0x39: {  	_ = 	snop;
	(pc) =	sbr.ind lr, $3  }
0x3a: {  	_ = 	snop  }
0x3b: {  	_ = 	snop  }
0x3c: {  	p2 =	seq.s32 s10, $0x1;
	s10 =	sld [smem:$0x3FB4]  }
0x3d: {  	_ =	shalt  }
0x3e: {  	_ =	shalt  }
0x3f: {  	_ =	shalt  }
0x40: {  	_ =	shalt  }
0x41: {  	_ =	shalt  }
0x42: {  	_ =	shalt  }
0x43: {  	_ =	shalt  }
0x44: {  	_ =	shalt  }
0x45: {  	_ =	shalt  }
0x46: {  	_ =	shalt  }
0x47: {  	_ =	shalt  }
0x48: {  	_ =	shalt  }
0x49: {  	_ =	shalt  }
0x4a: {  	_ =	shalt  }
0x4b: {  	_ =	shalt  }
0x4c: {  	_ =	shalt  }
0x4d: {  	_ =	shalt  }
0x4e: {  	_ =	shalt  }
0x4f: {  	_ =	shalt  }
0x50: {  	_ =	shalt  }
0x51: {  	_ =	shalt  }
0x52: {  	_ =	shalt  }
0x53: {  	_ =	shalt  }
0x54: {  	_ =	shalt  }
0x55: {  	_ =	shalt  }
0x56: {  	_ =	shalt  }
0x57: {  	_ =	shalt  }
0x58: {  	_ =	shalt  }
0x59: {  	_ =	shalt  }
0x5a: {  	_ =	shalt  }
0x5b: {  	_ =	shalt  }
0x5c: {  	_ =	shalt  }
0x5d: {  	_ =	shalt  }
0x5e: {  	_ =	shalt  }
0x5f: {  	_ =	shalt  }
0x60: {  	_ =	shalt  }
0x61: {  	_ =	shalt  }
0x62: {  	_ =	shalt  }
0x63: {  	_ =	shalt  }
0x64: {  	_ =	shalt  }
0x65: {  	_ =	shalt  }
0x66: {  	_ =	shalt  }
0x67: {  	_ =	shalt  }
0x68: {  	_ =	shalt  }
0x69: {  	_ =	shalt  }
0x6a: {  	_ =	shalt  }
0x6b: {  	_ =	shalt  }
0x6c: {  	_ =	shalt  }
0x6d: {  	_ =	shalt  }
0x6e: {  	_ =	shalt  }
0x6f: {  	_ =	shalt  }
0x70: {  	_ =	shalt  }
0x71: {  	_ =	shalt  }
0x72: {  	_ =	shalt  }
0x73: {  	_ =	shalt  }
0x74: {  	_ =	shalt  }
0x75: {  	_ =	shalt  }
0x76: {  	_ =	shalt  }
0x77: {  	_ =	shalt  }
0x78: {  	_ =	shalt  }
0x79: {  	_ =	shalt  }
0x7a: {  	_ =	shalt  }
0x7b: {  	_ =	shalt  }
0x7c: {  	_ =	shalt  }
0x7d: {  	_ =	shalt  }
0x7e: {  	_ =	shalt  }
0x7f: {  	_ =	shalt  }
0x80: {  	_ =	shalt  }
0x81: {  	_ =	shalt  }
0x82: {  	_ =	shalt  }
0x83: {  	_ =	shalt  }
0x84: {  	_ =	shalt  }
0x85: {  	_ =	shalt  }
0x86: {  	_ =	shalt  }
0x87: {  	_ =	shalt  }
.Lfunc_end0:
.L_simem_size_0:
called_computation_lowered:
.L_overlay_start_0:
0x88: {  	s2 =	sld [smem:$0x3FD9]  }
0x89: {  	s3 =	sld [smem:$0x3FFE];
	_ =	sdelay $0x1  }
0x8a: {  	s1 =	srdreg.scid  }
0x8b: {  	s0 =	sand.u32 $0x1, s1  }
0x8c: {  	s17 =	sshll.u32 s0, $0xA;
	s2 =	sadd.s32 s3, s2  }
0x8d: {  	s2 =	sadd.s32 s2, s17  }
0x8e: {  	[smem:$0x3FC0] =	sst s2  }
0x8f: {  	_ = 	snop  }
0x90: {  	s2 =	sld [smem:$0x3FD0];
	(tm) =	ssettm $0x1  }
0x91: {  	s18 =	sld [smem:$0x3FFB];
	_ =	sdelay $0x3  }
0x92: {  	_ =	strace s18  }
0x93: {  	s3 =	sld [smem:$0x3FFC];
	_ =	sdelay $0x3  }
0x94: {  	_ =	strace s3  }
0x95: {  	s3 =	sld [smem:$0x3FFD];
	_ =	sdelay $0x3  }
0x96: {  	_ =	strace s3  }
0x97: {  	_ =	strace $0x8FFFFFFF  }
0x98: {  	s19 =	sld [smem:$0x3FDB];
	_ =	sdelay $0x1  }
0x99: {  	s4 =	simm.s32 $_scs_section_size  }
0x9a: {  	s5 =	simm.s32 $_size__tile_overlayer_lowered;
	s6 =	simm.s32 $_tile_overlayer_lowered  }
0x9b: {  	s22 =	simm.s32 $0x1BFF;
	s21 =	sshll.u32 s6, $0x1;
	s3 =	sadd.s32 s4, s19  }
0x9c: {  	s7 =	simm.s32 $0x0;
	s20 =	sshll.u32 s5, $0x1;
	s5 =	sadd.s32 s21, s3  }
0x9d: {  	[timem:s7], [sflag:s22] =	dma.local [hbm:s5], s20  }
0x9e: {  	_ =	swait.ge [sflag:s22], s20  }
0x9f: {  	s4 =	ssub.s32 $0x0, s20;
	[sflag:s22] =	ssyncset.done $0x0  }
0xa0: {  	[sflag:s22] =	ssyncadd.s32 s4;
	_ =	sdelay $0x1  }
0xa1: {  	s23 =	simm.s32 $0x1B8B  }
0xa2: {  	_ =	swait.ge [sflag:s23], $0x1  }
0xa3: {  	[sflag:s23] =	ssyncset.done $0x0  }
0xa4: {  	s25 =	simm.s32 $0x1B8E;
	s24 =	sld [smem:$0x3FFE];
	[sflag:s23] =	ssyncadd.s32 $0xFFFFFFFF  }
0xa5: {  	s26 =	simm.s32 $execute0_lowered;
	[smem:$0x3FD2] =	sst s25  }
0xa6: {  	s5 =	sshll.u32 s26, $0x1;
	_ =	strace $0x80000046;
	[dreg:$0x1] =	wrdreg $0xFFFFFFFF  }
0xa7: {  	s28 =	simm.s32 $_size_execute0_lowered;
	s3 =	sadd.s32 s3, s5;
	[dreg:$0x0] =	wrdreg $0x0  }
0xa8: {  	s5 =	sshll.u32 s28, $0x1;
	[dreg:$0x2] =	wrdreg s3  }
0xa9: {  	[dreg:$0x3] =	wrdreg s5  }
0xaa: {  	[dreg:$0x4] =	wrdreg $0xC0  }
0xab: {  	_ =	task [dreg:s7], $0x5FFFF  }
0xac: {  	[dreg:$0x1] =	wrdreg $0xFFFFFFFF  }
0xad: {  	[dreg:$0x0] =	wrdreg $0x60  }
0xae: {  	[dreg:$0x2] =	wrdreg s2  }
0xaf: {  	[dreg:$0x3] =	wrdreg s24  }
0xb0: {  	[dreg:$0x4] =	wrdreg $0x81000  }
0xb1: {  	[dreg:$0x5] =	wrdreg $0x9  }
0xb2: {  	_ =	task.clear_ibuf [dreg:s7], $0x6FFFF;
	_ =	strace $0x90000046  }
0xb3: {  	s29 =	simm.s32 $0x9;
	_ =	strace $0x80000048  }
0xb4: {  	_ =	swait.ge [sflag:s29], $0x1  }
0xb5: {  	[sflag:s29] =	ssyncadd.s32 $0xFFFFFFFF  }
0xb6: {  	_ =	strace $0x90000048  }
0xb7: {  	_ =	sfence  }
0xb8: {  	s30 =	sld [smem:$0x0];
	_ =	sdelay $0x2  }
0xb9: {  	s31 =	sshll.u32 s1, $0xD;
	s1 =	sshrl.u32 s1, $0x2  }
0xba: {  	s3 =	sand.u32 $0x4000, s31;
	s1 =	sadd.s32 s1, s30  }
0xbb: {  	s0 =	sor.u32 s3, s0;
	s1 =	sshll.u32 s1, $0x11  }
0xbc: {  	s0 =	sor.u32 s1, s0  }
0xbd: {  	s0 =	sadd.s32 $0x8F2B, s0  }
0xbe: {  	[sflag:s0] =	ssyncadd.remote.s32 $0x1  }
0xbf: {  	_ =	sfence.sel $0xFFFF  }
0xc0: {  	[dreg:$0x0] =	wrdreg $0xFFFFFFFF;
	(pc) =	sbr.abs _section_cstart, $3  }
0xc1: {  	[dreg:$0x1] =	wrdreg $0xFFFFFFFF  }
0xc2: {  	_ =	task.clear_ibuf [dreg:s7], $0x2FFFF;
	_ =	strace $0x9FFFFFFF  }
0xc3: {  	(tm) =	ssettm $0x7FFFFFFF  }
tec
execute0_lowered:
.L_overlay_start_1:
0x0: {  	(tag) =	ssettag $0x1  }
0x1: {  	s0 =	rddreg [dreg:$0x0]  }
0x2: {  	s1 =	rddreg [dreg:$0x1]  }
0x3: {  	s2 =	rddreg [dreg:$0x2]  }
0x4: {  	s4 =	srdreg.scid;
	s26 =	stileid.u32;
	s3 =	simm.s32 $0x0  }
0x5: {  	s28 =	simm.s32 $0x80;
	s29 =	simm.s32 $0x1;
	s30 =	simm.s32 $0x3  }
0x6: {  	s31 =	simm.s32 $0x0;
	s4 =	sand.u32 $0x1, s4;
	s5 =	sshll.u32 s26, $0x1  }
0x7: {  	[smem:$0x7FF] =	sst s3;
	s18 =	sadd.s32 $0x3E00, s1;
	s9 =	smul.u32 $0x50000, s26  }
0x8: {  	s19 =	sadd.s32 $0x3600, s1;
	p0 =	slt.u32 s26, $0x2;
	s17 =	smul.u32 $0x280, s26  }
0x9: {  	p1 =	sgt.u32 s26, $0x1;
	s6 =	sor.u32 s4, s5;
	_ =	strace $0x80000047  }
0xa: {  	[dreg:$0x4] =	wrdreg s18;
	s8 =	ssub.s32 $0x2, s4;
	s18 =	smul.u32 $0x2800, s26  }
0xb: {  	[dreg:$0x5] =	wrdreg s19;
	s7 =	smul.u32 $0x4E, s6;
	s10 =	sshrl.u32 s8, $0x1  }
0xc: {  	s21 =	smin.u32 s6, $0x4;
	s20 =	sshrl.u32 s9, $0x2;
	s15 =	sadd.s32 $0x80, s17  }
0xd: {  	s16 =	sadd.s32 $0x100, s17;
	s25 =	sadd.s32 $0x180, s17;
	s10 =	ssub.s32 s8, s10  }
0xe: {  	s6 =	sadd.s32 s20, s2;
	s14 =	sshll.u32 s15, $0x7;
	s19 =	sshll.u32 s15, $0x4  }
0xf: {  	s20 =	simm.s32 $0x4600;
	s24 =	sshll.u32 s16, $0x7;
	s5 =	sshll.u32 s25, $0x7  }
0x10: {  	s8 =	sadd.s32 $0x200, s17;
	s7 =	sadd.s32 s21, s7;
	s9 =	smax.u32 s10, $0x1  }
0x11: {  	s10 =	sadd.s32 $0x4000, s6;
	s11 =	sadd.s32 $0x8000, s6;
	s12 =	sadd.s32 $0xC000, s6  }
0x12: {  	s13 =	sadd.s32 $0x10000, s6;
	s14 =	sadd.s32 s14, s2;
	s7 =	sshll.u32 s7, $0x4  }
0x13: {  	s15 =	sadd.s32 s24, s2;
	s24 =	sshll.u32 s25, $0x4;
	s22 =	sadd.s32 s7, s0  }
0x14: {  	s25 =	sshll.u32 s21, $0x4;
	s7 =	simm.s32 $0x4D;
	s23 =	sadd.s32 $0x9C40, s22  }
0x15: {  	s7 =	simm.s32 @!p0 $0x4C;
	p0 =	seq.s32 s4, $0x0;
	s22 =	smul.u32 $0x9C0, s26  }
0x16: {  	s4 =	smul.u32 $0x4E0, s4;
	s26 =	simm.s32 $0x100;
	[dreg:$0x6] =	wrdreg s23  }
0x17: {  	s20 =	simm.s32 @!p0 $0x2C600;
	s23 =	sshll.u32 s16, $0x4;
	s16 =	sadd.s32 s5, s2  }
0x18: {  	s1 =	sadd.s32 s20, s1;
	s0 =	sadd.s32 s22, s0;
	s20 =	sshll.u32 s8, $0x7  }
0x19: {  	s22 =	sshll.u32 s8, $0x4;
	s0 =	sadd.s32 s4, s0;
	s17 =	sadd.s32 s20, s2  }
0x1a: {  	s18 =	sadd.s32 s1, s18;
	s19 =	sadd.s32 s1, s19;
	s20 =	sadd.s32 s1, s23  }
0x1b: {  	s21 =	sadd.s32 s1, s24;
	s22 =	sadd.s32 s1, s22;
	s0 =	sadd.s32 s25, s0  }
0x1c: {  	s24 =	simm.s32 $0x4100;
	s25 =	simm.s32 $0x2;
	s23 =	sadd.s32 $0x9C60, s0  }
.LBB2_1:
0x1d: {  	s0 =	rddreg [dreg:$0x5]  }
0x1e: {  	[tilespmem:s24], [sflag:$0x2] =	stream.linear.gather [hbm4b:s0+s3], $0x4000, $0x38;
	[tilespmem:$0x1C100] =	vst v63  }
0x1f: {  	_ =	swait.ge [sflag:s25], $0x4000  }
0x20: {  	[sflag:s25] =	ssyncset.done $0x0  }
0x21: {  	[sflag:s25] =	ssyncadd.s32 $0xFFFFC000  }
0x22: {  	[spmem:s6] =	stream.linear.scatter [tilespmem:s24], [sflag:$0x2], $0x4000, $0x38;
	[tilespmem:$0x1C100] =	vst v63  }
0x23: {  	_ =	swait.ge [sflag:s25], $0x4000  }
0x24: {  	[sflag:s25] =	ssyncset.done $0x0  }
0x25: {  	[sflag:s25] =	ssyncadd.s32 $0xFFFFC000  }
0x26: {  	[spmem:s10] =	stream.linear.scatter [tilespmem:s24], [sflag:$0x2], $0x4000, $0x38;
	[tilespmem:$0x1C100] =	vst v63  }
0x27: {  	_ =	swait.ge [sflag:s25], $0x4000  }
0x28: {  	[sflag:s25] =	ssyncset.done $0x0  }
0x29: {  	[sflag:s25] =	ssyncadd.s32 $0xFFFFC000  }
0x2a: {  	[spmem:s11] =	stream.linear.scatter [tilespmem:s24], [sflag:$0x2], $0x4000, $0x38;
	[tilespmem:$0x1C100] =	vst v63  }
0x2b: {  	_ =	swait.ge [sflag:s25], $0x4000  }
0x2c: {  	[sflag:s25] =	ssyncset.done $0x0  }
0x2d: {  	[sflag:s25] =	ssyncadd.s32 $0xFFFFC000  }
0x2e: {  	[spmem:s12] =	stream.linear.scatter [tilespmem:s24], [sflag:$0x2], $0x4000, $0x38;
	[tilespmem:$0x1C100] =	vst v63  }
0x2f: {  	_ =	swait.ge [sflag:s25], $0x4000  }
0x30: {  	[sflag:s25] =	ssyncset.done $0x0  }
0x31: {  	[sflag:s25] =	ssyncadd.s32 $0xFFFFC000  }
0x32: {  	[spmem:s13] =	stream.linear.scatter [tilespmem:s24], [sflag:$0x2], $0x4000, $0x38;
	[tilespmem:$0x1C100] =	vst v63  }
0x33: {  	_ =	swait.ge [sflag:s25], $0x4000  }
0x34: {  	[sflag:s25] =	ssyncset.done $0x0  }
0x35: {  	s4 =	rddreg [dreg:$0x4];
	[sflag:s25] =	ssyncadd.s32 $0xFFFFC000  }
0x36: {  	[tilespmem:s26], [sflag:$0x2] =	stream.linear.gather [hbm4b:s4+s3], $0x4000, $0x38;
	[tilespmem:$0x1C100] =	vst v63  }
0x37: {  	_ =	swait.ge [sflag:s25], $0x4000  }
0x38: {  	[sflag:s25] =	ssyncset.done $0x0  }
0x39: {  	[sflag:s25] =	ssyncadd.s32 $0xFFFFC000  }
0x3a: {  	[bflag:$0x0] =	sbarrier.arrive $0xFFFF  }
0x3b: {  	s5 =	rddreg [dreg:$0x6]  }
0x3c: {  	[tilespmem:s3], [sflag:$0x1] =	stream.linear.gather [hbm4b:s5+s3], $0x80, $0x38;
	[tilespmem:$0x1C100] =	vst v63  }
0x3d: {  	s8 =	sadd.s32 $0xFFFFFFF0, s23  }
0x3e: {  	[tilespmem:s28], [sflag:$0x1] =	stream.linear.gather [hbm4b:s8+s3], $0x80, $0x38;
	[tilespmem:$0x1C100] =	vst v63  }
0x3f: {  	_ =	swait.ge [sflag:s29], $0x80  }
0x40: {  	[sflag:s29] =	ssyncset.done $0x0  }
0x41: {  	[sflag:s29] =	ssyncadd.s32 $0xFFFFFF80  }
0x42: {  	[spmem:s2] =	stream.indirect.scatter.add.f32 [tilespmem:s26], [sflag:$0x2], $0x80, s3, s28, $0xb8;
	[tilespmem:$0x1C100] =	vst v63  }
0x43: {  	_ =	swait.ge [sflag:s25], $0x4000  }
0x44: {  	p2 =	sle.u32 s7, $0x0;
	[sflag:s25] =	ssyncset.done $0x0  }
0x45: {  	s0 =	simm.s32 @!p2 $0x0;
	[sflag:s25] =	ssyncadd.s32 $0xFFFFC000  }
0x46: {  	[tilespmem:s0], [sflag:$0x1] =	stream.linear.gather @!p2 [hbm4b:s23+s0], $0x80, $0x38;
	[tilespmem:$0x1C100] =	vst v63  }
0x47: {  	_ =	swait.ge [sflag:s29], $0x80  }
0x48: {  	[sflag:s29] =	ssyncset.done $0x0  }
0x49: {  	[sflag:s29] =	ssyncadd.s32 $0xFFFFFF80  }
0x4a: {  	[spmem:s2] =	stream.indirect.scatter.add.f32 [tilespmem:s26], [sflag:$0x2], $0x80, s28, s28, $0xb8;
	[tilespmem:$0x1C100] =	vst v63  }
0x4b: {  	s1 =	sadd.s32 $0x20, s23;
	_ =	swait.ge [sflag:s25], $0x4000  }
0x4c: {  	s4 =	simm.s32 $0x4;
	s0 =	simm.s32 $0x2;
	[sflag:s25] =	ssyncset.done $0x0  }
.LBB2_2:
0x4d: {  	s5 =	sadd.s32 $0xFFFFFFF0, s1  }
0x4e: {  	[sflag:s25] =	ssyncadd.s32 $0xFFFFC000;
	s8 =	smov.u32 s4;
	s4 =	sadd.s32 $0x2, s4  }
0x4f: {  	[tilespmem:s28], [sflag:$0x1] =	stream.linear.gather [hbm4b:s5+s3], $0x80, $0x38;
	[tilespmem:$0x1C100] =	vst v63  }
0x50: {  	p2 =	sne.s32 s4, $0x4E;
	_ =	swait.ge [sflag:s29], $0x80  }
0x51: {  	[sflag:s29] =	ssyncset.done $0x0  }
0x52: {  	[sflag:s29] =	ssyncadd.s32 $0xFFFFFF80  }
0x53: {  	[spmem:s2] =	stream.indirect.scatter.add.f32 [tilespmem:s26], [sflag:$0x2], $0x80, s3, s28, $0xb8;
	[tilespmem:$0x1C100] =	vst v63  }
0x54: {  	_ =	swait.ge [sflag:s25], $0x4000  }
0x55: {  	p3 =	sge.u32 s0, s7;
	s0 =	smov.u32 s8;
	[sflag:s25] =	ssyncset.done $0x0  }
0x56: {  	s5 =	simm.s32 @!p3 $0x0;
	[sflag:s25] =	ssyncadd.s32 $0xFFFFC000  }
0x57: {  	[tilespmem:s5], [sflag:$0x1] =	stream.linear.gather @!p3 [hbm4b:s1+s5], $0x80, $0x38;
	[tilespmem:$0x1C100] =	vst v63  }
0x58: {  	_ =	swait.ge [sflag:s29], $0x80  }
.Ltmp0:
0x59: {  	[sflag:s29] =	ssyncset.done $0x0;
	(pc) =	sbr.rel @p2 .LBB2_2-.Ltmp0, $4  }
0x5a: {  	[sflag:s29] =	ssyncadd.s32 $0xFFFFFF80  }
0x5b: {  	[spmem:s2] =	stream.indirect.scatter.add.f32 [tilespmem:s26], [sflag:$0x2], $0x80, s28, s28, $0xb8;
	[tilespmem:$0x1C100] =	vst v63  }
0x5c: {  	_ =	swait.ge [sflag:s25], $0x4000  }
0x5d: {  	s1 =	sadd.s32 $0x20, s1;
	[sflag:s25] =	ssyncset.done $0x0  }
0x5e: {  	s4 =	sadd.s32 $0xFFFFFFF0, s1;
	[sflag:s25] =	ssyncadd.s32 $0xFFFFC000  }
0x5f: {  	[tilespmem:s28], [sflag:$0x1] =	stream.linear.gather [hbm4b:s4+s3], $0x80, $0x38;
	[tilespmem:$0x1C100] =	vst v63  }
0x60: {  	_ =	swait.ge [sflag:s29], $0x80  }
0x61: {  	[sflag:s29] =	ssyncset.done $0x0  }
0x62: {  	[sflag:s29] =	ssyncadd.s32 $0xFFFFFF80  }
0x63: {  	[spmem:s2] =	stream.indirect.scatter.add.f32 [tilespmem:s26], [sflag:$0x2], $0x80, s3, s28, $0xb8;
	[tilespmem:$0x1C100] =	vst v63  }
0x64: {  	_ =	swait.ge [sflag:s25], $0x4000  }
0x65: {  	p2 =	sge.u32 s0, s7;
	[sflag:s25] =	ssyncset.done $0x0  }
0x66: {  	s0 =	simm.s32 @!p2 $0x0;
	[sflag:s25] =	ssyncadd.s32 $0xFFFFC000  }
0x67: {  	[tilespmem:s0], [sflag:$0x1] =	stream.linear.gather @!p2 [hbm4b:s1+s0], $0x80, $0x38;
	[tilespmem:$0x1C100] =	vst v63  }
0x68: {  	_ =	swait.ge [sflag:s29], $0x80  }
0x69: {  	[sflag:s29] =	ssyncset.done $0x0  }
0x6a: {  	[sflag:s29] =	ssyncadd.s32 $0xFFFFFF80  }
0x6b: {  	[spmem:s2] =	stream.indirect.scatter.add.f32 [tilespmem:s26], [sflag:$0x2], $0x80, s28, s28, $0xb8;
	[tilespmem:$0x1C100] =	vst v63  }
0x6c: {  	_ =	swait.ge [sflag:s25], $0x4000  }
0x6d: {  	[sflag:s25] =	ssyncset.done $0x0  }
0x6e: {  	s0 =	simm.s32 @!p1 $0x1;
	[sflag:s25] =	ssyncadd.s32 $0xFFFFC000  }
0x6f: {  	_ =	swait.ge @!p1 [sflag:s0], $0x80  }
0x70: {  	s4 =	simm.s32 @!p1 $0x100;
	[sflag:s0] =	ssyncset.done @!p1 $0x0  }
0x71: {  	s1 =	simm.s32 @!p1 $0x0;
	[sflag:s0] =	ssyncadd.s32 @!p1 $0xFFFFFF80;
	s0 =	simm.s32 @!p1 $0x80  }
0x72: {  	[spmem:s2] =	stream.indirect.scatter.add.f32 @!p1 [tilespmem:s4], [sflag:$0x2], $0x80, s1, s0, $0xb8;
	[tilespmem:$0x1C100] =	vst v63  }
0x73: {  	s0 =	simm.s32 @!p1 $0x2  }
0x74: {  	_ =	swait.ge @!p1 [sflag:s0], $0x4000  }
0x75: {  	[sflag:s0] =	ssyncset.done @!p1 $0x0  }
0x76: {  	[sflag:s0] =	ssyncadd.s32 @!p1 $0xFFFFC000  }
0x77: {  	[bflag:$0x0] =	sbarrier.arrive $0xFFFF  }
0x78: {  	[tilespmem:s24], [sflag:$0x3] =	stream.linear.gather [spmem:s6], $0x4000, $0x38;
	[tilespmem:$0x1C100] =	vst v63  }
0x79: {  	_ =	swait.ge [sflag:s30], $0x4000  }
0x7a: {  	s0 =	simm.s32 $0x3;
	[sflag:s30] =	ssyncset.done $0x0  }
0x7b: {  	s0 =	simm.s32 @!p0 $0x2;
	[sflag:s30] =	ssyncadd.s32 $0xFFFFC000  }
0x7c: {  	[hbm4b:s18+s3] =	stream.linear.scatter [tilespmem:s24], [sflag:s0], $0x4000, $0x38;
	[tilespmem:$0x1C100] =	vst v63  }
0x7d: {  	_ =	swait.ge [sflag:s0], $0x4000  }
0x7e: {  	[sflag:s0] =	ssyncset.done $0x0  }
0x7f: {  	[sflag:s0] =	ssyncadd.s32 $0xFFFFC000  }
0x80: {  	[tilespmem:s24], [sflag:$0x3] =	stream.linear.gather [spmem:s14], $0x4000, $0x38;
	[tilespmem:$0x1C100] =	vst v63  }
0x81: {  	_ =	swait.ge [sflag:s30], $0x4000  }
0x82: {  	[sflag:s30] =	ssyncset.done $0x0  }
0x83: {  	[sflag:s30] =	ssyncadd.s32 $0xFFFFC000  }
0x84: {  	[hbm4b:s19+s3] =	stream.linear.scatter [tilespmem:s24], [sflag:s0], $0x4000, $0x38;
	[tilespmem:$0x1C100] =	vst v63  }
0x85: {  	_ =	swait.ge [sflag:s0], $0x4000  }
0x86: {  	[sflag:s0] =	ssyncset.done $0x0  }
0x87: {  	[sflag:s0] =	ssyncadd.s32 $0xFFFFC000  }
0x88: {  	[tilespmem:s24], [sflag:$0x3] =	stream.linear.gather [spmem:s15], $0x4000, $0x38;
	[tilespmem:$0x1C100] =	vst v63  }
0x89: {  	_ =	swait.ge [sflag:s30], $0x4000  }
0x8a: {  	[sflag:s30] =	ssyncset.done $0x0  }
0x8b: {  	[sflag:s30] =	ssyncadd.s32 $0xFFFFC000  }
0x8c: {  	[hbm4b:s20+s3] =	stream.linear.scatter [tilespmem:s24], [sflag:s0], $0x4000, $0x38;
	[tilespmem:$0x1C100] =	vst v63  }
0x8d: {  	_ =	swait.ge [sflag:s0], $0x4000  }
0x8e: {  	[sflag:s0] =	ssyncset.done $0x0  }
0x8f: {  	[sflag:s0] =	ssyncadd.s32 $0xFFFFC000  }
0x90: {  	[tilespmem:s24], [sflag:$0x3] =	stream.linear.gather [spmem:s16], $0x4000, $0x38;
	[tilespmem:$0x1C100] =	vst v63  }
0x91: {  	_ =	swait.ge [sflag:s30], $0x4000  }
0x92: {  	[sflag:s30] =	ssyncset.done $0x0  }
0x93: {  	[sflag:s30] =	ssyncadd.s32 $0xFFFFC000  }
0x94: {  	[hbm4b:s21+s3] =	stream.linear.scatter [tilespmem:s24], [sflag:s0], $0x4000, $0x38;
	[tilespmem:$0x1C100] =	vst v63  }
0x95: {  	_ =	swait.ge [sflag:s0], $0x4000  }
0x96: {  	[sflag:s0] =	ssyncset.done $0x0  }
0x97: {  	[sflag:s0] =	ssyncadd.s32 $0xFFFFC000  }
0x98: {  	[tilespmem:s24], [sflag:$0x3] =	stream.linear.gather [spmem:s17], $0x4000, $0x38;
	[tilespmem:$0x1C100] =	vst v63  }
0x99: {  	s31 =	sadd.s32 $0x1, s31;
	_ =	swait.ge [sflag:s30], $0x4000  }
0x9a: {  	p2 =	sne.s32 s31, s9;
	[sflag:s30] =	ssyncset.done $0x0  }
.Ltmp1:
0x9b: {  	[sflag:s30] =	ssyncadd.s32 $0xFFFFC000;
	(pc) =	sbr.rel @p2 .LBB2_1-.Ltmp1, $4  }
0x9c: {  	[hbm4b:s22+s3] =	stream.linear.scatter [tilespmem:s24], [sflag:s0], $0x4000, $0x38;
	[tilespmem:$0x1C100] =	vst v63  }
0x9d: {  	_ =	swait.ge [sflag:s0], $0x4000  }
0x9e: {  	[sflag:s0] =	ssyncset.done $0x0  }
0x9f: {  	[sflag:s0] =	ssyncadd.s32 $0xFFFFC000  }
0xa0: {  	_ =	sfence.sel $0x180000  }
0xa1: {  	[bflag:$0x0] =	sbarrier.arrive $0xFFFF  }
0xa2: {  	_ =	strace $0x90000047  }
0xa3: {  	s0 =	stileid.u32;
	[bflag:$0x2] =	sbarrier.arrive $0xFFFF  }
0xa4: {  	p0 =	sne.s32 s0, $0x0;
	s0 =	rddreg [dreg:$0x3]  }
0xa5: {  	s0 =	sadd.s32 @!p0 $0x100000, s0  }
0xa6: {  	[sflag:s0] =	ssyncadd.tile.s32 @!p0 $0x1;
	_ =	shalt  }
.Lfunc_end2:
_tile_overlayer_lowered:
.L_overlay_start_2:
0xa7: {  	(tag) =	ssettag $0x2  }
0xa8: {  	s0 =	rddreg [dreg:$0x0];
	s2 =	stileid.u32  }
0xa9: {  	s1 =	rddreg [dreg:$0x1];
	p0 =	sne.s32 s2, $0x0  }
0xaa: {  	s3 =	rddreg [dreg:$0x2];
	[bflag:$0x3] =	sbarrier.arrive $0xFFFF;
	s2 =	simm.s32 @!p0 $0x1C02  }
0xab: {  	[timem:s3], [sflag:s2] =	dma.local @!p0 [hbm:s0], s1  }
0xac: {  	s0 =	simm.s32 @!p0 $0x2  }
0xad: {  	_ =	swait.ge @!p0 [sflag:s0], s1  }
0xae: {  	s1 =	ssub.s32 @!p0 $0x0, s1;
	[sflag:s0] =	ssyncset.done @!p0 $0x0  }
0xaf: {  	[sflag:s0] =	ssyncadd.s32 @!p0 s1  }
0xb0: {  	[bflag:$0x3] =	sbarrier.arrive $0xFFFF  }
0xb1: {  	_ =	shalt  }

</sc_bundles>
